<compile_context>
chip_gen: v7x
topology: tpu7x:2x2x1
jax: 0.10.2.dev20260603
libtpu: 0.0.44.dev20260713+nightly
codegen_flags: <defaults>
</compile_context>

<pallas_src>
import jax
import jax.numpy as jnp
import numpy as np
from jax.experimental import pallas as pl
from jax.experimental.pallas import tpu as pltpu

_BBOX_STD = np.array([0.1, 0.1, 0.2, 0.2], dtype=np.float32)
_PRE = 6000
_NPAD = 6144
_BLK = 512
_NBLK = _NPAD // _BLK
_COUNT = 1000
_OUTPAD = 1024
_THR = 0.7


def _nms_body(rows_ref, cols_ref, out_ref, mcol_ref, keep_ref):
    rows = rows_ref[0]

    for i in range(_NBLK):
        c0 = i * _BLK
        y1c = rows[0:1, c0:c0 + _BLK]
        x1c = rows[1:2, c0:c0 + _BLK]
        y2c = rows[2:3, c0:c0 + _BLK]
        x2c = rows[3:4, c0:c0 + _BLK]
        area_c = jnp.maximum(y2c - y1c, 0.0) * jnp.maximum(x2c - x1c, 0.0)

        def cross_body(j, smax):
            pb = mcol_ref[pl.ds(j * _BLK, _BLK), :]
            y1p, x1p = pb[:, 0:1], pb[:, 1:2]
            y2p, x2p = pb[:, 2:3], pb[:, 3:4]
            area_p = jnp.maximum(y2p - y1p, 0.0) * jnp.maximum(x2p - x1p, 0.0)
            yy1 = jnp.maximum(y1p, y1c)
            xx1 = jnp.maximum(x1p, x1c)
            yy2 = jnp.minimum(y2p, y2c)
            xx2 = jnp.minimum(x2p, x2c)
            inter = jnp.maximum(yy2 - yy1, 0.0) * jnp.maximum(xx2 - xx1, 0.0)
            iou = inter / (area_p + area_c - inter + 1e-8)
            hit = jnp.max(jnp.where(iou > _THR, 1.0, 0.0), axis=0, keepdims=True)
            return jnp.maximum(smax, hit)

        scross = jnp.zeros((1, _BLK), jnp.float32)
        if i > 0:
            scross = jax.lax.fori_loop(0, i, cross_body, scross)
        base = 1.0 - scross

        sb = cols_ref[0, c0:c0 + _BLK, :]
        y1p, x1p = sb[:, 0:1], sb[:, 1:2]
        y2p, x2p = sb[:, 2:3], sb[:, 3:4]
        area_p = jnp.maximum(y2p - y1p, 0.0) * jnp.maximum(x2p - x1p, 0.0)
        yy1 = jnp.maximum(y1p, y1c)
        xx1 = jnp.maximum(x1p, x1c)
        yy2 = jnp.minimum(y2p, y2c)
        xx2 = jnp.minimum(x2p, x2c)
        inter = jnp.maximum(yy2 - yy1, 0.0) * jnp.maximum(xx2 - xx1, 0.0)
        iou = inter / (area_p + area_c - inter + 1e-8)
        pio = jax.lax.broadcasted_iota(jnp.int32, (_BLK, _BLK), 0)
        cio = jax.lax.broadcasted_iota(jnp.int32, (_BLK, _BLK), 1)
        m_sup = jnp.where((iou > _THR) & (pio < cio), 1.0, 0.0)

        def fix_cond(st):
            return st[1]

        def fix_body(st):
            alive, _ = st
            s = jnp.dot(alive, m_sup, preferred_element_type=jnp.float32)
            new_alive = jnp.where(s > 0.5, 0.0, base)
            return new_alive, jnp.any(new_alive != alive)

        s0 = jnp.dot(base, m_sup, preferred_element_type=jnp.float32)
        alive1 = jnp.where(s0 > 0.5, 0.0, base)
        alive, _ = jax.lax.while_loop(
            fix_cond, fix_body, (alive1, jnp.any(alive1 != base)))

        keep_ref[0:1, c0:c0 + _BLK] = alive

        ident = jnp.where(pio == cio, 1.0, 0.0)
        alive_col = jnp.sum(ident * alive, axis=1, keepdims=True)
        mcol_ref[c0:c0 + _BLK, :] = sb * alive_col

    pio2 = jax.lax.broadcasted_iota(jnp.int32, (_BLK, _BLK), 0)
    cio2 = jax.lax.broadcasted_iota(jnp.int32, (_BLK, _BLK), 1)
    ut = jnp.where(pio2 <= cio2, 1.0, 0.0)
    oio = jax.lax.broadcasted_iota(jnp.int32, (_OUTPAD, _BLK), 0)

    def compact_body(cb, carry):
        run = carry
        kb = keep_ref[0:1, pl.ds(cb * _BLK, _BLK)]
        cum = jnp.dot(kb, ut, preferred_element_type=jnp.float32) + run
        kr = jnp.where(kb > 0.5, cum - 1.0, -5.0).astype(jnp.int32)
        p3 = jnp.where(kr == oio, 1.0, 0.0)
        src = cols_ref[0, pl.ds(cb * _BLK, _BLK), :]
        out_ref[0] = out_ref[0] + jnp.dot(
            p3, src, preferred_element_type=jnp.float32)
        return run + jnp.sum(kb)

    out_ref[...] = jnp.zeros_like(out_ref)
    jax.lax.fori_loop(0, _NBLK, compact_body, jnp.float32(0.0))


def _nms_keep(boxes_rows, boxes_cols, interpret=False):
    return pl.pallas_call(
        _nms_body,
        grid=(boxes_rows.shape[0],),
        in_specs=[
            pl.BlockSpec((1, 4, _NPAD), lambda b: (b, 0, 0)),
            pl.BlockSpec((1, _NPAD, 4), lambda b: (b, 0, 0)),
        ],
        out_specs=pl.BlockSpec((1, _OUTPAD, 4), lambda b: (b, 0, 0)),
        out_shape=jax.ShapeDtypeStruct(
            (boxes_rows.shape[0], _OUTPAD, 4), jnp.float32),
        scratch_shapes=[
            pltpu.VMEM((_NPAD, 4), jnp.float32),
            pltpu.VMEM((1, _NPAD), jnp.float32),
        ],
        interpret=interpret,
    )(boxes_rows, boxes_cols)


def _apply_deltas_clip(anchors_k, deltas_k):
    height = anchors_k[..., 2] - anchors_k[..., 0]
    width = anchors_k[..., 3] - anchors_k[..., 1]
    center_y = anchors_k[..., 0] + 0.5 * height
    center_x = anchors_k[..., 1] + 0.5 * width
    center_y = center_y + deltas_k[..., 0] * height
    center_x = center_x + deltas_k[..., 1] * width
    height = height * jnp.exp(deltas_k[..., 2])
    width = width * jnp.exp(deltas_k[..., 3])
    y1 = center_y - 0.5 * height
    x1 = center_x - 0.5 * width
    y2 = y1 + height
    x2 = x1 + width
    boxes = jnp.stack([y1, x1, y2, x2], axis=-1)
    return jnp.clip(boxes, 0.0, 1.0)


def kernel(classes, bboxes, anchors):
    scores = classes[:, :, 1]
    deltas = bboxes * jnp.asarray(_BBOX_STD).reshape(1, 1, 4)
    _, ix = jax.lax.top_k(scores, _PRE)
    deltas_k = jnp.take_along_axis(deltas, ix[..., None], axis=1)
    anchors_k = jnp.take_along_axis(anchors, ix[..., None], axis=1)
    boxes = _apply_deltas_clip(anchors_k, deltas_k)

    boxes_p = jnp.pad(boxes, ((0, 0), (0, _NPAD - _PRE), (0, 0)))
    out = _nms_keep(boxes_p.transpose(0, 2, 1), boxes_p)
    return out[:, :_COUNT, :]

# --- scband reference (transcript-rebuilt; emitter-appended) ---
"""Pipeline reference for scband-proposal-layer-8014408974406 (READ-ONLY COPY).

The authoritative reference and input builder live on the scoring server;
editing this copy changes nothing except your own understanding.
"""

import jax, jax.numpy as jnp
import numpy as np

RPN_BBOX_STD_DEV = np.array([0.1, 0.1, 0.2, 0.2], dtype=np.float32)
PRE_NMS_LIMIT = 6000
PROPOSAL_COUNT = 1000
NMS_THRESHOLD = 0.7
BATCH = 2
NUM_ANCHORS = 20000


def setup_inputs(seed: int = 0):
    key = jax.random.key(seed)
    k1, k2, k3 = jax.random.split(key, 3)
    classes = jax.random.uniform(k1, (BATCH, NUM_ANCHORS, 2), dtype=jnp.float32)
    bboxes = jax.random.normal(k2, (BATCH, NUM_ANCHORS, 4), dtype=jnp.float32)
    anchors = jax.random.uniform(k3, (BATCH, NUM_ANCHORS, 4), dtype=jnp.float32)
    return {"classes": classes, "bboxes": bboxes, "anchors": anchors}


def _apply_box_deltas(boxes, deltas):
    # boxes: [N, (y1, x1, y2, x2)], deltas: [N, (dy, dx, log(dh), log(dw))]
    height = boxes[:, 2] - boxes[:, 0]
    width = boxes[:, 3] - boxes[:, 1]
    center_y = boxes[:, 0] + 0.5 * height
    center_x = boxes[:, 1] + 0.5 * width
    center_y = center_y + deltas[:, 0] * height
    center_x = center_x + deltas[:, 1] * width
    height = height * jnp.exp(deltas[:, 2])
    width = width * jnp.exp(deltas[:, 3])
    y1 = center_y - 0.5 * height
    x1 = center_x - 0.5 * width
    y2 = y1 + height
    x2 = x1 + width
    return jnp.stack([y1, x1, y2, x2], axis=1)


def _clip_boxes(boxes):
    return jnp.clip(boxes, 0.0, 1.0)


def _greedy_nms_keep(boxes, iou_threshold):
    # boxes assumed sorted by score descending; returns boolean keep mask
    n = boxes.shape[0]
    y1, x1, y2, x2 = boxes[:, 0], boxes[:, 1], boxes[:, 2], boxes[:, 3]
    areas = jnp.maximum(y2 - y1, 0.0) * jnp.maximum(x2 - x1, 0.0)
    idxs = jnp.arange(n)

    def body(suppressed, i):
        yy1 = jnp.maximum(y1[i], y1)
        xx1 = jnp.maximum(x1[i], x1)
        yy2 = jnp.minimum(y2[i], y2)
        xx2 = jnp.minimum(x2[i], x2)
        inter = jnp.maximum(yy2 - yy1, 0.0) * jnp.maximum(xx2 - xx1, 0.0)
        iou = inter / (areas[i] + areas - inter + 1e-8)
        active = jnp.logical_not(suppressed[i])
        new_supp = jnp.logical_or(
            suppressed,
            jnp.logical_and(jnp.logical_and(active, iou > iou_threshold), idxs > i),
        )
        return new_supp, None

    suppressed, _ = jax.lax.scan(body, jnp.zeros(n, dtype=bool), idxs)
    return jnp.logical_not(suppressed)


def _proposal_single(scores, deltas, anchors):
    pre_nms_limit = min(PRE_NMS_LIMIT, scores.shape[0])
    top_scores, ix = jax.lax.top_k(scores, pre_nms_limit)
    deltas_k = jnp.take(deltas, ix, axis=0)
    anchors_k = jnp.take(anchors, ix, axis=0)
    boxes = _clip_boxes(_apply_box_deltas(anchors_k, deltas_k))
    keep = _greedy_nms_keep(jax.lax.stop_gradient(boxes), NMS_THRESHOLD)
    # stable argsort puts kept boxes (in score order) first
    order = jnp.argsort(jnp.logical_not(keep).astype(jnp.int32))
    sel = order[:PROPOSAL_COUNT]
    valid = jnp.take(keep, sel).astype(boxes.dtype)
    proposals = jnp.take(boxes, sel, axis=0) * valid[:, None]
    return proposals


def reference(classes, bboxes, anchors):
    # foreground probability
    scores = classes[:, :, 1]
    deltas = bboxes * jnp.asarray(RPN_BBOX_STD_DEV).reshape(1, 1, 4)
    return jax.vmap(_proposal_single)(scores, deltas, anchors)

if __name__ == "__main__":
    import jax
    _d = setup_inputs()
    print(jax.jit(kernel)(*tuple(_d.values())))

</pallas_src>

<mosaic_0001>
module attributes {stable_mosaic.version = 14 : i64} {
  func.func @_nms_body(%arg0: i32, %arg1: memref<1x4x6144xf32, #tpu.memory_space<vmem>>, %arg2: memref<1x6144x4xf32, #tpu.memory_space<vmem>>, %arg3: memref<1x1024x4xf32, #tpu.memory_space<vmem>>, %arg4: memref<6144x4xf32, #tpu.memory_space<vmem>>, %arg5: memref<1x6144xf32, #tpu.memory_space<vmem>>) attributes {dimension_semantics = [#tpu.dimension_semantics<arbitrary>], iteration_bounds = array<i64: 2>, scalar_prefetch = 0 : i64, scratch_operands = 2 : i64, tpu.core_type = #tpu.core_type<tc>, window_params = [{transform_indices = @transform_0, window_bounds = array<i64: 1, 4, 6144>}, {transform_indices = @transform_1, window_bounds = array<i64: 1, 6144, 4>}, {transform_indices = @transform_2, window_bounds = array<i64: 1, 1024, 4>}]} {
    %get3A = arith.constant 0 : index
    %get3A_0 = arith.constant 0 : index
    %get3A_1 = arith.constant 0 : index
    %get3A_2 = vector.load %arg1[%get3A, %get3A_0, %get3A_1] : memref<1x4x6144xf32, #tpu.memory_space<vmem>>, vector<1x4x6144xf32>
    %get3A_3 = vector.shape_cast %get3A_2 : vector<1x4x6144xf32> to vector<4x6144xf32>
    %slice3A = vector.extract_strided_slice %get3A_3 {offsets = [0, 0], sizes = [1, 512], strides = [1, 1]} : vector<4x6144xf32> to vector<1x512xf32>
    %slice3A_4 = vector.extract_strided_slice %get3A_3 {offsets = [1, 0], sizes = [1, 512], strides = [1, 1]} : vector<4x6144xf32> to vector<1x512xf32>
    %slice3A_5 = vector.extract_strided_slice %get3A_3 {offsets = [2, 0], sizes = [1, 512], strides = [1, 1]} : vector<4x6144xf32> to vector<1x512xf32>
    %slice3A_6 = vector.extract_strided_slice %get3A_3 {offsets = [3, 0], sizes = [1, 512], strides = [1, 1]} : vector<4x6144xf32> to vector<1x512xf32>
    %sub3A = arith.subf %slice3A_5, %slice3A : vector<1x512xf32>
    %max3A = arith.constant 0.000000e+00 : f32
    %max3A_7 = vector.broadcast %max3A : f32 to vector<1x512xf32>
    %max3A_8 = arith.maximumf %sub3A, %max3A_7 : vector<1x512xf32>
    %sub3A_9 = arith.subf %slice3A_6, %slice3A_4 : vector<1x512xf32>
    %max3A_10 = arith.constant 0.000000e+00 : f32
    %max3A_11 = vector.broadcast %max3A_10 : f32 to vector<1x512xf32>
    %max3A_12 = arith.maximumf %sub3A_9, %max3A_11 : vector<1x512xf32>
    %mul3A = arith.mulf %max3A_8, %max3A_12 : vector<1x512xf32>
    %broadcast_in_dim3A = arith.constant 0.000000e+00 : f32
    %broadcast_in_dim3A_13 = vector.broadcast %broadcast_in_dim3A : f32 to vector<1x512xf32>
    %sub3A_14 = arith.constant 1.000000e+00 : f32
    %sub3A_15 = vector.broadcast %sub3A_14 : f32 to vector<1x512xf32>
    %sub3A_16 = arith.subf %sub3A_15, %broadcast_in_dim3A_13 : vector<1x512xf32>
    %get3A_17 = arith.constant 0 : index
    %get3A_18 = arith.constant 0 : index
    %get3A_19 = arith.constant 0 : index
    %get3A_20 = vector.load %arg2[%get3A_17, %get3A_18, %get3A_19] : memref<1x6144x4xf32, #tpu.memory_space<vmem>>, vector<1x512x4xf32>
    %get3A_21 = vector.shape_cast %get3A_20 : vector<1x512x4xf32> to vector<512x4xf32>
    %slice3A_22 = vector.extract_strided_slice %get3A_21 {offsets = [0, 0], sizes = [512, 1], strides = [1, 1]} : vector<512x4xf32> to vector<512x1xf32>
    %slice3A_23 = vector.extract_strided_slice %get3A_21 {offsets = [0, 1], sizes = [512, 1], strides = [1, 1]} : vector<512x4xf32> to vector<512x1xf32>
    %slice3A_24 = vector.extract_strided_slice %get3A_21 {offsets = [0, 2], sizes = [512, 1], strides = [1, 1]} : vector<512x4xf32> to vector<512x1xf32>
    %slice3A_25 = vector.extract_strided_slice %get3A_21 {offsets = [0, 3], sizes = [512, 1], strides = [1, 1]} : vector<512x4xf32> to vector<512x1xf32>
    %sub3A_26 = arith.subf %slice3A_24, %slice3A_22 : vector<512x1xf32>
    %max3A_27 = arith.constant 0.000000e+00 : f32
    %max3A_28 = vector.broadcast %max3A_27 : f32 to vector<512x1xf32>
    %max3A_29 = arith.maximumf %sub3A_26, %max3A_28 : vector<512x1xf32>
    %sub3A_30 = arith.subf %slice3A_25, %slice3A_23 : vector<512x1xf32>
    %max3A_31 = arith.constant 0.000000e+00 : f32
    %max3A_32 = vector.broadcast %max3A_31 : f32 to vector<512x1xf32>
    %max3A_33 = arith.maximumf %sub3A_30, %max3A_32 : vector<512x1xf32>
    %mul3A_34 = arith.mulf %max3A_29, %max3A_33 : vector<512x1xf32>
    %max3A_35 = vector.broadcast %slice3A_22 : vector<512x1xf32> to vector<512x512xf32>
    %max3A_36 = vector.broadcast %slice3A : vector<1x512xf32> to vector<512x512xf32>
    %max3A_37 = arith.maximumf %max3A_35, %max3A_36 : vector<512x512xf32>
    %max3A_38 = vector.broadcast %slice3A_23 : vector<512x1xf32> to vector<512x512xf32>
    %max3A_39 = vector.broadcast %slice3A_4 : vector<1x512xf32> to vector<512x512xf32>
    %max3A_40 = arith.maximumf %max3A_38, %max3A_39 : vector<512x512xf32>
    %min3A = vector.broadcast %slice3A_24 : vector<512x1xf32> to vector<512x512xf32>
    %min3A_41 = vector.broadcast %slice3A_5 : vector<1x512xf32> to vector<512x512xf32>
    %min3A_42 = arith.minimumf %min3A, %min3A_41 : vector<512x512xf32>
    %min3A_43 = vector.broadcast %slice3A_25 : vector<512x1xf32> to vector<512x512xf32>
    %min3A_44 = vector.broadcast %slice3A_6 : vector<1x512xf32> to vector<512x512xf32>
    %min3A_45 = arith.minimumf %min3A_43, %min3A_44 : vector<512x512xf32>
    %sub3A_46 = arith.subf %min3A_42, %max3A_37 : vector<512x512xf32>
    %max3A_47 = arith.constant 0.000000e+00 : f32
    %max3A_48 = vector.broadcast %max3A_47 : f32 to vector<512x512xf32>
    %max3A_49 = arith.maximumf %sub3A_46, %max3A_48 : vector<512x512xf32>
    %sub3A_50 = arith.subf %min3A_45, %max3A_40 : vector<512x512xf32>
    %max3A_51 = arith.constant 0.000000e+00 : f32
    %max3A_52 = vector.broadcast %max3A_51 : f32 to vector<512x512xf32>
    %max3A_53 = arith.maximumf %sub3A_50, %max3A_52 : vector<512x512xf32>
    %mul3A_54 = arith.mulf %max3A_49, %max3A_53 : vector<512x512xf32>
    %add3A = vector.broadcast %mul3A_34 : vector<512x1xf32> to vector<512x512xf32>
    %add3A_55 = vector.broadcast %mul3A : vector<1x512xf32> to vector<512x512xf32>
    %add3A_56 = arith.addf %add3A, %add3A_55 : vector<512x512xf32>
    %sub3A_57 = arith.subf %add3A_56, %mul3A_54 : vector<512x512xf32>
    %add3A_58 = arith.constant 9.99999993E-9 : f32
    %add3A_59 = vector.broadcast %add3A_58 : f32 to vector<512x512xf32>
    %add3A_60 = arith.addf %sub3A_57, %add3A_59 : vector<512x512xf32>
    %div3A = arith.divf %mul3A_54, %add3A_60 : vector<512x512xf32>
    %iota3A = tpu.iota {dimensions = array<i32: 0>} : vector<512x512xi32>
    %iota3A_61 = tpu.iota {dimensions = array<i32: 1>} : vector<512x512xi32>
    %gt3A = arith.constant 0.699999988 : f32
    %gt3A_62 = vector.broadcast %gt3A : f32 to vector<512x512xf32>
    %gt3A_63 = arith.cmpf ogt, %div3A, %gt3A_62 : vector<512x512xf32>
    %lt3A = arith.cmpi slt, %iota3A, %iota3A_61 : vector<512x512xi32>
    %and3A = arith.andi %gt3A_63, %lt3A : vector<512x512xi1>
    %jit3A = arith.constant 1.000000e+00 : f32
    %jit3A_64 = arith.constant 0.000000e+00 : f32
    %broadcast_in_dim3A_65 = vector.broadcast %jit3A : f32 to vector<512x512xf32>
    %broadcast_in_dim3A_66 = vector.broadcast %jit3A_64 : f32 to vector<512x512xf32>
    %select_n3A = arith.select %and3A, %broadcast_in_dim3A_65, %broadcast_in_dim3A_66 : vector<512x512xi1>, vector<512x512xf32>
    %dot_general3A = arith.constant dense<0.000000e+00> : vector<1x512xf32>
    %dot_general3A_67 = tpu.matmul %sub3A_16, %select_n3A, %dot_general3A {dimension_numbers = #tpu.dot_dimension_numbers<[1], [0], [0], [1], [0, 0, 1, 1], [], []>, transpose_lhs_hint = false} : vector<1x512xf32>, vector<512x512xf32>, vector<1x512xf32> -> vector<1x512xf32>
    %gt3A_68 = arith.constant 5.000000e-01 : f32
    %gt3A_69 = vector.broadcast %gt3A_68 : f32 to vector<1x512xf32>
    %gt3A_70 = arith.cmpf ogt, %dot_general3A_67, %gt3A_69 : vector<1x512xf32>
    %jit3A_71 = arith.constant 0.000000e+00 : f32
    %broadcast_in_dim3A_72 = vector.broadcast %jit3A_71 : f32 to vector<1x512xf32>
    %select_n3A_73 = arith.select %gt3A_70, %broadcast_in_dim3A_72, %sub3A_16 : vector<1x512xi1>, vector<1x512xf32>
    %ne3A = arith.cmpf one, %select_n3A_73, %sub3A_16 : vector<1x512xf32>
    %reduce_or3A = arith.constant 1.000000e+00 : f32
    %reduce_or3A_74 = arith.constant 0.000000e+00 : f32
    %reduce_or3A_75 = vector.broadcast %reduce_or3A : f32 to vector<1x512xf32>
    %reduce_or3A_76 = vector.broadcast %reduce_or3A_74 : f32 to vector<1x512xf32>
    %reduce_or3A_77 = arith.select %ne3A, %reduce_or3A_75, %reduce_or3A_76 : vector<1x512xi1>, vector<1x512xf32>
    %reduce_or3A_78 = vector.shape_cast %reduce_or3A_77 : vector<1x512xf32> to vector<1x1x512xf32>
    %reduce_or3A_79 = arith.constant dense<0xFF800000> : vector<1xf32>
    %reduce_or3A_80 = vector.multi_reduction <maximumf>, %reduce_or3A_78, %reduce_or3A_79 [1, 2] : vector<1x1x512xf32> to vector<1xf32>
    %reduce_or3A_81 = vector.shape_cast %reduce_or3A_80 : vector<1xf32> to vector<1x1x1xf32>
    %reduce_or3A_82 = vector.extract %reduce_or3A_81[0, 0, 0] : f32 from vector<1x1x1xf32>
    %reduce_or3A_83 = arith.constant 0.000000e+00 : f32
    %reduce_or3A_84 = arith.cmpf ogt, %reduce_or3A_82, %reduce_or3A_83 : f32
    %while3A:2 = scf.while (%while3A_1539 = %select_n3A_73, %while3A_1540 = %reduce_or3A_84) : (vector<1x512xf32>, i1) -> (vector<1x512xf32>, i1) {
      scf.condition(%while3A_1540) %while3A_1539, %while3A_1540 : vector<1x512xf32>, i1
    } do {
    ^bb0(%while3A_1539: vector<1x512xf32>, %while3A_1540: i1):
      %dot_general3A_1541 = arith.constant dense<0.000000e+00> : vector<1x512xf32>
      %dot_general3A_1542 = tpu.matmul %while3A_1539, %select_n3A, %dot_general3A_1541 {dimension_numbers = #tpu.dot_dimension_numbers<[1], [0], [0], [1], [0, 0, 1, 1], [], []>, transpose_lhs_hint = false} : vector<1x512xf32>, vector<512x512xf32>, vector<1x512xf32> -> vector<1x512xf32>
      %gt3A_1543 = arith.constant 5.000000e-01 : f32
      %gt3A_1544 = vector.broadcast %gt3A_1543 : f32 to vector<1x512xf32>
      %gt3A_1545 = arith.cmpf ogt, %dot_general3A_1542, %gt3A_1544 : vector<1x512xf32>
      %jit3A_1546 = arith.constant 0.000000e+00 : f32
      %broadcast_in_dim3A_1547 = vector.broadcast %jit3A_1546 : f32 to vector<1x512xf32>
      %select_n3A_1548 = arith.select %gt3A_1545, %broadcast_in_dim3A_1547, %sub3A_16 : vector<1x512xi1>, vector<1x512xf32>
      %ne3A_1549 = arith.cmpf one, %select_n3A_1548, %while3A_1539 : vector<1x512xf32>
      %reduce_or3A_1550 = arith.constant 1.000000e+00 : f32
      %reduce_or3A_1551 = arith.constant 0.000000e+00 : f32
      %reduce_or3A_1552 = vector.broadcast %reduce_or3A_1550 : f32 to vector<1x512xf32>
      %reduce_or3A_1553 = vector.broadcast %reduce_or3A_1551 : f32 to vector<1x512xf32>
      %reduce_or3A_1554 = arith.select %ne3A_1549, %reduce_or3A_1552, %reduce_or3A_1553 : vector<1x512xi1>, vector<1x512xf32>
      %reduce_or3A_1555 = vector.shape_cast %reduce_or3A_1554 : vector<1x512xf32> to vector<1x1x512xf32>
      %reduce_or3A_1556 = arith.constant dense<0xFF800000> : vector<1xf32>
      %reduce_or3A_1557 = vector.multi_reduction <maximumf>, %reduce_or3A_1555, %reduce_or3A_1556 [1, 2] : vector<1x1x512xf32> to vector<1xf32>
      %reduce_or3A_1558 = vector.shape_cast %reduce_or3A_1557 : vector<1xf32> to vector<1x1x1xf32>
      %reduce_or3A_1559 = vector.extract %reduce_or3A_1558[0, 0, 0] : f32 from vector<1x1x1xf32>
      %reduce_or3A_1560 = arith.constant 0.000000e+00 : f32
      %reduce_or3A_1561 = arith.cmpf ogt, %reduce_or3A_1559, %reduce_or3A_1560 : f32
      scf.yield %select_n3A_1548, %reduce_or3A_1561 : vector<1x512xf32>, i1
    }
    %swap3A = arith.constant 0 : index
    %swap3A_85 = arith.constant 0 : index
    %swap3A_86 = vector.load %arg5[%swap3A, %swap3A_85] : memref<1x6144xf32, #tpu.memory_space<vmem>>, vector<1x512xf32>
    tpu.vector_store %arg5[%swap3A, %swap3A_85], %while3A#0 {strides = array<i32>} : memref<1x6144xf32, #tpu.memory_space<vmem>>, vector<1x512xf32>,
    %eq3A = arith.cmpi eq, %iota3A, %iota3A_61 : vector<512x512xi32>
    %jit3A_87 = arith.constant 1.000000e+00 : f32
    %jit3A_88 = arith.constant 0.000000e+00 : f32
    %broadcast_in_dim3A_89 = vector.broadcast %jit3A_87 : f32 to vector<512x512xf32>
    %broadcast_in_dim3A_90 = vector.broadcast %jit3A_88 : f32 to vector<512x512xf32>
    %select_n3A_91 = arith.select %eq3A, %broadcast_in_dim3A_89, %broadcast_in_dim3A_90 : vector<512x512xi1>, vector<512x512xf32>
    %mul3A_92 = vector.broadcast %while3A#0 : vector<1x512xf32> to vector<512x512xf32>
    %mul3A_93 = arith.mulf %select_n3A_91, %mul3A_92 : vector<512x512xf32>
    %reduce_sum3A = arith.constant dense<0.000000e+00> : vector<512xf32>
    %reduce_sum3A_94 = vector.multi_reduction <add>, %mul3A_93, %reduce_sum3A [1] : vector<512x512xf32> to vector<512xf32>
    %broadcast_in_dim3A_95 = vector.shape_cast %reduce_sum3A_94 : vector<512xf32> to vector<512x1xf32>
    %mul3A_96 = vector.broadcast %broadcast_in_dim3A_95 : vector<512x1xf32> to vector<512x4xf32>
    %mul3A_97 = arith.mulf %get3A_21, %mul3A_96 : vector<512x4xf32>
    %swap3A_98 = arith.constant 0 : index
    %swap3A_99 = arith.constant 0 : index
    %swap3A_100 = vector.load %arg4[%swap3A_98, %swap3A_99] : memref<6144x4xf32, #tpu.memory_space<vmem>>, vector<512x4xf32>
    tpu.vector_store %arg4[%swap3A_98, %swap3A_99], %mul3A_97 {strides = array<i32>} : memref<6144x4xf32, #tpu.memory_space<vmem>>, vector<512x4xf32>,
    %slice3A_101 = vector.extract_strided_slice %get3A_3 {offsets = [0, 512], sizes = [1, 512], strides = [1, 1]} : vector<4x6144xf32> to vector<1x512xf32>
    %slice3A_102 = vector.extract_strided_slice %get3A_3 {offsets = [1, 512], sizes = [1, 512], strides = [1, 1]} : vector<4x6144xf32> to vector<1x512xf32>
    %slice3A_103 = vector.extract_strided_slice %get3A_3 {offsets = [2, 512], sizes = [1, 512], strides = [1, 1]} : vector<4x6144xf32> to vector<1x512xf32>
    %slice3A_104 = vector.extract_strided_slice %get3A_3 {offsets = [3, 512], sizes = [1, 512], strides = [1, 1]} : vector<4x6144xf32> to vector<1x512xf32>
    %sub3A_105 = arith.subf %slice3A_103, %slice3A_101 : vector<1x512xf32>
    %max3A_106 = arith.constant 0.000000e+00 : f32
    %max3A_107 = vector.broadcast %max3A_106 : f32 to vector<1x512xf32>
    %max3A_108 = arith.maximumf %sub3A_105, %max3A_107 : vector<1x512xf32>
    %sub3A_109 = arith.subf %slice3A_104, %slice3A_102 : vector<1x512xf32>
    %max3A_110 = arith.constant 0.000000e+00 : f32
    %max3A_111 = vector.broadcast %max3A_110 : f32 to vector<1x512xf32>
    %max3A_112 = arith.maximumf %sub3A_109, %max3A_111 : vector<1x512xf32>
    %mul3A_113 = arith.mulf %max3A_108, %max3A_112 : vector<1x512xf32>
    %broadcast_in_dim3A_114 = arith.constant 0.000000e+00 : f32
    %broadcast_in_dim3A_115 = vector.broadcast %broadcast_in_dim3A_114 : f32 to vector<1x512xf32>
    %scan3A = arith.constant 0 : i32
    %mul3A_116 = arith.constant 512 : i32
    %mul3A_117 = arith.muli %scan3A, %mul3A_116 : i32
    %get3A_118 = arith.index_cast %mul3A_117 : i32 to index
    %get3A_119 = arith.constant 0 : index
    %get3A_120 = vector.load %arg4[%get3A_118, %get3A_119] : memref<6144x4xf32, #tpu.memory_space<vmem>>, vector<512x4xf32>
    %slice3A_121 = vector.extract_strided_slice %get3A_120 {offsets = [0, 0], sizes = [512, 1], strides = [1, 1]} : vector<512x4xf32> to vector<512x1xf32>
    %slice3A_122 = vector.extract_strided_slice %get3A_120 {offsets = [0, 1], sizes = [512, 1], strides = [1, 1]} : vector<512x4xf32> to vector<512x1xf32>
    %slice3A_123 = vector.extract_strided_slice %get3A_120 {offsets = [0, 2], sizes = [512, 1], strides = [1, 1]} : vector<512x4xf32> to vector<512x1xf32>
    %slice3A_124 = vector.extract_strided_slice %get3A_120 {offsets = [0, 3], sizes = [512, 1], strides = [1, 1]} : vector<512x4xf32> to vector<512x1xf32>
    %sub3A_125 = arith.subf %slice3A_123, %slice3A_121 : vector<512x1xf32>
    %max3A_126 = arith.constant 0.000000e+00 : f32
    %max3A_127 = vector.broadcast %max3A_126 : f32 to vector<512x1xf32>
    %max3A_128 = arith.maximumf %sub3A_125, %max3A_127 : vector<512x1xf32>
    %sub3A_129 = arith.subf %slice3A_124, %slice3A_122 : vector<512x1xf32>
    %max3A_130 = arith.constant 0.000000e+00 : f32
    %max3A_131 = vector.broadcast %max3A_130 : f32 to vector<512x1xf32>
    %max3A_132 = arith.maximumf %sub3A_129, %max3A_131 : vector<512x1xf32>
    %mul3A_133 = arith.mulf %max3A_128, %max3A_132 : vector<512x1xf32>
    %max3A_134 = vector.broadcast %slice3A_121 : vector<512x1xf32> to vector<512x512xf32>
    %max3A_135 = vector.broadcast %slice3A_101 : vector<1x512xf32> to vector<512x512xf32>
    %max3A_136 = arith.maximumf %max3A_134, %max3A_135 : vector<512x512xf32>
    %max3A_137 = vector.broadcast %slice3A_122 : vector<512x1xf32> to vector<512x512xf32>
    %max3A_138 = vector.broadcast %slice3A_102 : vector<1x512xf32> to vector<512x512xf32>
    %max3A_139 = arith.maximumf %max3A_137, %max3A_138 : vector<512x512xf32>
    %min3A_140 = vector.broadcast %slice3A_123 : vector<512x1xf32> to vector<512x512xf32>
    %min3A_141 = vector.broadcast %slice3A_103 : vector<1x512xf32> to vector<512x512xf32>
    %min3A_142 = arith.minimumf %min3A_140, %min3A_141 : vector<512x512xf32>
    %min3A_143 = vector.broadcast %slice3A_124 : vector<512x1xf32> to vector<512x512xf32>
    %min3A_144 = vector.broadcast %slice3A_104 : vector<1x512xf32> to vector<512x512xf32>
    %min3A_145 = arith.minimumf %min3A_143, %min3A_144 : vector<512x512xf32>
    %sub3A_146 = arith.subf %min3A_142, %max3A_136 : vector<512x512xf32>
    %max3A_147 = arith.constant 0.000000e+00 : f32
    %max3A_148 = vector.broadcast %max3A_147 : f32 to vector<512x512xf32>
    %max3A_149 = arith.maximumf %sub3A_146, %max3A_148 : vector<512x512xf32>
    %sub3A_150 = arith.subf %min3A_145, %max3A_139 : vector<512x512xf32>
    %max3A_151 = arith.constant 0.000000e+00 : f32
    %max3A_152 = vector.broadcast %max3A_151 : f32 to vector<512x512xf32>
    %max3A_153 = arith.maximumf %sub3A_150, %max3A_152 : vector<512x512xf32>
    %mul3A_154 = arith.mulf %max3A_149, %max3A_153 : vector<512x512xf32>
    %add3A_155 = vector.broadcast %mul3A_133 : vector<512x1xf32> to vector<512x512xf32>
    %add3A_156 = vector.broadcast %mul3A_113 : vector<1x512xf32> to vector<512x512xf32>
    %add3A_157 = arith.addf %add3A_155, %add3A_156 : vector<512x512xf32>
    %sub3A_158 = arith.subf %add3A_157, %mul3A_154 : vector<512x512xf32>
    %add3A_159 = arith.constant 9.99999993E-9 : f32
    %add3A_160 = vector.broadcast %add3A_159 : f32 to vector<512x512xf32>
    %add3A_161 = arith.addf %sub3A_158, %add3A_160 : vector<512x512xf32>
    %div3A_162 = arith.divf %mul3A_154, %add3A_161 : vector<512x512xf32>
    %gt3A_163 = arith.constant 0.699999988 : f32
    %gt3A_164 = vector.broadcast %gt3A_163 : f32 to vector<512x512xf32>
    %gt3A_165 = arith.cmpf ogt, %div3A_162, %gt3A_164 : vector<512x512xf32>
    %jit3A_166 = arith.constant 1.000000e+00 : f32
    %jit3A_167 = arith.constant 0.000000e+00 : f32
    %broadcast_in_dim3A_168 = vector.broadcast %jit3A_166 : f32 to vector<512x512xf32>
    %broadcast_in_dim3A_169 = vector.broadcast %jit3A_167 : f32 to vector<512x512xf32>
    %select_n3A_170 = arith.select %gt3A_165, %broadcast_in_dim3A_168, %broadcast_in_dim3A_169 : vector<512x512xi1>, vector<512x512xf32>
    %reduce_max3A = arith.constant dense<0xFF800000> : vector<512xf32>
    %reduce_max3A_171 = vector.multi_reduction <maximumf>, %select_n3A_170, %reduce_max3A [0] : vector<512x512xf32> to vector<512xf32>
    %broadcast_in_dim3A_172 = vector.shape_cast %reduce_max3A_171 : vector<512xf32> to vector<1x512xf32>
    %max3A_173 = arith.maximumf %broadcast_in_dim3A_115, %broadcast_in_dim3A_172 : vector<1x512xf32>
    %scan3A_174 = arith.constant 1 : i32
    %sub3A_175 = arith.constant 1.000000e+00 : f32
    %sub3A_176 = vector.broadcast %sub3A_175 : f32 to vector<1x512xf32>
    %sub3A_177 = arith.subf %sub3A_176, %max3A_173 : vector<1x512xf32>
    %get3A_178 = arith.constant 0 : index
    %get3A_179 = arith.constant 512 : index
    %get3A_180 = arith.constant 0 : index
    %get3A_181 = vector.load %arg2[%get3A_178, %get3A_179, %get3A_180] : memref<1x6144x4xf32, #tpu.memory_space<vmem>>, vector<1x512x4xf32>
    %get3A_182 = vector.shape_cast %get3A_181 : vector<1x512x4xf32> to vector<512x4xf32>
    %slice3A_183 = vector.extract_strided_slice %get3A_182 {offsets = [0, 0], sizes = [512, 1], strides = [1, 1]} : vector<512x4xf32> to vector<512x1xf32>
    %slice3A_184 = vector.extract_strided_slice %get3A_182 {offsets = [0, 1], sizes = [512, 1], strides = [1, 1]} : vector<512x4xf32> to vector<512x1xf32>
    %slice3A_185 = vector.extract_strided_slice %get3A_182 {offsets = [0, 2], sizes = [512, 1], strides = [1, 1]} : vector<512x4xf32> to vector<512x1xf32>
    %slice3A_186 = vector.extract_strided_slice %get3A_182 {offsets = [0, 3], sizes = [512, 1], strides = [1, 1]} : vector<512x4xf32> to vector<512x1xf32>
    %sub3A_187 = arith.subf %slice3A_185, %slice3A_183 : vector<512x1xf32>
    %max3A_188 = arith.constant 0.000000e+00 : f32
    %max3A_189 = vector.broadcast %max3A_188 : f32 to vector<512x1xf32>
    %max3A_190 = arith.maximumf %sub3A_187, %max3A_189 : vector<512x1xf32>
    %sub3A_191 = arith.subf %slice3A_186, %slice3A_184 : vector<512x1xf32>
    %max3A_192 = arith.constant 0.000000e+00 : f32
    %max3A_193 = vector.broadcast %max3A_192 : f32 to vector<512x1xf32>
    %max3A_194 = arith.maximumf %sub3A_191, %max3A_193 : vector<512x1xf32>
    %mul3A_195 = arith.mulf %max3A_190, %max3A_194 : vector<512x1xf32>
    %max3A_196 = vector.broadcast %slice3A_183 : vector<512x1xf32> to vector<512x512xf32>
    %max3A_197 = vector.broadcast %slice3A_101 : vector<1x512xf32> to vector<512x512xf32>
    %max3A_198 = arith.maximumf %max3A_196, %max3A_197 : vector<512x512xf32>
    %max3A_199 = vector.broadcast %slice3A_184 : vector<512x1xf32> to vector<512x512xf32>
    %max3A_200 = vector.broadcast %slice3A_102 : vector<1x512xf32> to vector<512x512xf32>
    %max3A_201 = arith.maximumf %max3A_199, %max3A_200 : vector<512x512xf32>
    %min3A_202 = vector.broadcast %slice3A_185 : vector<512x1xf32> to vector<512x512xf32>
    %min3A_203 = vector.broadcast %slice3A_103 : vector<1x512xf32> to vector<512x512xf32>
    %min3A_204 = arith.minimumf %min3A_202, %min3A_203 : vector<512x512xf32>
    %min3A_205 = vector.broadcast %slice3A_186 : vector<512x1xf32> to vector<512x512xf32>
    %min3A_206 = vector.broadcast %slice3A_104 : vector<1x512xf32> to vector<512x512xf32>
    %min3A_207 = arith.minimumf %min3A_205, %min3A_206 : vector<512x512xf32>
    %sub3A_208 = arith.subf %min3A_204, %max3A_198 : vector<512x512xf32>
    %max3A_209 = arith.constant 0.000000e+00 : f32
    %max3A_210 = vector.broadcast %max3A_209 : f32 to vector<512x512xf32>
    %max3A_211 = arith.maximumf %sub3A_208, %max3A_210 : vector<512x512xf32>
    %sub3A_212 = arith.subf %min3A_207, %max3A_201 : vector<512x512xf32>
    %max3A_213 = arith.constant 0.000000e+00 : f32
    %max3A_214 = vector.broadcast %max3A_213 : f32 to vector<512x512xf32>
    %max3A_215 = arith.maximumf %sub3A_212, %max3A_214 : vector<512x512xf32>
    %mul3A_216 = arith.mulf %max3A_211, %max3A_215 : vector<512x512xf32>
    %add3A_217 = vector.broadcast %mul3A_195 : vector<512x1xf32> to vector<512x512xf32>
    %add3A_218 = vector.broadcast %mul3A_113 : vector<1x512xf32> to vector<512x512xf32>
    %add3A_219 = arith.addf %add3A_217, %add3A_218 : vector<512x512xf32>
    %sub3A_220 = arith.subf %add3A_219, %mul3A_216 : vector<512x512xf32>
    %add3A_221 = arith.constant 9.99999993E-9 : f32
    %add3A_222 = vector.broadcast %add3A_221 : f32 to vector<512x512xf32>
    %add3A_223 = arith.addf %sub3A_220, %add3A_222 : vector<512x512xf32>
    %div3A_224 = arith.divf %mul3A_216, %add3A_223 : vector<512x512xf32>
    %iota3A_225 = tpu.iota {dimensions = array<i32: 0>} : vector<512x512xi32>
    %iota3A_226 = tpu.iota {dimensions = array<i32: 1>} : vector<512x512xi32>
    %gt3A_227 = arith.constant 0.699999988 : f32
    %gt3A_228 = vector.broadcast %gt3A_227 : f32 to vector<512x512xf32>
    %gt3A_229 = arith.cmpf ogt, %div3A_224, %gt3A_228 : vector<512x512xf32>
    %lt3A_230 = arith.cmpi slt, %iota3A_225, %iota3A_226 : vector<512x512xi32>
    %and3A_231 = arith.andi %gt3A_229, %lt3A_230 : vector<512x512xi1>
    %jit3A_232 = arith.constant 1.000000e+00 : f32
    %jit3A_233 = arith.constant 0.000000e+00 : f32
    %broadcast_in_dim3A_234 = vector.broadcast %jit3A_232 : f32 to vector<512x512xf32>
    %broadcast_in_dim3A_235 = vector.broadcast %jit3A_233 : f32 to vector<512x512xf32>
    %select_n3A_236 = arith.select %and3A_231, %broadcast_in_dim3A_234, %broadcast_in_dim3A_235 : vector<512x512xi1>, vector<512x512xf32>
    %dot_general3A_237 = arith.constant dense<0.000000e+00> : vector<1x512xf32>
    %dot_general3A_238 = tpu.matmul %sub3A_177, %select_n3A_236, %dot_general3A_237 {dimension_numbers = #tpu.dot_dimension_numbers<[1], [0], [0], [1], [0, 0, 1, 1], [], []>, transpose_lhs_hint = false} : vector<1x512xf32>, vector<512x512xf32>, vector<1x512xf32> -> vector<1x512xf32>
    %gt3A_239 = arith.constant 5.000000e-01 : f32
    %gt3A_240 = vector.broadcast %gt3A_239 : f32 to vector<1x512xf32>
    %gt3A_241 = arith.cmpf ogt, %dot_general3A_238, %gt3A_240 : vector<1x512xf32>
    %jit3A_242 = arith.constant 0.000000e+00 : f32
    %broadcast_in_dim3A_243 = vector.broadcast %jit3A_242 : f32 to vector<1x512xf32>
    %select_n3A_244 = arith.select %gt3A_241, %broadcast_in_dim3A_243, %sub3A_177 : vector<1x512xi1>, vector<1x512xf32>
    %ne3A_245 = arith.cmpf one, %select_n3A_244, %sub3A_177 : vector<1x512xf32>
    %reduce_or3A_246 = arith.constant 1.000000e+00 : f32
    %reduce_or3A_247 = arith.constant 0.000000e+00 : f32
    %reduce_or3A_248 = vector.broadcast %reduce_or3A_246 : f32 to vector<1x512xf32>
    %reduce_or3A_249 = vector.broadcast %reduce_or3A_247 : f32 to vector<1x512xf32>
    %reduce_or3A_250 = arith.select %ne3A_245, %reduce_or3A_248, %reduce_or3A_249 : vector<1x512xi1>, vector<1x512xf32>
    %reduce_or3A_251 = vector.shape_cast %reduce_or3A_250 : vector<1x512xf32> to vector<1x1x512xf32>
    %reduce_or3A_252 = arith.constant dense<0xFF800000> : vector<1xf32>
    %reduce_or3A_253 = vector.multi_reduction <maximumf>, %reduce_or3A_251, %reduce_or3A_252 [1, 2] : vector<1x1x512xf32> to vector<1xf32>
    %reduce_or3A_254 = vector.shape_cast %reduce_or3A_253 : vector<1xf32> to vector<1x1x1xf32>
    %reduce_or3A_255 = vector.extract %reduce_or3A_254[0, 0, 0] : f32 from vector<1x1x1xf32>
    %reduce_or3A_256 = arith.constant 0.000000e+00 : f32
    %reduce_or3A_257 = arith.cmpf ogt, %reduce_or3A_255, %reduce_or3A_256 : f32
    %while3A_258:2 = scf.while (%while3A_1539 = %select_n3A_244, %while3A_1540 = %reduce_or3A_257) : (vector<1x512xf32>, i1) -> (vector<1x512xf32>, i1) {
      scf.condition(%while3A_1540) %while3A_1539, %while3A_1540 : vector<1x512xf32>, i1
    } do {
    ^bb0(%while3A_1539: vector<1x512xf32>, %while3A_1540: i1):
      %dot_general3A_1541 = arith.constant dense<0.000000e+00> : vector<1x512xf32>
      %dot_general3A_1542 = tpu.matmul %while3A_1539, %select_n3A_236, %dot_general3A_1541 {dimension_numbers = #tpu.dot_dimension_numbers<[1], [0], [0], [1], [0, 0, 1, 1], [], []>, transpose_lhs_hint = false} : vector<1x512xf32>, vector<512x512xf32>, vector<1x512xf32> -> vector<1x512xf32>
      %gt3A_1543 = arith.constant 5.000000e-01 : f32
      %gt3A_1544 = vector.broadcast %gt3A_1543 : f32 to vector<1x512xf32>
      %gt3A_1545 = arith.cmpf ogt, %dot_general3A_1542, %gt3A_1544 : vector<1x512xf32>
      %jit3A_1546 = arith.constant 0.000000e+00 : f32
      %broadcast_in_dim3A_1547 = vector.broadcast %jit3A_1546 : f32 to vector<1x512xf32>
      %select_n3A_1548 = arith.select %gt3A_1545, %broadcast_in_dim3A_1547, %sub3A_177 : vector<1x512xi1>, vector<1x512xf32>
      %ne3A_1549 = arith.cmpf one, %select_n3A_1548, %while3A_1539 : vector<1x512xf32>
      %reduce_or3A_1550 = arith.constant 1.000000e+00 : f32
      %reduce_or3A_1551 = arith.constant 0.000000e+00 : f32
      %reduce_or3A_1552 = vector.broadcast %reduce_or3A_1550 : f32 to vector<1x512xf32>
      %reduce_or3A_1553 = vector.broadcast %reduce_or3A_1551 : f32 to vector<1x512xf32>
      %reduce_or3A_1554 = arith.select %ne3A_1549, %reduce_or3A_1552, %reduce_or3A_1553 : vector<1x512xi1>, vector<1x512xf32>
      %reduce_or3A_1555 = vector.shape_cast %reduce_or3A_1554 : vector<1x512xf32> to vector<1x1x512xf32>
      %reduce_or3A_1556 = arith.constant dense<0xFF800000> : vector<1xf32>
      %reduce_or3A_1557 = vector.multi_reduction <maximumf>, %reduce_or3A_1555, %reduce_or3A_1556 [1, 2] : vector<1x1x512xf32> to vector<1xf32>
      %reduce_or3A_1558 = vector.shape_cast %reduce_or3A_1557 : vector<1xf32> to vector<1x1x1xf32>
      %reduce_or3A_1559 = vector.extract %reduce_or3A_1558[0, 0, 0] : f32 from vector<1x1x1xf32>
      %reduce_or3A_1560 = arith.constant 0.000000e+00 : f32
      %reduce_or3A_1561 = arith.cmpf ogt, %reduce_or3A_1559, %reduce_or3A_1560 : f32
      scf.yield %select_n3A_1548, %reduce_or3A_1561 : vector<1x512xf32>, i1
    }
    %swap3A_259 = arith.constant 0 : index
    %swap3A_260 = arith.constant 512 : index
    %swap3A_261 = vector.load %arg5[%swap3A_259, %swap3A_260] : memref<1x6144xf32, #tpu.memory_space<vmem>>, vector<1x512xf32>
    tpu.vector_store %arg5[%swap3A_259, %swap3A_260], %while3A_258#0 {strides = array<i32>} : memref<1x6144xf32, #tpu.memory_space<vmem>>, vector<1x512xf32>,
    %eq3A_262 = arith.cmpi eq, %iota3A_225, %iota3A_226 : vector<512x512xi32>
    %jit3A_263 = arith.constant 1.000000e+00 : f32
    %jit3A_264 = arith.constant 0.000000e+00 : f32
    %broadcast_in_dim3A_265 = vector.broadcast %jit3A_263 : f32 to vector<512x512xf32>
    %broadcast_in_dim3A_266 = vector.broadcast %jit3A_264 : f32 to vector<512x512xf32>
    %select_n3A_267 = arith.select %eq3A_262, %broadcast_in_dim3A_265, %broadcast_in_dim3A_266 : vector<512x512xi1>, vector<512x512xf32>
    %mul3A_268 = vector.broadcast %while3A_258#0 : vector<1x512xf32> to vector<512x512xf32>
    %mul3A_269 = arith.mulf %select_n3A_267, %mul3A_268 : vector<512x512xf32>
    %reduce_sum3A_270 = arith.constant dense<0.000000e+00> : vector<512xf32>
    %reduce_sum3A_271 = vector.multi_reduction <add>, %mul3A_269, %reduce_sum3A_270 [1] : vector<512x512xf32> to vector<512xf32>
    %broadcast_in_dim3A_272 = vector.shape_cast %reduce_sum3A_271 : vector<512xf32> to vector<512x1xf32>
    %mul3A_273 = vector.broadcast %broadcast_in_dim3A_272 : vector<512x1xf32> to vector<512x4xf32>
    %mul3A_274 = arith.mulf %get3A_182, %mul3A_273 : vector<512x4xf32>
    %swap3A_275 = arith.constant 512 : index
    %swap3A_276 = arith.constant 0 : index
    %swap3A_277 = vector.load %arg4[%swap3A_275, %swap3A_276] : memref<6144x4xf32, #tpu.memory_space<vmem>>, vector<512x4xf32>
    tpu.vector_store %arg4[%swap3A_275, %swap3A_276], %mul3A_274 {strides = array<i32>} : memref<6144x4xf32, #tpu.memory_space<vmem>>, vector<512x4xf32>,
    %slice3A_278 = vector.extract_strided_slice %get3A_3 {offsets = [0, 1024], sizes = [1, 512], strides = [1, 1]} : vector<4x6144xf32> to vector<1x512xf32>
    %slice3A_279 = vector.extract_strided_slice %get3A_3 {offsets = [1, 1024], sizes = [1, 512], strides = [1, 1]} : vector<4x6144xf32> to vector<1x512xf32>
    %slice3A_280 = vector.extract_strided_slice %get3A_3 {offsets = [2, 1024], sizes = [1, 512], strides = [1, 1]} : vector<4x6144xf32> to vector<1x512xf32>
    %slice3A_281 = vector.extract_strided_slice %get3A_3 {offsets = [3, 1024], sizes = [1, 512], strides = [1, 1]} : vector<4x6144xf32> to vector<1x512xf32>
    %sub3A_282 = arith.subf %slice3A_280, %slice3A_278 : vector<1x512xf32>
    %max3A_283 = arith.constant 0.000000e+00 : f32
    %max3A_284 = vector.broadcast %max3A_283 : f32 to vector<1x512xf32>
    %max3A_285 = arith.maximumf %sub3A_282, %max3A_284 : vector<1x512xf32>
    %sub3A_286 = arith.subf %slice3A_281, %slice3A_279 : vector<1x512xf32>
    %max3A_287 = arith.constant 0.000000e+00 : f32
    %max3A_288 = vector.broadcast %max3A_287 : f32 to vector<1x512xf32>
    %max3A_289 = arith.maximumf %sub3A_286, %max3A_288 : vector<1x512xf32>
    %mul3A_290 = arith.mulf %max3A_285, %max3A_289 : vector<1x512xf32>
    %broadcast_in_dim3A_291 = arith.constant 0.000000e+00 : f32
    %broadcast_in_dim3A_292 = vector.broadcast %broadcast_in_dim3A_291 : f32 to vector<1x512xf32>
    %scan3A_293 = arith.constant 0 : i32
    %scan3A_294 = arith.constant 2 : i32
    %scan3A_295 = arith.addi %scan3A_293, %scan3A_294 : i32
    %scan3A_296 = arith.constant 1 : i32
    %scan3A_297 = scf.for %scan3A_1539 = %scan3A_293 to %scan3A_295 step %scan3A_296 iter_args(%scan3A_1540 = %broadcast_in_dim3A_292) -> (vector<1x512xf32>)  : i32 {
      %mul3A_1541 = arith.constant 512 : i32
      %mul3A_1542 = arith.muli %scan3A_1539, %mul3A_1541 : i32
      %get3A_1543 = arith.index_cast %mul3A_1542 : i32 to index
      %get3A_1544 = arith.constant 0 : index
      %get3A_1545 = vector.load %arg4[%get3A_1543, %get3A_1544] : memref<6144x4xf32, #tpu.memory_space<vmem>>, vector<512x4xf32>
      %slice3A_1546 = vector.extract_strided_slice %get3A_1545 {offsets = [0, 0], sizes = [512, 1], strides = [1, 1]} : vector<512x4xf32> to vector<512x1xf32>
      %slice3A_1547 = vector.extract_strided_slice %get3A_1545 {offsets = [0, 1], sizes = [512, 1], strides = [1, 1]} : vector<512x4xf32> to vector<512x1xf32>
      %slice3A_1548 = vector.extract_strided_slice %get3A_1545 {offsets = [0, 2], sizes = [512, 1], strides = [1, 1]} : vector<512x4xf32> to vector<512x1xf32>
      %slice3A_1549 = vector.extract_strided_slice %get3A_1545 {offsets = [0, 3], sizes = [512, 1], strides = [1, 1]} : vector<512x4xf32> to vector<512x1xf32>
      %sub3A_1550 = arith.subf %slice3A_1548, %slice3A_1546 : vector<512x1xf32>
      %max3A_1551 = arith.constant 0.000000e+00 : f32
      %max3A_1552 = vector.broadcast %max3A_1551 : f32 to vector<512x1xf32>
      %max3A_1553 = arith.maximumf %sub3A_1550, %max3A_1552 : vector<512x1xf32>
      %sub3A_1554 = arith.subf %slice3A_1549, %slice3A_1547 : vector<512x1xf32>
      %max3A_1555 = arith.constant 0.000000e+00 : f32
      %max3A_1556 = vector.broadcast %max3A_1555 : f32 to vector<512x1xf32>
      %max3A_1557 = arith.maximumf %sub3A_1554, %max3A_1556 : vector<512x1xf32>
      %mul3A_1558 = arith.mulf %max3A_1553, %max3A_1557 : vector<512x1xf32>
      %max3A_1559 = vector.broadcast %slice3A_1546 : vector<512x1xf32> to vector<512x512xf32>
      %max3A_1560 = vector.broadcast %slice3A_278 : vector<1x512xf32> to vector<512x512xf32>
      %max3A_1561 = arith.maximumf %max3A_1559, %max3A_1560 : vector<512x512xf32>
      %max3A_1562 = vector.broadcast %slice3A_1547 : vector<512x1xf32> to vector<512x512xf32>
      %max3A_1563 = vector.broadcast %slice3A_279 : vector<1x512xf32> to vector<512x512xf32>
      %max3A_1564 = arith.maximumf %max3A_1562, %max3A_1563 : vector<512x512xf32>
      %min3A_1565 = vector.broadcast %slice3A_1548 : vector<512x1xf32> to vector<512x512xf32>
      %min3A_1566 = vector.broadcast %slice3A_280 : vector<1x512xf32> to vector<512x512xf32>
      %min3A_1567 = arith.minimumf %min3A_1565, %min3A_1566 : vector<512x512xf32>
      %min3A_1568 = vector.broadcast %slice3A_1549 : vector<512x1xf32> to vector<512x512xf32>
      %min3A_1569 = vector.broadcast %slice3A_281 : vector<1x512xf32> to vector<512x512xf32>
      %min3A_1570 = arith.minimumf %min3A_1568, %min3A_1569 : vector<512x512xf32>
      %sub3A_1571 = arith.subf %min3A_1567, %max3A_1561 : vector<512x512xf32>
      %max3A_1572 = arith.constant 0.000000e+00 : f32
      %max3A_1573 = vector.broadcast %max3A_1572 : f32 to vector<512x512xf32>
      %max3A_1574 = arith.maximumf %sub3A_1571, %max3A_1573 : vector<512x512xf32>
      %sub3A_1575 = arith.subf %min3A_1570, %max3A_1564 : vector<512x512xf32>
      %max3A_1576 = arith.constant 0.000000e+00 : f32
      %max3A_1577 = vector.broadcast %max3A_1576 : f32 to vector<512x512xf32>
      %max3A_1578 = arith.maximumf %sub3A_1575, %max3A_1577 : vector<512x512xf32>
      %mul3A_1579 = arith.mulf %max3A_1574, %max3A_1578 : vector<512x512xf32>
      %add3A_1580 = vector.broadcast %mul3A_1558 : vector<512x1xf32> to vector<512x512xf32>
      %add3A_1581 = vector.broadcast %mul3A_290 : vector<1x512xf32> to vector<512x512xf32>
      %add3A_1582 = arith.addf %add3A_1580, %add3A_1581 : vector<512x512xf32>
      %sub3A_1583 = arith.subf %add3A_1582, %mul3A_1579 : vector<512x512xf32>
      %add3A_1584 = arith.constant 9.99999993E-9 : f32
      %add3A_1585 = vector.broadcast %add3A_1584 : f32 to vector<512x512xf32>
      %add3A_1586 = arith.addf %sub3A_1583, %add3A_1585 : vector<512x512xf32>
      %div3A_1587 = arith.divf %mul3A_1579, %add3A_1586 : vector<512x512xf32>
      %gt3A_1588 = arith.constant 0.699999988 : f32
      %gt3A_1589 = vector.broadcast %gt3A_1588 : f32 to vector<512x512xf32>
      %gt3A_1590 = arith.cmpf ogt, %div3A_1587, %gt3A_1589 : vector<512x512xf32>
      %jit3A_1591 = arith.constant 1.000000e+00 : f32
      %jit3A_1592 = arith.constant 0.000000e+00 : f32
      %broadcast_in_dim3A_1593 = vector.broadcast %jit3A_1591 : f32 to vector<512x512xf32>
      %broadcast_in_dim3A_1594 = vector.broadcast %jit3A_1592 : f32 to vector<512x512xf32>
      %select_n3A_1595 = arith.select %gt3A_1590, %broadcast_in_dim3A_1593, %broadcast_in_dim3A_1594 : vector<512x512xi1>, vector<512x512xf32>
      %reduce_max3A_1596 = arith.constant dense<0xFF800000> : vector<512xf32>
      %reduce_max3A_1597 = vector.multi_reduction <maximumf>, %select_n3A_1595, %reduce_max3A_1596 [0] : vector<512x512xf32> to vector<512xf32>
      %broadcast_in_dim3A_1598 = vector.shape_cast %reduce_max3A_1597 : vector<512xf32> to vector<1x512xf32>
      %max3A_1599 = arith.maximumf %scan3A_1540, %broadcast_in_dim3A_1598 : vector<1x512xf32>
      scf.yield %max3A_1599 : vector<1x512xf32>
    }
    %scan3A_298 = arith.constant 2 : i32
    %sub3A_299 = arith.constant 1.000000e+00 : f32
    %sub3A_300 = vector.broadcast %sub3A_299 : f32 to vector<1x512xf32>
    %sub3A_301 = arith.subf %sub3A_300, %scan3A_297 : vector<1x512xf32>
    %get3A_302 = arith.constant 0 : index
    %get3A_303 = arith.constant 1024 : index
    %get3A_304 = arith.constant 0 : index
    %get3A_305 = vector.load %arg2[%get3A_302, %get3A_303, %get3A_304] : memref<1x6144x4xf32, #tpu.memory_space<vmem>>, vector<1x512x4xf32>
    %get3A_306 = vector.shape_cast %get3A_305 : vector<1x512x4xf32> to vector<512x4xf32>
    %slice3A_307 = vector.extract_strided_slice %get3A_306 {offsets = [0, 0], sizes = [512, 1], strides = [1, 1]} : vector<512x4xf32> to vector<512x1xf32>
    %slice3A_308 = vector.extract_strided_slice %get3A_306 {offsets = [0, 1], sizes = [512, 1], strides = [1, 1]} : vector<512x4xf32> to vector<512x1xf32>
    %slice3A_309 = vector.extract_strided_slice %get3A_306 {offsets = [0, 2], sizes = [512, 1], strides = [1, 1]} : vector<512x4xf32> to vector<512x1xf32>
    %slice3A_310 = vector.extract_strided_slice %get3A_306 {offsets = [0, 3], sizes = [512, 1], strides = [1, 1]} : vector<512x4xf32> to vector<512x1xf32>
    %sub3A_311 = arith.subf %slice3A_309, %slice3A_307 : vector<512x1xf32>
    %max3A_312 = arith.constant 0.000000e+00 : f32
    %max3A_313 = vector.broadcast %max3A_312 : f32 to vector<512x1xf32>
    %max3A_314 = arith.maximumf %sub3A_311, %max3A_313 : vector<512x1xf32>
    %sub3A_315 = arith.subf %slice3A_310, %slice3A_308 : vector<512x1xf32>
    %max3A_316 = arith.constant 0.000000e+00 : f32
    %max3A_317 = vector.broadcast %max3A_316 : f32 to vector<512x1xf32>
    %max3A_318 = arith.maximumf %sub3A_315, %max3A_317 : vector<512x1xf32>
    %mul3A_319 = arith.mulf %max3A_314, %max3A_318 : vector<512x1xf32>
    %max3A_320 = vector.broadcast %slice3A_307 : vector<512x1xf32> to vector<512x512xf32>
    %max3A_321 = vector.broadcast %slice3A_278 : vector<1x512xf32> to vector<512x512xf32>
    %max3A_322 = arith.maximumf %max3A_320, %max3A_321 : vector<512x512xf32>
    %max3A_323 = vector.broadcast %slice3A_308 : vector<512x1xf32> to vector<512x512xf32>
    %max3A_324 = vector.broadcast %slice3A_279 : vector<1x512xf32> to vector<512x512xf32>
    %max3A_325 = arith.maximumf %max3A_323, %max3A_324 : vector<512x512xf32>
    %min3A_326 = vector.broadcast %slice3A_309 : vector<512x1xf32> to vector<512x512xf32>
    %min3A_327 = vector.broadcast %slice3A_280 : vector<1x512xf32> to vector<512x512xf32>
    %min3A_328 = arith.minimumf %min3A_326, %min3A_327 : vector<512x512xf32>
    %min3A_329 = vector.broadcast %slice3A_310 : vector<512x1xf32> to vector<512x512xf32>
    %min3A_330 = vector.broadcast %slice3A_281 : vector<1x512xf32> to vector<512x512xf32>
    %min3A_331 = arith.minimumf %min3A_329, %min3A_330 : vector<512x512xf32>
    %sub3A_332 = arith.subf %min3A_328, %max3A_322 : vector<512x512xf32>
    %max3A_333 = arith.constant 0.000000e+00 : f32
    %max3A_334 = vector.broadcast %max3A_333 : f32 to vector<512x512xf32>
    %max3A_335 = arith.maximumf %sub3A_332, %max3A_334 : vector<512x512xf32>
    %sub3A_336 = arith.subf %min3A_331, %max3A_325 : vector<512x512xf32>
    %max3A_337 = arith.constant 0.000000e+00 : f32
    %max3A_338 = vector.broadcast %max3A_337 : f32 to vector<512x512xf32>
    %max3A_339 = arith.maximumf %sub3A_336, %max3A_338 : vector<512x512xf32>
    %mul3A_340 = arith.mulf %max3A_335, %max3A_339 : vector<512x512xf32>
    %add3A_341 = vector.broadcast %mul3A_319 : vector<512x1xf32> to vector<512x512xf32>
    %add3A_342 = vector.broadcast %mul3A_290 : vector<1x512xf32> to vector<512x512xf32>
    %add3A_343 = arith.addf %add3A_341, %add3A_342 : vector<512x512xf32>
    %sub3A_344 = arith.subf %add3A_343, %mul3A_340 : vector<512x512xf32>
    %add3A_345 = arith.constant 9.99999993E-9 : f32
    %add3A_346 = vector.broadcast %add3A_345 : f32 to vector<512x512xf32>
    %add3A_347 = arith.addf %sub3A_344, %add3A_346 : vector<512x512xf32>
    %div3A_348 = arith.divf %mul3A_340, %add3A_347 : vector<512x512xf32>
    %iota3A_349 = tpu.iota {dimensions = array<i32: 0>} : vector<512x512xi32>
    %iota3A_350 = tpu.iota {dimensions = array<i32: 1>} : vector<512x512xi32>
    %gt3A_351 = arith.constant 0.699999988 : f32
    %gt3A_352 = vector.broadcast %gt3A_351 : f32 to vector<512x512xf32>
    %gt3A_353 = arith.cmpf ogt, %div3A_348, %gt3A_352 : vector<512x512xf32>
    %lt3A_354 = arith.cmpi slt, %iota3A_349, %iota3A_350 : vector<512x512xi32>
    %and3A_355 = arith.andi %gt3A_353, %lt3A_354 : vector<512x512xi1>
    %jit3A_356 = arith.constant 1.000000e+00 : f32
    %jit3A_357 = arith.constant 0.000000e+00 : f32
    %broadcast_in_dim3A_358 = vector.broadcast %jit3A_356 : f32 to vector<512x512xf32>
    %broadcast_in_dim3A_359 = vector.broadcast %jit3A_357 : f32 to vector<512x512xf32>
    %select_n3A_360 = arith.select %and3A_355, %broadcast_in_dim3A_358, %broadcast_in_dim3A_359 : vector<512x512xi1>, vector<512x512xf32>
    %dot_general3A_361 = arith.constant dense<0.000000e+00> : vector<1x512xf32>
    %dot_general3A_362 = tpu.matmul %sub3A_301, %select_n3A_360, %dot_general3A_361 {dimension_numbers = #tpu.dot_dimension_numbers<[1], [0], [0], [1], [0, 0, 1, 1], [], []>, transpose_lhs_hint = false} : vector<1x512xf32>, vector<512x512xf32>, vector<1x512xf32> -> vector<1x512xf32>
    %gt3A_363 = arith.constant 5.000000e-01 : f32
    %gt3A_364 = vector.broadcast %gt3A_363 : f32 to vector<1x512xf32>
    %gt3A_365 = arith.cmpf ogt, %dot_general3A_362, %gt3A_364 : vector<1x512xf32>
    %jit3A_366 = arith.constant 0.000000e+00 : f32
    %broadcast_in_dim3A_367 = vector.broadcast %jit3A_366 : f32 to vector<1x512xf32>
    %select_n3A_368 = arith.select %gt3A_365, %broadcast_in_dim3A_367, %sub3A_301 : vector<1x512xi1>, vector<1x512xf32>
    %ne3A_369 = arith.cmpf one, %select_n3A_368, %sub3A_301 : vector<1x512xf32>
    %reduce_or3A_370 = arith.constant 1.000000e+00 : f32
    %reduce_or3A_371 = arith.constant 0.000000e+00 : f32
    %reduce_or3A_372 = vector.broadcast %reduce_or3A_370 : f32 to vector<1x512xf32>
    %reduce_or3A_373 = vector.broadcast %reduce_or3A_371 : f32 to vector<1x512xf32>
    %reduce_or3A_374 = arith.select %ne3A_369, %reduce_or3A_372, %reduce_or3A_373 : vector<1x512xi1>, vector<1x512xf32>
    %reduce_or3A_375 = vector.shape_cast %reduce_or3A_374 : vector<1x512xf32> to vector<1x1x512xf32>
    %reduce_or3A_376 = arith.constant dense<0xFF800000> : vector<1xf32>
    %reduce_or3A_377 = vector.multi_reduction <maximumf>, %reduce_or3A_375, %reduce_or3A_376 [1, 2] : vector<1x1x512xf32> to vector<1xf32>
    %reduce_or3A_378 = vector.shape_cast %reduce_or3A_377 : vector<1xf32> to vector<1x1x1xf32>
    %reduce_or3A_379 = vector.extract %reduce_or3A_378[0, 0, 0] : f32 from vector<1x1x1xf32>
    %reduce_or3A_380 = arith.constant 0.000000e+00 : f32
    %reduce_or3A_381 = arith.cmpf ogt, %reduce_or3A_379, %reduce_or3A_380 : f32
    %while3A_382:2 = scf.while (%while3A_1539 = %select_n3A_368, %while3A_1540 = %reduce_or3A_381) : (vector<1x512xf32>, i1) -> (vector<1x512xf32>, i1) {
      scf.condition(%while3A_1540) %while3A_1539, %while3A_1540 : vector<1x512xf32>, i1
    } do {
    ^bb0(%while3A_1539: vector<1x512xf32>, %while3A_1540: i1):
      %dot_general3A_1541 = arith.constant dense<0.000000e+00> : vector<1x512xf32>
      %dot_general3A_1542 = tpu.matmul %while3A_1539, %select_n3A_360, %dot_general3A_1541 {dimension_numbers = #tpu.dot_dimension_numbers<[1], [0], [0], [1], [0, 0, 1, 1], [], []>, transpose_lhs_hint = false} : vector<1x512xf32>, vector<512x512xf32>, vector<1x512xf32> -> vector<1x512xf32>
      %gt3A_1543 = arith.constant 5.000000e-01 : f32
      %gt3A_1544 = vector.broadcast %gt3A_1543 : f32 to vector<1x512xf32>
      %gt3A_1545 = arith.cmpf ogt, %dot_general3A_1542, %gt3A_1544 : vector<1x512xf32>
      %jit3A_1546 = arith.constant 0.000000e+00 : f32
      %broadcast_in_dim3A_1547 = vector.broadcast %jit3A_1546 : f32 to vector<1x512xf32>
      %select_n3A_1548 = arith.select %gt3A_1545, %broadcast_in_dim3A_1547, %sub3A_301 : vector<1x512xi1>, vector<1x512xf32>
      %ne3A_1549 = arith.cmpf one, %select_n3A_1548, %while3A_1539 : vector<1x512xf32>
      %reduce_or3A_1550 = arith.constant 1.000000e+00 : f32
      %reduce_or3A_1551 = arith.constant 0.000000e+00 : f32
      %reduce_or3A_1552 = vector.broadcast %reduce_or3A_1550 : f32 to vector<1x512xf32>
      %reduce_or3A_1553 = vector.broadcast %reduce_or3A_1551 : f32 to vector<1x512xf32>
      %reduce_or3A_1554 = arith.select %ne3A_1549, %reduce_or3A_1552, %reduce_or3A_1553 : vector<1x512xi1>, vector<1x512xf32>
      %reduce_or3A_1555 = vector.shape_cast %reduce_or3A_1554 : vector<1x512xf32> to vector<1x1x512xf32>
      %reduce_or3A_1556 = arith.constant dense<0xFF800000> : vector<1xf32>
      %reduce_or3A_1557 = vector.multi_reduction <maximumf>, %reduce_or3A_1555, %reduce_or3A_1556 [1, 2] : vector<1x1x512xf32> to vector<1xf32>
      %reduce_or3A_1558 = vector.shape_cast %reduce_or3A_1557 : vector<1xf32> to vector<1x1x1xf32>
      %reduce_or3A_1559 = vector.extract %reduce_or3A_1558[0, 0, 0] : f32 from vector<1x1x1xf32>
      %reduce_or3A_1560 = arith.constant 0.000000e+00 : f32
      %reduce_or3A_1561 = arith.cmpf ogt, %reduce_or3A_1559, %reduce_or3A_1560 : f32
      scf.yield %select_n3A_1548, %reduce_or3A_1561 : vector<1x512xf32>, i1
    }
    %swap3A_383 = arith.constant 0 : index
    %swap3A_384 = arith.constant 1024 : index
    %swap3A_385 = vector.load %arg5[%swap3A_383, %swap3A_384] : memref<1x6144xf32, #tpu.memory_space<vmem>>, vector<1x512xf32>
    tpu.vector_store %arg5[%swap3A_383, %swap3A_384], %while3A_382#0 {strides = array<i32>} : memref<1x6144xf32, #tpu.memory_space<vmem>>, vector<1x512xf32>,
    %eq3A_386 = arith.cmpi eq, %iota3A_349, %iota3A_350 : vector<512x512xi32>
    %jit3A_387 = arith.constant 1.000000e+00 : f32
    %jit3A_388 = arith.constant 0.000000e+00 : f32
    %broadcast_in_dim3A_389 = vector.broadcast %jit3A_387 : f32 to vector<512x512xf32>
    %broadcast_in_dim3A_390 = vector.broadcast %jit3A_388 : f32 to vector<512x512xf32>
    %select_n3A_391 = arith.select %eq3A_386, %broadcast_in_dim3A_389, %broadcast_in_dim3A_390 : vector<512x512xi1>, vector<512x512xf32>
    %mul3A_392 = vector.broadcast %while3A_382#0 : vector<1x512xf32> to vector<512x512xf32>
    %mul3A_393 = arith.mulf %select_n3A_391, %mul3A_392 : vector<512x512xf32>
    %reduce_sum3A_394 = arith.constant dense<0.000000e+00> : vector<512xf32>
    %reduce_sum3A_395 = vector.multi_reduction <add>, %mul3A_393, %reduce_sum3A_394 [1] : vector<512x512xf32> to vector<512xf32>
    %broadcast_in_dim3A_396 = vector.shape_cast %reduce_sum3A_395 : vector<512xf32> to vector<512x1xf32>
    %mul3A_397 = vector.broadcast %broadcast_in_dim3A_396 : vector<512x1xf32> to vector<512x4xf32>
    %mul3A_398 = arith.mulf %get3A_306, %mul3A_397 : vector<512x4xf32>
    %swap3A_399 = arith.constant 1024 : index
    %swap3A_400 = arith.constant 0 : index
    %swap3A_401 = vector.load %arg4[%swap3A_399, %swap3A_400] : memref<6144x4xf32, #tpu.memory_space<vmem>>, vector<512x4xf32>
    tpu.vector_store %arg4[%swap3A_399, %swap3A_400], %mul3A_398 {strides = array<i32>} : memref<6144x4xf32, #tpu.memory_space<vmem>>, vector<512x4xf32>,
    %slice3A_402 = vector.extract_strided_slice %get3A_3 {offsets = [0, 1536], sizes = [1, 512], strides = [1, 1]} : vector<4x6144xf32> to vector<1x512xf32>
    %slice3A_403 = vector.extract_strided_slice %get3A_3 {offsets = [1, 1536], sizes = [1, 512], strides = [1, 1]} : vector<4x6144xf32> to vector<1x512xf32>
    %slice3A_404 = vector.extract_strided_slice %get3A_3 {offsets = [2, 1536], sizes = [1, 512], strides = [1, 1]} : vector<4x6144xf32> to vector<1x512xf32>
    %slice3A_405 = vector.extract_strided_slice %get3A_3 {offsets = [3, 1536], sizes = [1, 512], strides = [1, 1]} : vector<4x6144xf32> to vector<1x512xf32>
    %sub3A_406 = arith.subf %slice3A_404, %slice3A_402 : vector<1x512xf32>
    %max3A_407 = arith.constant 0.000000e+00 : f32
    %max3A_408 = vector.broadcast %max3A_407 : f32 to vector<1x512xf32>
    %max3A_409 = arith.maximumf %sub3A_406, %max3A_408 : vector<1x512xf32>
    %sub3A_410 = arith.subf %slice3A_405, %slice3A_403 : vector<1x512xf32>
    %max3A_411 = arith.constant 0.000000e+00 : f32
    %max3A_412 = vector.broadcast %max3A_411 : f32 to vector<1x512xf32>
    %max3A_413 = arith.maximumf %sub3A_410, %max3A_412 : vector<1x512xf32>
    %mul3A_414 = arith.mulf %max3A_409, %max3A_413 : vector<1x512xf32>
    %broadcast_in_dim3A_415 = arith.constant 0.000000e+00 : f32
    %broadcast_in_dim3A_416 = vector.broadcast %broadcast_in_dim3A_415 : f32 to vector<1x512xf32>
    %scan3A_417 = arith.constant 0 : i32
    %scan3A_418 = arith.constant 3 : i32
    %scan3A_419 = arith.addi %scan3A_417, %scan3A_418 : i32
    %scan3A_420 = arith.constant 1 : i32
    %scan3A_421 = scf.for %scan3A_1539 = %scan3A_417 to %scan3A_419 step %scan3A_420 iter_args(%scan3A_1540 = %broadcast_in_dim3A_416) -> (vector<1x512xf32>)  : i32 {
      %mul3A_1541 = arith.constant 512 : i32
      %mul3A_1542 = arith.muli %scan3A_1539, %mul3A_1541 : i32
      %get3A_1543 = arith.index_cast %mul3A_1542 : i32 to index
      %get3A_1544 = arith.constant 0 : index
      %get3A_1545 = vector.load %arg4[%get3A_1543, %get3A_1544] : memref<6144x4xf32, #tpu.memory_space<vmem>>, vector<512x4xf32>
      %slice3A_1546 = vector.extract_strided_slice %get3A_1545 {offsets = [0, 0], sizes = [512, 1], strides = [1, 1]} : vector<512x4xf32> to vector<512x1xf32>
      %slice3A_1547 = vector.extract_strided_slice %get3A_1545 {offsets = [0, 1], sizes = [512, 1], strides = [1, 1]} : vector<512x4xf32> to vector<512x1xf32>
      %slice3A_1548 = vector.extract_strided_slice %get3A_1545 {offsets = [0, 2], sizes = [512, 1], strides = [1, 1]} : vector<512x4xf32> to vector<512x1xf32>
      %slice3A_1549 = vector.extract_strided_slice %get3A_1545 {offsets = [0, 3], sizes = [512, 1], strides = [1, 1]} : vector<512x4xf32> to vector<512x1xf32>
      %sub3A_1550 = arith.subf %slice3A_1548, %slice3A_1546 : vector<512x1xf32>
      %max3A_1551 = arith.constant 0.000000e+00 : f32
      %max3A_1552 = vector.broadcast %max3A_1551 : f32 to vector<512x1xf32>
      %max3A_1553 = arith.maximumf %sub3A_1550, %max3A_1552 : vector<512x1xf32>
      %sub3A_1554 = arith.subf %slice3A_1549, %slice3A_1547 : vector<512x1xf32>
      %max3A_1555 = arith.constant 0.000000e+00 : f32
      %max3A_1556 = vector.broadcast %max3A_1555 : f32 to vector<512x1xf32>
      %max3A_1557 = arith.maximumf %sub3A_1554, %max3A_1556 : vector<512x1xf32>
      %mul3A_1558 = arith.mulf %max3A_1553, %max3A_1557 : vector<512x1xf32>
      %max3A_1559 = vector.broadcast %slice3A_1546 : vector<512x1xf32> to vector<512x512xf32>
      %max3A_1560 = vector.broadcast %slice3A_402 : vector<1x512xf32> to vector<512x512xf32>
      %max3A_1561 = arith.maximumf %max3A_1559, %max3A_1560 : vector<512x512xf32>
      %max3A_1562 = vector.broadcast %slice3A_1547 : vector<512x1xf32> to vector<512x512xf32>
      %max3A_1563 = vector.broadcast %slice3A_403 : vector<1x512xf32> to vector<512x512xf32>
      %max3A_1564 = arith.maximumf %max3A_1562, %max3A_1563 : vector<512x512xf32>
      %min3A_1565 = vector.broadcast %slice3A_1548 : vector<512x1xf32> to vector<512x512xf32>
      %min3A_1566 = vector.broadcast %slice3A_404 : vector<1x512xf32> to vector<512x512xf32>
      %min3A_1567 = arith.minimumf %min3A_1565, %min3A_1566 : vector<512x512xf32>
      %min3A_1568 = vector.broadcast %slice3A_1549 : vector<512x1xf32> to vector<512x512xf32>
      %min3A_1569 = vector.broadcast %slice3A_405 : vector<1x512xf32> to vector<512x512xf32>
      %min3A_1570 = arith.minimumf %min3A_1568, %min3A_1569 : vector<512x512xf32>
      %sub3A_1571 = arith.subf %min3A_1567, %max3A_1561 : vector<512x512xf32>
      %max3A_1572 = arith.constant 0.000000e+00 : f32
      %max3A_1573 = vector.broadcast %max3A_1572 : f32 to vector<512x512xf32>
      %max3A_1574 = arith.maximumf %sub3A_1571, %max3A_1573 : vector<512x512xf32>
      %sub3A_1575 = arith.subf %min3A_1570, %max3A_1564 : vector<512x512xf32>
      %max3A_1576 = arith.constant 0.000000e+00 : f32
      %max3A_1577 = vector.broadcast %max3A_1576 : f32 to vector<512x512xf32>
      %max3A_1578 = arith.maximumf %sub3A_1575, %max3A_1577 : vector<512x512xf32>
      %mul3A_1579 = arith.mulf %max3A_1574, %max3A_1578 : vector<512x512xf32>
      %add3A_1580 = vector.broadcast %mul3A_1558 : vector<512x1xf32> to vector<512x512xf32>
      %add3A_1581 = vector.broadcast %mul3A_414 : vector<1x512xf32> to vector<512x512xf32>
      %add3A_1582 = arith.addf %add3A_1580, %add3A_1581 : vector<512x512xf32>
      %sub3A_1583 = arith.subf %add3A_1582, %mul3A_1579 : vector<512x512xf32>
      %add3A_1584 = arith.constant 9.99999993E-9 : f32
      %add3A_1585 = vector.broadcast %add3A_1584 : f32 to vector<512x512xf32>
      %add3A_1586 = arith.addf %sub3A_1583, %add3A_1585 : vector<512x512xf32>
      %div3A_1587 = arith.divf %mul3A_1579, %add3A_1586 : vector<512x512xf32>
      %gt3A_1588 = arith.constant 0.699999988 : f32
      %gt3A_1589 = vector.broadcast %gt3A_1588 : f32 to vector<512x512xf32>
      %gt3A_1590 = arith.cmpf ogt, %div3A_1587, %gt3A_1589 : vector<512x512xf32>
      %jit3A_1591 = arith.constant 1.000000e+00 : f32
      %jit3A_1592 = arith.constant 0.000000e+00 : f32
      %broadcast_in_dim3A_1593 = vector.broadcast %jit3A_1591 : f32 to vector<512x512xf32>
      %broadcast_in_dim3A_1594 = vector.broadcast %jit3A_1592 : f32 to vector<512x512xf32>
      %select_n3A_1595 = arith.select %gt3A_1590, %broadcast_in_dim3A_1593, %broadcast_in_dim3A_1594 : vector<512x512xi1>, vector<512x512xf32>
      %reduce_max3A_1596 = arith.constant dense<0xFF800000> : vector<512xf32>
      %reduce_max3A_1597 = vector.multi_reduction <maximumf>, %select_n3A_1595, %reduce_max3A_1596 [0] : vector<512x512xf32> to vector<512xf32>
      %broadcast_in_dim3A_1598 = vector.shape_cast %reduce_max3A_1597 : vector<512xf32> to vector<1x512xf32>
      %max3A_1599 = arith.maximumf %scan3A_1540, %broadcast_in_dim3A_1598 : vector<1x512xf32>
      scf.yield %max3A_1599 : vector<1x512xf32>
    }
    %scan3A_422 = arith.constant 3 : i32
    %sub3A_423 = arith.constant 1.000000e+00 : f32
    %sub3A_424 = vector.broadcast %sub3A_423 : f32 to vector<1x512xf32>
    %sub3A_425 = arith.subf %sub3A_424, %scan3A_421 : vector<1x512xf32>
    %get3A_426 = arith.constant 0 : index
    %get3A_427 = arith.constant 1536 : index
    %get3A_428 = arith.constant 0 : index
    %get3A_429 = vector.load %arg2[%get3A_426, %get3A_427, %get3A_428] : memref<1x6144x4xf32, #tpu.memory_space<vmem>>, vector<1x512x4xf32>
    %get3A_430 = vector.shape_cast %get3A_429 : vector<1x512x4xf32> to vector<512x4xf32>
    %slice3A_431 = vector.extract_strided_slice %get3A_430 {offsets = [0, 0], sizes = [512, 1], strides = [1, 1]} : vector<512x4xf32> to vector<512x1xf32>
    %slice3A_432 = vector.extract_strided_slice %get3A_430 {offsets = [0, 1], sizes = [512, 1], strides = [1, 1]} : vector<512x4xf32> to vector<512x1xf32>
    %slice3A_433 = vector.extract_strided_slice %get3A_430 {offsets = [0, 2], sizes = [512, 1], strides = [1, 1]} : vector<512x4xf32> to vector<512x1xf32>
    %slice3A_434 = vector.extract_strided_slice %get3A_430 {offsets = [0, 3], sizes = [512, 1], strides = [1, 1]} : vector<512x4xf32> to vector<512x1xf32>
    %sub3A_435 = arith.subf %slice3A_433, %slice3A_431 : vector<512x1xf32>
    %max3A_436 = arith.constant 0.000000e+00 : f32
    %max3A_437 = vector.broadcast %max3A_436 : f32 to vector<512x1xf32>
    %max3A_438 = arith.maximumf %sub3A_435, %max3A_437 : vector<512x1xf32>
    %sub3A_439 = arith.subf %slice3A_434, %slice3A_432 : vector<512x1xf32>
    %max3A_440 = arith.constant 0.000000e+00 : f32
    %max3A_441 = vector.broadcast %max3A_440 : f32 to vector<512x1xf32>
    %max3A_442 = arith.maximumf %sub3A_439, %max3A_441 : vector<512x1xf32>
    %mul3A_443 = arith.mulf %max3A_438, %max3A_442 : vector<512x1xf32>
    %max3A_444 = vector.broadcast %slice3A_431 : vector<512x1xf32> to vector<512x512xf32>
    %max3A_445 = vector.broadcast %slice3A_402 : vector<1x512xf32> to vector<512x512xf32>
    %max3A_446 = arith.maximumf %max3A_444, %max3A_445 : vector<512x512xf32>
    %max3A_447 = vector.broadcast %slice3A_432 : vector<512x1xf32> to vector<512x512xf32>
    %max3A_448 = vector.broadcast %slice3A_403 : vector<1x512xf32> to vector<512x512xf32>
    %max3A_449 = arith.maximumf %max3A_447, %max3A_448 : vector<512x512xf32>
    %min3A_450 = vector.broadcast %slice3A_433 : vector<512x1xf32> to vector<512x512xf32>
    %min3A_451 = vector.broadcast %slice3A_404 : vector<1x512xf32> to vector<512x512xf32>
    %min3A_452 = arith.minimumf %min3A_450, %min3A_451 : vector<512x512xf32>
    %min3A_453 = vector.broadcast %slice3A_434 : vector<512x1xf32> to vector<512x512xf32>
    %min3A_454 = vector.broadcast %slice3A_405 : vector<1x512xf32> to vector<512x512xf32>
    %min3A_455 = arith.minimumf %min3A_453, %min3A_454 : vector<512x512xf32>
    %sub3A_456 = arith.subf %min3A_452, %max3A_446 : vector<512x512xf32>
    %max3A_457 = arith.constant 0.000000e+00 : f32
    %max3A_458 = vector.broadcast %max3A_457 : f32 to vector<512x512xf32>
    %max3A_459 = arith.maximumf %sub3A_456, %max3A_458 : vector<512x512xf32>
    %sub3A_460 = arith.subf %min3A_455, %max3A_449 : vector<512x512xf32>
    %max3A_461 = arith.constant 0.000000e+00 : f32
    %max3A_462 = vector.broadcast %max3A_461 : f32 to vector<512x512xf32>
    %max3A_463 = arith.maximumf %sub3A_460, %max3A_462 : vector<512x512xf32>
    %mul3A_464 = arith.mulf %max3A_459, %max3A_463 : vector<512x512xf32>
    %add3A_465 = vector.broadcast %mul3A_443 : vector<512x1xf32> to vector<512x512xf32>
    %add3A_466 = vector.broadcast %mul3A_414 : vector<1x512xf32> to vector<512x512xf32>
    %add3A_467 = arith.addf %add3A_465, %add3A_466 : vector<512x512xf32>
    %sub3A_468 = arith.subf %add3A_467, %mul3A_464 : vector<512x512xf32>
    %add3A_469 = arith.constant 9.99999993E-9 : f32
    %add3A_470 = vector.broadcast %add3A_469 : f32 to vector<512x512xf32>
    %add3A_471 = arith.addf %sub3A_468, %add3A_470 : vector<512x512xf32>
    %div3A_472 = arith.divf %mul3A_464, %add3A_471 : vector<512x512xf32>
    %iota3A_473 = tpu.iota {dimensions = array<i32: 0>} : vector<512x512xi32>
    %iota3A_474 = tpu.iota {dimensions = array<i32: 1>} : vector<512x512xi32>
    %gt3A_475 = arith.constant 0.699999988 : f32
    %gt3A_476 = vector.broadcast %gt3A_475 : f32 to vector<512x512xf32>
    %gt3A_477 = arith.cmpf ogt, %div3A_472, %gt3A_476 : vector<512x512xf32>
    %lt3A_478 = arith.cmpi slt, %iota3A_473, %iota3A_474 : vector<512x512xi32>
    %and3A_479 = arith.andi %gt3A_477, %lt3A_478 : vector<512x512xi1>
    %jit3A_480 = arith.constant 1.000000e+00 : f32
    %jit3A_481 = arith.constant 0.000000e+00 : f32
    %broadcast_in_dim3A_482 = vector.broadcast %jit3A_480 : f32 to vector<512x512xf32>
    %broadcast_in_dim3A_483 = vector.broadcast %jit3A_481 : f32 to vector<512x512xf32>
    %select_n3A_484 = arith.select %and3A_479, %broadcast_in_dim3A_482, %broadcast_in_dim3A_483 : vector<512x512xi1>, vector<512x512xf32>
    %dot_general3A_485 = arith.constant dense<0.000000e+00> : vector<1x512xf32>
    %dot_general3A_486 = tpu.matmul %sub3A_425, %select_n3A_484, %dot_general3A_485 {dimension_numbers = #tpu.dot_dimension_numbers<[1], [0], [0], [1], [0, 0, 1, 1], [], []>, transpose_lhs_hint = false} : vector<1x512xf32>, vector<512x512xf32>, vector<1x512xf32> -> vector<1x512xf32>
    %gt3A_487 = arith.constant 5.000000e-01 : f32
    %gt3A_488 = vector.broadcast %gt3A_487 : f32 to vector<1x512xf32>
    %gt3A_489 = arith.cmpf ogt, %dot_general3A_486, %gt3A_488 : vector<1x512xf32>
    %jit3A_490 = arith.constant 0.000000e+00 : f32
    %broadcast_in_dim3A_491 = vector.broadcast %jit3A_490 : f32 to vector<1x512xf32>
    %select_n3A_492 = arith.select %gt3A_489, %broadcast_in_dim3A_491, %sub3A_425 : vector<1x512xi1>, vector<1x512xf32>
    %ne3A_493 = arith.cmpf one, %select_n3A_492, %sub3A_425 : vector<1x512xf32>
    %reduce_or3A_494 = arith.constant 1.000000e+00 : f32
    %reduce_or3A_495 = arith.constant 0.000000e+00 : f32
    %reduce_or3A_496 = vector.broadcast %reduce_or3A_494 : f32 to vector<1x512xf32>
    %reduce_or3A_497 = vector.broadcast %reduce_or3A_495 : f32 to vector<1x512xf32>
    %reduce_or3A_498 = arith.select %ne3A_493, %reduce_or3A_496, %reduce_or3A_497 : vector<1x512xi1>, vector<1x512xf32>
    %reduce_or3A_499 = vector.shape_cast %reduce_or3A_498 : vector<1x512xf32> to vector<1x1x512xf32>
    %reduce_or3A_500 = arith.constant dense<0xFF800000> : vector<1xf32>
    %reduce_or3A_501 = vector.multi_reduction <maximumf>, %reduce_or3A_499, %reduce_or3A_500 [1, 2] : vector<1x1x512xf32> to vector<1xf32>
    %reduce_or3A_502 = vector.shape_cast %reduce_or3A_501 : vector<1xf32> to vector<1x1x1xf32>
    %reduce_or3A_503 = vector.extract %reduce_or3A_502[0, 0, 0] : f32 from vector<1x1x1xf32>
    %reduce_or3A_504 = arith.constant 0.000000e+00 : f32
    %reduce_or3A_505 = arith.cmpf ogt, %reduce_or3A_503, %reduce_or3A_504 : f32
    %while3A_506:2 = scf.while (%while3A_1539 = %select_n3A_492, %while3A_1540 = %reduce_or3A_505) : (vector<1x512xf32>, i1) -> (vector<1x512xf32>, i1) {
      scf.condition(%while3A_1540) %while3A_1539, %while3A_1540 : vector<1x512xf32>, i1
    } do {
    ^bb0(%while3A_1539: vector<1x512xf32>, %while3A_1540: i1):
      %dot_general3A_1541 = arith.constant dense<0.000000e+00> : vector<1x512xf32>
      %dot_general3A_1542 = tpu.matmul %while3A_1539, %select_n3A_484, %dot_general3A_1541 {dimension_numbers = #tpu.dot_dimension_numbers<[1], [0], [0], [1], [0, 0, 1, 1], [], []>, transpose_lhs_hint = false} : vector<1x512xf32>, vector<512x512xf32>, vector<1x512xf32> -> vector<1x512xf32>
      %gt3A_1543 = arith.constant 5.000000e-01 : f32
      %gt3A_1544 = vector.broadcast %gt3A_1543 : f32 to vector<1x512xf32>
      %gt3A_1545 = arith.cmpf ogt, %dot_general3A_1542, %gt3A_1544 : vector<1x512xf32>
      %jit3A_1546 = arith.constant 0.000000e+00 : f32
      %broadcast_in_dim3A_1547 = vector.broadcast %jit3A_1546 : f32 to vector<1x512xf32>
      %select_n3A_1548 = arith.select %gt3A_1545, %broadcast_in_dim3A_1547, %sub3A_425 : vector<1x512xi1>, vector<1x512xf32>
      %ne3A_1549 = arith.cmpf one, %select_n3A_1548, %while3A_1539 : vector<1x512xf32>
      %reduce_or3A_1550 = arith.constant 1.000000e+00 : f32
      %reduce_or3A_1551 = arith.constant 0.000000e+00 : f32
      %reduce_or3A_1552 = vector.broadcast %reduce_or3A_1550 : f32 to vector<1x512xf32>
      %reduce_or3A_1553 = vector.broadcast %reduce_or3A_1551 : f32 to vector<1x512xf32>
      %reduce_or3A_1554 = arith.select %ne3A_1549, %reduce_or3A_1552, %reduce_or3A_1553 : vector<1x512xi1>, vector<1x512xf32>
      %reduce_or3A_1555 = vector.shape_cast %reduce_or3A_1554 : vector<1x512xf32> to vector<1x1x512xf32>
      %reduce_or3A_1556 = arith.constant dense<0xFF800000> : vector<1xf32>
      %reduce_or3A_1557 = vector.multi_reduction <maximumf>, %reduce_or3A_1555, %reduce_or3A_1556 [1, 2] : vector<1x1x512xf32> to vector<1xf32>
      %reduce_or3A_1558 = vector.shape_cast %reduce_or3A_1557 : vector<1xf32> to vector<1x1x1xf32>
      %reduce_or3A_1559 = vector.extract %reduce_or3A_1558[0, 0, 0] : f32 from vector<1x1x1xf32>
      %reduce_or3A_1560 = arith.constant 0.000000e+00 : f32
      %reduce_or3A_1561 = arith.cmpf ogt, %reduce_or3A_1559, %reduce_or3A_1560 : f32
      scf.yield %select_n3A_1548, %reduce_or3A_1561 : vector<1x512xf32>, i1
    }
    %swap3A_507 = arith.constant 0 : index
    %swap3A_508 = arith.constant 1536 : index
    %swap3A_509 = vector.load %arg5[%swap3A_507, %swap3A_508] : memref<1x6144xf32, #tpu.memory_space<vmem>>, vector<1x512xf32>
    tpu.vector_store %arg5[%swap3A_507, %swap3A_508], %while3A_506#0 {strides = array<i32>} : memref<1x6144xf32, #tpu.memory_space<vmem>>, vector<1x512xf32>,
    %eq3A_510 = arith.cmpi eq, %iota3A_473, %iota3A_474 : vector<512x512xi32>
    %jit3A_511 = arith.constant 1.000000e+00 : f32
    %jit3A_512 = arith.constant 0.000000e+00 : f32
    %broadcast_in_dim3A_513 = vector.broadcast %jit3A_511 : f32 to vector<512x512xf32>
    %broadcast_in_dim3A_514 = vector.broadcast %jit3A_512 : f32 to vector<512x512xf32>
    %select_n3A_515 = arith.select %eq3A_510, %broadcast_in_dim3A_513, %broadcast_in_dim3A_514 : vector<512x512xi1>, vector<512x512xf32>
    %mul3A_516 = vector.broadcast %while3A_506#0 : vector<1x512xf32> to vector<512x512xf32>
    %mul3A_517 = arith.mulf %select_n3A_515, %mul3A_516 : vector<512x512xf32>
    %reduce_sum3A_518 = arith.constant dense<0.000000e+00> : vector<512xf32>
    %reduce_sum3A_519 = vector.multi_reduction <add>, %mul3A_517, %reduce_sum3A_518 [1] : vector<512x512xf32> to vector<512xf32>
    %broadcast_in_dim3A_520 = vector.shape_cast %reduce_sum3A_519 : vector<512xf32> to vector<512x1xf32>
    %mul3A_521 = vector.broadcast %broadcast_in_dim3A_520 : vector<512x1xf32> to vector<512x4xf32>
    %mul3A_522 = arith.mulf %get3A_430, %mul3A_521 : vector<512x4xf32>
    %swap3A_523 = arith.constant 1536 : index
    %swap3A_524 = arith.constant 0 : index
    %swap3A_525 = vector.load %arg4[%swap3A_523, %swap3A_524] : memref<6144x4xf32, #tpu.memory_space<vmem>>, vector<512x4xf32>
    tpu.vector_store %arg4[%swap3A_523, %swap3A_524], %mul3A_522 {strides = array<i32>} : memref<6144x4xf32, #tpu.memory_space<vmem>>, vector<512x4xf32>,
    %slice3A_526 = vector.extract_strided_slice %get3A_3 {offsets = [0, 2048], sizes = [1, 512], strides = [1, 1]} : vector<4x6144xf32> to vector<1x512xf32>
    %slice3A_527 = vector.extract_strided_slice %get3A_3 {offsets = [1, 2048], sizes = [1, 512], strides = [1, 1]} : vector<4x6144xf32> to vector<1x512xf32>
    %slice3A_528 = vector.extract_strided_slice %get3A_3 {offsets = [2, 2048], sizes = [1, 512], strides = [1, 1]} : vector<4x6144xf32> to vector<1x512xf32>
    %slice3A_529 = vector.extract_strided_slice %get3A_3 {offsets = [3, 2048], sizes = [1, 512], strides = [1, 1]} : vector<4x6144xf32> to vector<1x512xf32>
    %sub3A_530 = arith.subf %slice3A_528, %slice3A_526 : vector<1x512xf32>
    %max3A_531 = arith.constant 0.000000e+00 : f32
    %max3A_532 = vector.broadcast %max3A_531 : f32 to vector<1x512xf32>
    %max3A_533 = arith.maximumf %sub3A_530, %max3A_532 : vector<1x512xf32>
    %sub3A_534 = arith.subf %slice3A_529, %slice3A_527 : vector<1x512xf32>
    %max3A_535 = arith.constant 0.000000e+00 : f32
    %max3A_536 = vector.broadcast %max3A_535 : f32 to vector<1x512xf32>
    %max3A_537 = arith.maximumf %sub3A_534, %max3A_536 : vector<1x512xf32>
    %mul3A_538 = arith.mulf %max3A_533, %max3A_537 : vector<1x512xf32>
    %broadcast_in_dim3A_539 = arith.constant 0.000000e+00 : f32
    %broadcast_in_dim3A_540 = vector.broadcast %broadcast_in_dim3A_539 : f32 to vector<1x512xf32>
    %scan3A_541 = arith.constant 0 : i32
    %scan3A_542 = arith.constant 4 : i32
    %scan3A_543 = arith.addi %scan3A_541, %scan3A_542 : i32
    %scan3A_544 = arith.constant 1 : i32
    %scan3A_545 = scf.for %scan3A_1539 = %scan3A_541 to %scan3A_543 step %scan3A_544 iter_args(%scan3A_1540 = %broadcast_in_dim3A_540) -> (vector<1x512xf32>)  : i32 {
      %mul3A_1541 = arith.constant 512 : i32
      %mul3A_1542 = arith.muli %scan3A_1539, %mul3A_1541 : i32
      %get3A_1543 = arith.index_cast %mul3A_1542 : i32 to index
      %get3A_1544 = arith.constant 0 : index
      %get3A_1545 = vector.load %arg4[%get3A_1543, %get3A_1544] : memref<6144x4xf32, #tpu.memory_space<vmem>>, vector<512x4xf32>
      %slice3A_1546 = vector.extract_strided_slice %get3A_1545 {offsets = [0, 0], sizes = [512, 1], strides = [1, 1]} : vector<512x4xf32> to vector<512x1xf32>
      %slice3A_1547 = vector.extract_strided_slice %get3A_1545 {offsets = [0, 1], sizes = [512, 1], strides = [1, 1]} : vector<512x4xf32> to vector<512x1xf32>
      %slice3A_1548 = vector.extract_strided_slice %get3A_1545 {offsets = [0, 2], sizes = [512, 1], strides = [1, 1]} : vector<512x4xf32> to vector<512x1xf32>
      %slice3A_1549 = vector.extract_strided_slice %get3A_1545 {offsets = [0, 3], sizes = [512, 1], strides = [1, 1]} : vector<512x4xf32> to vector<512x1xf32>
      %sub3A_1550 = arith.subf %slice3A_1548, %slice3A_1546 : vector<512x1xf32>
      %max3A_1551 = arith.constant 0.000000e+00 : f32
      %max3A_1552 = vector.broadcast %max3A_1551 : f32 to vector<512x1xf32>
      %max3A_1553 = arith.maximumf %sub3A_1550, %max3A_1552 : vector<512x1xf32>
      %sub3A_1554 = arith.subf %slice3A_1549, %slice3A_1547 : vector<512x1xf32>
      %max3A_1555 = arith.constant 0.000000e+00 : f32
      %max3A_1556 = vector.broadcast %max3A_1555 : f32 to vector<512x1xf32>
      %max3A_1557 = arith.maximumf %sub3A_1554, %max3A_1556 : vector<512x1xf32>
      %mul3A_1558 = arith.mulf %max3A_1553, %max3A_1557 : vector<512x1xf32>
      %max3A_1559 = vector.broadcast %slice3A_1546 : vector<512x1xf32> to vector<512x512xf32>
      %max3A_1560 = vector.broadcast %slice3A_526 : vector<1x512xf32> to vector<512x512xf32>
      %max3A_1561 = arith.maximumf %max3A_1559, %max3A_1560 : vector<512x512xf32>
      %max3A_1562 = vector.broadcast %slice3A_1547 : vector<512x1xf32> to vector<512x512xf32>
      %max3A_1563 = vector.broadcast %slice3A_527 : vector<1x512xf32> to vector<512x512xf32>
      %max3A_1564 = arith.maximumf %max3A_1562, %max3A_1563 : vector<512x512xf32>
      %min3A_1565 = vector.broadcast %slice3A_1548 : vector<512x1xf32> to vector<512x512xf32>
      %min3A_1566 = vector.broadcast %slice3A_528 : vector<1x512xf32> to vector<512x512xf32>
      %min3A_1567 = arith.minimumf %min3A_1565, %min3A_1566 : vector<512x512xf32>
      %min3A_1568 = vector.broadcast %slice3A_1549 : vector<512x1xf32> to vector<512x512xf32>
      %min3A_1569 = vector.broadcast %slice3A_529 : vector<1x512xf32> to vector<512x512xf32>
      %min3A_1570 = arith.minimumf %min3A_1568, %min3A_1569 : vector<512x512xf32>
      %sub3A_1571 = arith.subf %min3A_1567, %max3A_1561 : vector<512x512xf32>
      %max3A_1572 = arith.constant 0.000000e+00 : f32
      %max3A_1573 = vector.broadcast %max3A_1572 : f32 to vector<512x512xf32>
      %max3A_1574 = arith.maximumf %sub3A_1571, %max3A_1573 : vector<512x512xf32>
      %sub3A_1575 = arith.subf %min3A_1570, %max3A_1564 : vector<512x512xf32>
      %max3A_1576 = arith.constant 0.000000e+00 : f32
      %max3A_1577 = vector.broadcast %max3A_1576 : f32 to vector<512x512xf32>
      %max3A_1578 = arith.maximumf %sub3A_1575, %max3A_1577 : vector<512x512xf32>
      %mul3A_1579 = arith.mulf %max3A_1574, %max3A_1578 : vector<512x512xf32>
      %add3A_1580 = vector.broadcast %mul3A_1558 : vector<512x1xf32> to vector<512x512xf32>
      %add3A_1581 = vector.broadcast %mul3A_538 : vector<1x512xf32> to vector<512x512xf32>
      %add3A_1582 = arith.addf %add3A_1580, %add3A_1581 : vector<512x512xf32>
      %sub3A_1583 = arith.subf %add3A_1582, %mul3A_1579 : vector<512x512xf32>
      %add3A_1584 = arith.constant 9.99999993E-9 : f32
      %add3A_1585 = vector.broadcast %add3A_1584 : f32 to vector<512x512xf32>
      %add3A_1586 = arith.addf %sub3A_1583, %add3A_1585 : vector<512x512xf32>
      %div3A_1587 = arith.divf %mul3A_1579, %add3A_1586 : vector<512x512xf32>
      %gt3A_1588 = arith.constant 0.699999988 : f32
      %gt3A_1589 = vector.broadcast %gt3A_1588 : f32 to vector<512x512xf32>
      %gt3A_1590 = arith.cmpf ogt, %div3A_1587, %gt3A_1589 : vector<512x512xf32>
      %jit3A_1591 = arith.constant 1.000000e+00 : f32
      %jit3A_1592 = arith.constant 0.000000e+00 : f32
      %broadcast_in_dim3A_1593 = vector.broadcast %jit3A_1591 : f32 to vector<512x512xf32>
      %broadcast_in_dim3A_1594 = vector.broadcast %jit3A_1592 : f32 to vector<512x512xf32>
      %select_n3A_1595 = arith.select %gt3A_1590, %broadcast_in_dim3A_1593, %broadcast_in_dim3A_1594 : vector<512x512xi1>, vector<512x512xf32>
      %reduce_max3A_1596 = arith.constant dense<0xFF800000> : vector<512xf32>
      %reduce_max3A_1597 = vector.multi_reduction <maximumf>, %select_n3A_1595, %reduce_max3A_1596 [0] : vector<512x512xf32> to vector<512xf32>
      %broadcast_in_dim3A_1598 = vector.shape_cast %reduce_max3A_1597 : vector<512xf32> to vector<1x512xf32>
      %max3A_1599 = arith.maximumf %scan3A_1540, %broadcast_in_dim3A_1598 : vector<1x512xf32>
      scf.yield %max3A_1599 : vector<1x512xf32>
    }
    %scan3A_546 = arith.constant 4 : i32
    %sub3A_547 = arith.constant 1.000000e+00 : f32
    %sub3A_548 = vector.broadcast %sub3A_547 : f32 to vector<1x512xf32>
    %sub3A_549 = arith.subf %sub3A_548, %scan3A_545 : vector<1x512xf32>
    %get3A_550 = arith.constant 0 : index
    %get3A_551 = arith.constant 2048 : index
    %get3A_552 = arith.constant 0 : index
    %get3A_553 = vector.load %arg2[%get3A_550, %get3A_551, %get3A_552] : memref<1x6144x4xf32, #tpu.memory_space<vmem>>, vector<1x512x4xf32>
    %get3A_554 = vector.shape_cast %get3A_553 : vector<1x512x4xf32> to vector<512x4xf32>
    %slice3A_555 = vector.extract_strided_slice %get3A_554 {offsets = [0, 0], sizes = [512, 1], strides = [1, 1]} : vector<512x4xf32> to vector<512x1xf32>
    %slice3A_556 = vector.extract_strided_slice %get3A_554 {offsets = [0, 1], sizes = [512, 1], strides = [1, 1]} : vector<512x4xf32> to vector<512x1xf32>
    %slice3A_557 = vector.extract_strided_slice %get3A_554 {offsets = [0, 2], sizes = [512, 1], strides = [1, 1]} : vector<512x4xf32> to vector<512x1xf32>
    %slice3A_558 = vector.extract_strided_slice %get3A_554 {offsets = [0, 3], sizes = [512, 1], strides = [1, 1]} : vector<512x4xf32> to vector<512x1xf32>
    %sub3A_559 = arith.subf %slice3A_557, %slice3A_555 : vector<512x1xf32>
    %max3A_560 = arith.constant 0.000000e+00 : f32
    %max3A_561 = vector.broadcast %max3A_560 : f32 to vector<512x1xf32>
    %max3A_562 = arith.maximumf %sub3A_559, %max3A_561 : vector<512x1xf32>
    %sub3A_563 = arith.subf %slice3A_558, %slice3A_556 : vector<512x1xf32>
    %max3A_564 = arith.constant 0.000000e+00 : f32
    %max3A_565 = vector.broadcast %max3A_564 : f32 to vector<512x1xf32>
    %max3A_566 = arith.maximumf %sub3A_563, %max3A_565 : vector<512x1xf32>
    %mul3A_567 = arith.mulf %max3A_562, %max3A_566 : vector<512x1xf32>
    %max3A_568 = vector.broadcast %slice3A_555 : vector<512x1xf32> to vector<512x512xf32>
    %max3A_569 = vector.broadcast %slice3A_526 : vector<1x512xf32> to vector<512x512xf32>
    %max3A_570 = arith.maximumf %max3A_568, %max3A_569 : vector<512x512xf32>
    %max3A_571 = vector.broadcast %slice3A_556 : vector<512x1xf32> to vector<512x512xf32>
    %max3A_572 = vector.broadcast %slice3A_527 : vector<1x512xf32> to vector<512x512xf32>
    %max3A_573 = arith.maximumf %max3A_571, %max3A_572 : vector<512x512xf32>
    %min3A_574 = vector.broadcast %slice3A_557 : vector<512x1xf32> to vector<512x512xf32>
    %min3A_575 = vector.broadcast %slice3A_528 : vector<1x512xf32> to vector<512x512xf32>
    %min3A_576 = arith.minimumf %min3A_574, %min3A_575 : vector<512x512xf32>
    %min3A_577 = vector.broadcast %slice3A_558 : vector<512x1xf32> to vector<512x512xf32>
    %min3A_578 = vector.broadcast %slice3A_529 : vector<1x512xf32> to vector<512x512xf32>
    %min3A_579 = arith.minimumf %min3A_577, %min3A_578 : vector<512x512xf32>
    %sub3A_580 = arith.subf %min3A_576, %max3A_570 : vector<512x512xf32>
    %max3A_581 = arith.constant 0.000000e+00 : f32
    %max3A_582 = vector.broadcast %max3A_581 : f32 to vector<512x512xf32>
    %max3A_583 = arith.maximumf %sub3A_580, %max3A_582 : vector<512x512xf32>
    %sub3A_584 = arith.subf %min3A_579, %max3A_573 : vector<512x512xf32>
    %max3A_585 = arith.constant 0.000000e+00 : f32
    %max3A_586 = vector.broadcast %max3A_585 : f32 to vector<512x512xf32>
    %max3A_587 = arith.maximumf %sub3A_584, %max3A_586 : vector<512x512xf32>
    %mul3A_588 = arith.mulf %max3A_583, %max3A_587 : vector<512x512xf32>
    %add3A_589 = vector.broadcast %mul3A_567 : vector<512x1xf32> to vector<512x512xf32>
    %add3A_590 = vector.broadcast %mul3A_538 : vector<1x512xf32> to vector<512x512xf32>
    %add3A_591 = arith.addf %add3A_589, %add3A_590 : vector<512x512xf32>
    %sub3A_592 = arith.subf %add3A_591, %mul3A_588 : vector<512x512xf32>
    %add3A_593 = arith.constant 9.99999993E-9 : f32
    %add3A_594 = vector.broadcast %add3A_593 : f32 to vector<512x512xf32>
    %add3A_595 = arith.addf %sub3A_592, %add3A_594 : vector<512x512xf32>
    %div3A_596 = arith.divf %mul3A_588, %add3A_595 : vector<512x512xf32>
    %iota3A_597 = tpu.iota {dimensions = array<i32: 0>} : vector<512x512xi32>
    %iota3A_598 = tpu.iota {dimensions = array<i32: 1>} : vector<512x512xi32>
    %gt3A_599 = arith.constant 0.699999988 : f32
    %gt3A_600 = vector.broadcast %gt3A_599 : f32 to vector<512x512xf32>
    %gt3A_601 = arith.cmpf ogt, %div3A_596, %gt3A_600 : vector<512x512xf32>
    %lt3A_602 = arith.cmpi slt, %iota3A_597, %iota3A_598 : vector<512x512xi32>
    %and3A_603 = arith.andi %gt3A_601, %lt3A_602 : vector<512x512xi1>
    %jit3A_604 = arith.constant 1.000000e+00 : f32
    %jit3A_605 = arith.constant 0.000000e+00 : f32
    %broadcast_in_dim3A_606 = vector.broadcast %jit3A_604 : f32 to vector<512x512xf32>
    %broadcast_in_dim3A_607 = vector.broadcast %jit3A_605 : f32 to vector<512x512xf32>
    %select_n3A_608 = arith.select %and3A_603, %broadcast_in_dim3A_606, %broadcast_in_dim3A_607 : vector<512x512xi1>, vector<512x512xf32>
    %dot_general3A_609 = arith.constant dense<0.000000e+00> : vector<1x512xf32>
    %dot_general3A_610 = tpu.matmul %sub3A_549, %select_n3A_608, %dot_general3A_609 {dimension_numbers = #tpu.dot_dimension_numbers<[1], [0], [0], [1], [0, 0, 1, 1], [], []>, transpose_lhs_hint = false} : vector<1x512xf32>, vector<512x512xf32>, vector<1x512xf32> -> vector<1x512xf32>
    %gt3A_611 = arith.constant 5.000000e-01 : f32
    %gt3A_612 = vector.broadcast %gt3A_611 : f32 to vector<1x512xf32>
    %gt3A_613 = arith.cmpf ogt, %dot_general3A_610, %gt3A_612 : vector<1x512xf32>
    %jit3A_614 = arith.constant 0.000000e+00 : f32
    %broadcast_in_dim3A_615 = vector.broadcast %jit3A_614 : f32 to vector<1x512xf32>
    %select_n3A_616 = arith.select %gt3A_613, %broadcast_in_dim3A_615, %sub3A_549 : vector<1x512xi1>, vector<1x512xf32>
    %ne3A_617 = arith.cmpf one, %select_n3A_616, %sub3A_549 : vector<1x512xf32>
    %reduce_or3A_618 = arith.constant 1.000000e+00 : f32
    %reduce_or3A_619 = arith.constant 0.000000e+00 : f32
    %reduce_or3A_620 = vector.broadcast %reduce_or3A_618 : f32 to vector<1x512xf32>
    %reduce_or3A_621 = vector.broadcast %reduce_or3A_619 : f32 to vector<1x512xf32>
    %reduce_or3A_622 = arith.select %ne3A_617, %reduce_or3A_620, %reduce_or3A_621 : vector<1x512xi1>, vector<1x512xf32>
    %reduce_or3A_623 = vector.shape_cast %reduce_or3A_622 : vector<1x512xf32> to vector<1x1x512xf32>
    %reduce_or3A_624 = arith.constant dense<0xFF800000> : vector<1xf32>
    %reduce_or3A_625 = vector.multi_reduction <maximumf>, %reduce_or3A_623, %reduce_or3A_624 [1, 2] : vector<1x1x512xf32> to vector<1xf32>
    %reduce_or3A_626 = vector.shape_cast %reduce_or3A_625 : vector<1xf32> to vector<1x1x1xf32>
    %reduce_or3A_627 = vector.extract %reduce_or3A_626[0, 0, 0] : f32 from vector<1x1x1xf32>
    %reduce_or3A_628 = arith.constant 0.000000e+00 : f32
    %reduce_or3A_629 = arith.cmpf ogt, %reduce_or3A_627, %reduce_or3A_628 : f32
    %while3A_630:2 = scf.while (%while3A_1539 = %select_n3A_616, %while3A_1540 = %reduce_or3A_629) : (vector<1x512xf32>, i1) -> (vector<1x512xf32>, i1) {
      scf.condition(%while3A_1540) %while3A_1539, %while3A_1540 : vector<1x512xf32>, i1
    } do {
    ^bb0(%while3A_1539: vector<1x512xf32>, %while3A_1540: i1):
      %dot_general3A_1541 = arith.constant dense<0.000000e+00> : vector<1x512xf32>
      %dot_general3A_1542 = tpu.matmul %while3A_1539, %select_n3A_608, %dot_general3A_1541 {dimension_numbers = #tpu.dot_dimension_numbers<[1], [0], [0], [1], [0, 0, 1, 1], [], []>, transpose_lhs_hint = false} : vector<1x512xf32>, vector<512x512xf32>, vector<1x512xf32> -> vector<1x512xf32>
      %gt3A_1543 = arith.constant 5.000000e-01 : f32
      %gt3A_1544 = vector.broadcast %gt3A_1543 : f32 to vector<1x512xf32>
      %gt3A_1545 = arith.cmpf ogt, %dot_general3A_1542, %gt3A_1544 : vector<1x512xf32>
      %jit3A_1546 = arith.constant 0.000000e+00 : f32
      %broadcast_in_dim3A_1547 = vector.broadcast %jit3A_1546 : f32 to vector<1x512xf32>
      %select_n3A_1548 = arith.select %gt3A_1545, %broadcast_in_dim3A_1547, %sub3A_549 : vector<1x512xi1>, vector<1x512xf32>
      %ne3A_1549 = arith.cmpf one, %select_n3A_1548, %while3A_1539 : vector<1x512xf32>
      %reduce_or3A_1550 = arith.constant 1.000000e+00 : f32
      %reduce_or3A_1551 = arith.constant 0.000000e+00 : f32
      %reduce_or3A_1552 = vector.broadcast %reduce_or3A_1550 : f32 to vector<1x512xf32>
      %reduce_or3A_1553 = vector.broadcast %reduce_or3A_1551 : f32 to vector<1x512xf32>
      %reduce_or3A_1554 = arith.select %ne3A_1549, %reduce_or3A_1552, %reduce_or3A_1553 : vector<1x512xi1>, vector<1x512xf32>
      %reduce_or3A_1555 = vector.shape_cast %reduce_or3A_1554 : vector<1x512xf32> to vector<1x1x512xf32>
      %reduce_or3A_1556 = arith.constant dense<0xFF800000> : vector<1xf32>
      %reduce_or3A_1557 = vector.multi_reduction <maximumf>, %reduce_or3A_1555, %reduce_or3A_1556 [1, 2] : vector<1x1x512xf32> to vector<1xf32>
      %reduce_or3A_1558 = vector.shape_cast %reduce_or3A_1557 : vector<1xf32> to vector<1x1x1xf32>
      %reduce_or3A_1559 = vector.extract %reduce_or3A_1558[0, 0, 0] : f32 from vector<1x1x1xf32>
      %reduce_or3A_1560 = arith.constant 0.000000e+00 : f32
      %reduce_or3A_1561 = arith.cmpf ogt, %reduce_or3A_1559, %reduce_or3A_1560 : f32
      scf.yield %select_n3A_1548, %reduce_or3A_1561 : vector<1x512xf32>, i1
    }
    %swap3A_631 = arith.constant 0 : index
    %swap3A_632 = arith.constant 2048 : index
    %swap3A_633 = vector.load %arg5[%swap3A_631, %swap3A_632] : memref<1x6144xf32, #tpu.memory_space<vmem>>, vector<1x512xf32>
    tpu.vector_store %arg5[%swap3A_631, %swap3A_632], %while3A_630#0 {strides = array<i32>} : memref<1x6144xf32, #tpu.memory_space<vmem>>, vector<1x512xf32>,
    %eq3A_634 = arith.cmpi eq, %iota3A_597, %iota3A_598 : vector<512x512xi32>
    %jit3A_635 = arith.constant 1.000000e+00 : f32
    %jit3A_636 = arith.constant 0.000000e+00 : f32
    %broadcast_in_dim3A_637 = vector.broadcast %jit3A_635 : f32 to vector<512x512xf32>
    %broadcast_in_dim3A_638 = vector.broadcast %jit3A_636 : f32 to vector<512x512xf32>
    %select_n3A_639 = arith.select %eq3A_634, %broadcast_in_dim3A_637, %broadcast_in_dim3A_638 : vector<512x512xi1>, vector<512x512xf32>
    %mul3A_640 = vector.broadcast %while3A_630#0 : vector<1x512xf32> to vector<512x512xf32>
    %mul3A_641 = arith.mulf %select_n3A_639, %mul3A_640 : vector<512x512xf32>
    %reduce_sum3A_642 = arith.constant dense<0.000000e+00> : vector<512xf32>
    %reduce_sum3A_643 = vector.multi_reduction <add>, %mul3A_641, %reduce_sum3A_642 [1] : vector<512x512xf32> to vector<512xf32>
    %broadcast_in_dim3A_644 = vector.shape_cast %reduce_sum3A_643 : vector<512xf32> to vector<512x1xf32>
    %mul3A_645 = vector.broadcast %broadcast_in_dim3A_644 : vector<512x1xf32> to vector<512x4xf32>
    %mul3A_646 = arith.mulf %get3A_554, %mul3A_645 : vector<512x4xf32>
    %swap3A_647 = arith.constant 2048 : index
    %swap3A_648 = arith.constant 0 : index
    %swap3A_649 = vector.load %arg4[%swap3A_647, %swap3A_648] : memref<6144x4xf32, #tpu.memory_space<vmem>>, vector<512x4xf32>
    tpu.vector_store %arg4[%swap3A_647, %swap3A_648], %mul3A_646 {strides = array<i32>} : memref<6144x4xf32, #tpu.memory_space<vmem>>, vector<512x4xf32>,
    %slice3A_650 = vector.extract_strided_slice %get3A_3 {offsets = [0, 2560], sizes = [1, 512], strides = [1, 1]} : vector<4x6144xf32> to vector<1x512xf32>
    %slice3A_651 = vector.extract_strided_slice %get3A_3 {offsets = [1, 2560], sizes = [1, 512], strides = [1, 1]} : vector<4x6144xf32> to vector<1x512xf32>
    %slice3A_652 = vector.extract_strided_slice %get3A_3 {offsets = [2, 2560], sizes = [1, 512], strides = [1, 1]} : vector<4x6144xf32> to vector<1x512xf32>
    %slice3A_653 = vector.extract_strided_slice %get3A_3 {offsets = [3, 2560], sizes = [1, 512], strides = [1, 1]} : vector<4x6144xf32> to vector<1x512xf32>
    %sub3A_654 = arith.subf %slice3A_652, %slice3A_650 : vector<1x512xf32>
    %max3A_655 = arith.constant 0.000000e+00 : f32
    %max3A_656 = vector.broadcast %max3A_655 : f32 to vector<1x512xf32>
    %max3A_657 = arith.maximumf %sub3A_654, %max3A_656 : vector<1x512xf32>
    %sub3A_658 = arith.subf %slice3A_653, %slice3A_651 : vector<1x512xf32>
    %max3A_659 = arith.constant 0.000000e+00 : f32
    %max3A_660 = vector.broadcast %max3A_659 : f32 to vector<1x512xf32>
    %max3A_661 = arith.maximumf %sub3A_658, %max3A_660 : vector<1x512xf32>
    %mul3A_662 = arith.mulf %max3A_657, %max3A_661 : vector<1x512xf32>
    %broadcast_in_dim3A_663 = arith.constant 0.000000e+00 : f32
    %broadcast_in_dim3A_664 = vector.broadcast %broadcast_in_dim3A_663 : f32 to vector<1x512xf32>
    %scan3A_665 = arith.constant 0 : i32
    %scan3A_666 = arith.constant 5 : i32
    %scan3A_667 = arith.addi %scan3A_665, %scan3A_666 : i32
    %scan3A_668 = arith.constant 1 : i32
    %scan3A_669 = scf.for %scan3A_1539 = %scan3A_665 to %scan3A_667 step %scan3A_668 iter_args(%scan3A_1540 = %broadcast_in_dim3A_664) -> (vector<1x512xf32>)  : i32 {
      %mul3A_1541 = arith.constant 512 : i32
      %mul3A_1542 = arith.muli %scan3A_1539, %mul3A_1541 : i32
      %get3A_1543 = arith.index_cast %mul3A_1542 : i32 to index
      %get3A_1544 = arith.constant 0 : index
      %get3A_1545 = vector.load %arg4[%get3A_1543, %get3A_1544] : memref<6144x4xf32, #tpu.memory_space<vmem>>, vector<512x4xf32>
      %slice3A_1546 = vector.extract_strided_slice %get3A_1545 {offsets = [0, 0], sizes = [512, 1], strides = [1, 1]} : vector<512x4xf32> to vector<512x1xf32>
      %slice3A_1547 = vector.extract_strided_slice %get3A_1545 {offsets = [0, 1], sizes = [512, 1], strides = [1, 1]} : vector<512x4xf32> to vector<512x1xf32>
      %slice3A_1548 = vector.extract_strided_slice %get3A_1545 {offsets = [0, 2], sizes = [512, 1], strides = [1, 1]} : vector<512x4xf32> to vector<512x1xf32>
      %slice3A_1549 = vector.extract_strided_slice %get3A_1545 {offsets = [0, 3], sizes = [512, 1], strides = [1, 1]} : vector<512x4xf32> to vector<512x1xf32>
      %sub3A_1550 = arith.subf %slice3A_1548, %slice3A_1546 : vector<512x1xf32>
      %max3A_1551 = arith.constant 0.000000e+00 : f32
      %max3A_1552 = vector.broadcast %max3A_1551 : f32 to vector<512x1xf32>
      %max3A_1553 = arith.maximumf %sub3A_1550, %max3A_1552 : vector<512x1xf32>
      %sub3A_1554 = arith.subf %slice3A_1549, %slice3A_1547 : vector<512x1xf32>
      %max3A_1555 = arith.constant 0.000000e+00 : f32
      %max3A_1556 = vector.broadcast %max3A_1555 : f32 to vector<512x1xf32>
      %max3A_1557 = arith.maximumf %sub3A_1554, %max3A_1556 : vector<512x1xf32>
      %mul3A_1558 = arith.mulf %max3A_1553, %max3A_1557 : vector<512x1xf32>
      %max3A_1559 = vector.broadcast %slice3A_1546 : vector<512x1xf32> to vector<512x512xf32>
      %max3A_1560 = vector.broadcast %slice3A_650 : vector<1x512xf32> to vector<512x512xf32>
      %max3A_1561 = arith.maximumf %max3A_1559, %max3A_1560 : vector<512x512xf32>
      %max3A_1562 = vector.broadcast %slice3A_1547 : vector<512x1xf32> to vector<512x512xf32>
      %max3A_1563 = vector.broadcast %slice3A_651 : vector<1x512xf32> to vector<512x512xf32>
      %max3A_1564 = arith.maximumf %max3A_1562, %max3A_1563 : vector<512x512xf32>
      %min3A_1565 = vector.broadcast %slice3A_1548 : vector<512x1xf32> to vector<512x512xf32>
      %min3A_1566 = vector.broadcast %slice3A_652 : vector<1x512xf32> to vector<512x512xf32>
      %min3A_1567 = arith.minimumf %min3A_1565, %min3A_1566 : vector<512x512xf32>
      %min3A_1568 = vector.broadcast %slice3A_1549 : vector<512x1xf32> to vector<512x512xf32>
      %min3A_1569 = vector.broadcast %slice3A_653 : vector<1x512xf32> to vector<512x512xf32>
      %min3A_1570 = arith.minimumf %min3A_1568, %min3A_1569 : vector<512x512xf32>
      %sub3A_1571 = arith.subf %min3A_1567, %max3A_1561 : vector<512x512xf32>
      %max3A_1572 = arith.constant 0.000000e+00 : f32
      %max3A_1573 = vector.broadcast %max3A_1572 : f32 to vector<512x512xf32>
      %max3A_1574 = arith.maximumf %sub3A_1571, %max3A_1573 : vector<512x512xf32>
      %sub3A_1575 = arith.subf %min3A_1570, %max3A_1564 : vector<512x512xf32>
      %max3A_1576 = arith.constant 0.000000e+00 : f32
      %max3A_1577 = vector.broadcast %max3A_1576 : f32 to vector<512x512xf32>
      %max3A_1578 = arith.maximumf %sub3A_1575, %max3A_1577 : vector<512x512xf32>
      %mul3A_1579 = arith.mulf %max3A_1574, %max3A_1578 : vector<512x512xf32>
      %add3A_1580 = vector.broadcast %mul3A_1558 : vector<512x1xf32> to vector<512x512xf32>
      %add3A_1581 = vector.broadcast %mul3A_662 : vector<1x512xf32> to vector<512x512xf32>
      %add3A_1582 = arith.addf %add3A_1580, %add3A_1581 : vector<512x512xf32>
      %sub3A_1583 = arith.subf %add3A_1582, %mul3A_1579 : vector<512x512xf32>
      %add3A_1584 = arith.constant 9.99999993E-9 : f32
      %add3A_1585 = vector.broadcast %add3A_1584 : f32 to vector<512x512xf32>
      %add3A_1586 = arith.addf %sub3A_1583, %add3A_1585 : vector<512x512xf32>
      %div3A_1587 = arith.divf %mul3A_1579, %add3A_1586 : vector<512x512xf32>
      %gt3A_1588 = arith.constant 0.699999988 : f32
      %gt3A_1589 = vector.broadcast %gt3A_1588 : f32 to vector<512x512xf32>
      %gt3A_1590 = arith.cmpf ogt, %div3A_1587, %gt3A_1589 : vector<512x512xf32>
      %jit3A_1591 = arith.constant 1.000000e+00 : f32
      %jit3A_1592 = arith.constant 0.000000e+00 : f32
      %broadcast_in_dim3A_1593 = vector.broadcast %jit3A_1591 : f32 to vector<512x512xf32>
      %broadcast_in_dim3A_1594 = vector.broadcast %jit3A_1592 : f32 to vector<512x512xf32>
      %select_n3A_1595 = arith.select %gt3A_1590, %broadcast_in_dim3A_1593, %broadcast_in_dim3A_1594 : vector<512x512xi1>, vector<512x512xf32>
      %reduce_max3A_1596 = arith.constant dense<0xFF800000> : vector<512xf32>
      %reduce_max3A_1597 = vector.multi_reduction <maximumf>, %select_n3A_1595, %reduce_max3A_1596 [0] : vector<512x512xf32> to vector<512xf32>
      %broadcast_in_dim3A_1598 = vector.shape_cast %reduce_max3A_1597 : vector<512xf32> to vector<1x512xf32>
      %max3A_1599 = arith.maximumf %scan3A_1540, %broadcast_in_dim3A_1598 : vector<1x512xf32>
      scf.yield %max3A_1599 : vector<1x512xf32>
    }
    %scan3A_670 = arith.constant 5 : i32
    %sub3A_671 = arith.constant 1.000000e+00 : f32
    %sub3A_672 = vector.broadcast %sub3A_671 : f32 to vector<1x512xf32>
    %sub3A_673 = arith.subf %sub3A_672, %scan3A_669 : vector<1x512xf32>
    %get3A_674 = arith.constant 0 : index
    %get3A_675 = arith.constant 2560 : index
    %get3A_676 = arith.constant 0 : index
    %get3A_677 = vector.load %arg2[%get3A_674, %get3A_675, %get3A_676] : memref<1x6144x4xf32, #tpu.memory_space<vmem>>, vector<1x512x4xf32>
    %get3A_678 = vector.shape_cast %get3A_677 : vector<1x512x4xf32> to vector<512x4xf32>
    %slice3A_679 = vector.extract_strided_slice %get3A_678 {offsets = [0, 0], sizes = [512, 1], strides = [1, 1]} : vector<512x4xf32> to vector<512x1xf32>
    %slice3A_680 = vector.extract_strided_slice %get3A_678 {offsets = [0, 1], sizes = [512, 1], strides = [1, 1]} : vector<512x4xf32> to vector<512x1xf32>
    %slice3A_681 = vector.extract_strided_slice %get3A_678 {offsets = [0, 2], sizes = [512, 1], strides = [1, 1]} : vector<512x4xf32> to vector<512x1xf32>
    %slice3A_682 = vector.extract_strided_slice %get3A_678 {offsets = [0, 3], sizes = [512, 1], strides = [1, 1]} : vector<512x4xf32> to vector<512x1xf32>
    %sub3A_683 = arith.subf %slice3A_681, %slice3A_679 : vector<512x1xf32>
    %max3A_684 = arith.constant 0.000000e+00 : f32
    %max3A_685 = vector.broadcast %max3A_684 : f32 to vector<512x1xf32>
    %max3A_686 = arith.maximumf %sub3A_683, %max3A_685 : vector<512x1xf32>
    %sub3A_687 = arith.subf %slice3A_682, %slice3A_680 : vector<512x1xf32>
    %max3A_688 = arith.constant 0.000000e+00 : f32
    %max3A_689 = vector.broadcast %max3A_688 : f32 to vector<512x1xf32>
    %max3A_690 = arith.maximumf %sub3A_687, %max3A_689 : vector<512x1xf32>
    %mul3A_691 = arith.mulf %max3A_686, %max3A_690 : vector<512x1xf32>
    %max3A_692 = vector.broadcast %slice3A_679 : vector<512x1xf32> to vector<512x512xf32>
    %max3A_693 = vector.broadcast %slice3A_650 : vector<1x512xf32> to vector<512x512xf32>
    %max3A_694 = arith.maximumf %max3A_692, %max3A_693 : vector<512x512xf32>
    %max3A_695 = vector.broadcast %slice3A_680 : vector<512x1xf32> to vector<512x512xf32>
    %max3A_696 = vector.broadcast %slice3A_651 : vector<1x512xf32> to vector<512x512xf32>
    %max3A_697 = arith.maximumf %max3A_695, %max3A_696 : vector<512x512xf32>
    %min3A_698 = vector.broadcast %slice3A_681 : vector<512x1xf32> to vector<512x512xf32>
    %min3A_699 = vector.broadcast %slice3A_652 : vector<1x512xf32> to vector<512x512xf32>
    %min3A_700 = arith.minimumf %min3A_698, %min3A_699 : vector<512x512xf32>
    %min3A_701 = vector.broadcast %slice3A_682 : vector<512x1xf32> to vector<512x512xf32>
    %min3A_702 = vector.broadcast %slice3A_653 : vector<1x512xf32> to vector<512x512xf32>
    %min3A_703 = arith.minimumf %min3A_701, %min3A_702 : vector<512x512xf32>
    %sub3A_704 = arith.subf %min3A_700, %max3A_694 : vector<512x512xf32>
    %max3A_705 = arith.constant 0.000000e+00 : f32
    %max3A_706 = vector.broadcast %max3A_705 : f32 to vector<512x512xf32>
    %max3A_707 = arith.maximumf %sub3A_704, %max3A_706 : vector<512x512xf32>
    %sub3A_708 = arith.subf %min3A_703, %max3A_697 : vector<512x512xf32>
    %max3A_709 = arith.constant 0.000000e+00 : f32
    %max3A_710 = vector.broadcast %max3A_709 : f32 to vector<512x512xf32>
    %max3A_711 = arith.maximumf %sub3A_708, %max3A_710 : vector<512x512xf32>
    %mul3A_712 = arith.mulf %max3A_707, %max3A_711 : vector<512x512xf32>
    %add3A_713 = vector.broadcast %mul3A_691 : vector<512x1xf32> to vector<512x512xf32>
    %add3A_714 = vector.broadcast %mul3A_662 : vector<1x512xf32> to vector<512x512xf32>
    %add3A_715 = arith.addf %add3A_713, %add3A_714 : vector<512x512xf32>
    %sub3A_716 = arith.subf %add3A_715, %mul3A_712 : vector<512x512xf32>
    %add3A_717 = arith.constant 9.99999993E-9 : f32
    %add3A_718 = vector.broadcast %add3A_717 : f32 to vector<512x512xf32>
    %add3A_719 = arith.addf %sub3A_716, %add3A_718 : vector<512x512xf32>
    %div3A_720 = arith.divf %mul3A_712, %add3A_719 : vector<512x512xf32>
    %iota3A_721 = tpu.iota {dimensions = array<i32: 0>} : vector<512x512xi32>
    %iota3A_722 = tpu.iota {dimensions = array<i32: 1>} : vector<512x512xi32>
    %gt3A_723 = arith.constant 0.699999988 : f32
    %gt3A_724 = vector.broadcast %gt3A_723 : f32 to vector<512x512xf32>
    %gt3A_725 = arith.cmpf ogt, %div3A_720, %gt3A_724 : vector<512x512xf32>
    %lt3A_726 = arith.cmpi slt, %iota3A_721, %iota3A_722 : vector<512x512xi32>
    %and3A_727 = arith.andi %gt3A_725, %lt3A_726 : vector<512x512xi1>
    %jit3A_728 = arith.constant 1.000000e+00 : f32
    %jit3A_729 = arith.constant 0.000000e+00 : f32
    %broadcast_in_dim3A_730 = vector.broadcast %jit3A_728 : f32 to vector<512x512xf32>
    %broadcast_in_dim3A_731 = vector.broadcast %jit3A_729 : f32 to vector<512x512xf32>
    %select_n3A_732 = arith.select %and3A_727, %broadcast_in_dim3A_730, %broadcast_in_dim3A_731 : vector<512x512xi1>, vector<512x512xf32>
    %dot_general3A_733 = arith.constant dense<0.000000e+00> : vector<1x512xf32>
    %dot_general3A_734 = tpu.matmul %sub3A_673, %select_n3A_732, %dot_general3A_733 {dimension_numbers = #tpu.dot_dimension_numbers<[1], [0], [0], [1], [0, 0, 1, 1], [], []>, transpose_lhs_hint = false} : vector<1x512xf32>, vector<512x512xf32>, vector<1x512xf32> -> vector<1x512xf32>
    %gt3A_735 = arith.constant 5.000000e-01 : f32
    %gt3A_736 = vector.broadcast %gt3A_735 : f32 to vector<1x512xf32>
    %gt3A_737 = arith.cmpf ogt, %dot_general3A_734, %gt3A_736 : vector<1x512xf32>
    %jit3A_738 = arith.constant 0.000000e+00 : f32
    %broadcast_in_dim3A_739 = vector.broadcast %jit3A_738 : f32 to vector<1x512xf32>
    %select_n3A_740 = arith.select %gt3A_737, %broadcast_in_dim3A_739, %sub3A_673 : vector<1x512xi1>, vector<1x512xf32>
    %ne3A_741 = arith.cmpf one, %select_n3A_740, %sub3A_673 : vector<1x512xf32>
    %reduce_or3A_742 = arith.constant 1.000000e+00 : f32
    %reduce_or3A_743 = arith.constant 0.000000e+00 : f32
    %reduce_or3A_744 = vector.broadcast %reduce_or3A_742 : f32 to vector<1x512xf32>
    %reduce_or3A_745 = vector.broadcast %reduce_or3A_743 : f32 to vector<1x512xf32>
    %reduce_or3A_746 = arith.select %ne3A_741, %reduce_or3A_744, %reduce_or3A_745 : vector<1x512xi1>, vector<1x512xf32>
    %reduce_or3A_747 = vector.shape_cast %reduce_or3A_746 : vector<1x512xf32> to vector<1x1x512xf32>
    %reduce_or3A_748 = arith.constant dense<0xFF800000> : vector<1xf32>
    %reduce_or3A_749 = vector.multi_reduction <maximumf>, %reduce_or3A_747, %reduce_or3A_748 [1, 2] : vector<1x1x512xf32> to vector<1xf32>
    %reduce_or3A_750 = vector.shape_cast %reduce_or3A_749 : vector<1xf32> to vector<1x1x1xf32>
    %reduce_or3A_751 = vector.extract %reduce_or3A_750[0, 0, 0] : f32 from vector<1x1x1xf32>
    %reduce_or3A_752 = arith.constant 0.000000e+00 : f32
    %reduce_or3A_753 = arith.cmpf ogt, %reduce_or3A_751, %reduce_or3A_752 : f32
    %while3A_754:2 = scf.while (%while3A_1539 = %select_n3A_740, %while3A_1540 = %reduce_or3A_753) : (vector<1x512xf32>, i1) -> (vector<1x512xf32>, i1) {
      scf.condition(%while3A_1540) %while3A_1539, %while3A_1540 : vector<1x512xf32>, i1
    } do {
    ^bb0(%while3A_1539: vector<1x512xf32>, %while3A_1540: i1):
      %dot_general3A_1541 = arith.constant dense<0.000000e+00> : vector<1x512xf32>
      %dot_general3A_1542 = tpu.matmul %while3A_1539, %select_n3A_732, %dot_general3A_1541 {dimension_numbers = #tpu.dot_dimension_numbers<[1], [0], [0], [1], [0, 0, 1, 1], [], []>, transpose_lhs_hint = false} : vector<1x512xf32>, vector<512x512xf32>, vector<1x512xf32> -> vector<1x512xf32>
      %gt3A_1543 = arith.constant 5.000000e-01 : f32
      %gt3A_1544 = vector.broadcast %gt3A_1543 : f32 to vector<1x512xf32>
      %gt3A_1545 = arith.cmpf ogt, %dot_general3A_1542, %gt3A_1544 : vector<1x512xf32>
      %jit3A_1546 = arith.constant 0.000000e+00 : f32
      %broadcast_in_dim3A_1547 = vector.broadcast %jit3A_1546 : f32 to vector<1x512xf32>
      %select_n3A_1548 = arith.select %gt3A_1545, %broadcast_in_dim3A_1547, %sub3A_673 : vector<1x512xi1>, vector<1x512xf32>
      %ne3A_1549 = arith.cmpf one, %select_n3A_1548, %while3A_1539 : vector<1x512xf32>
      %reduce_or3A_1550 = arith.constant 1.000000e+00 : f32
      %reduce_or3A_1551 = arith.constant 0.000000e+00 : f32
      %reduce_or3A_1552 = vector.broadcast %reduce_or3A_1550 : f32 to vector<1x512xf32>
      %reduce_or3A_1553 = vector.broadcast %reduce_or3A_1551 : f32 to vector<1x512xf32>
      %reduce_or3A_1554 = arith.select %ne3A_1549, %reduce_or3A_1552, %reduce_or3A_1553 : vector<1x512xi1>, vector<1x512xf32>
      %reduce_or3A_1555 = vector.shape_cast %reduce_or3A_1554 : vector<1x512xf32> to vector<1x1x512xf32>
      %reduce_or3A_1556 = arith.constant dense<0xFF800000> : vector<1xf32>
      %reduce_or3A_1557 = vector.multi_reduction <maximumf>, %reduce_or3A_1555, %reduce_or3A_1556 [1, 2] : vector<1x1x512xf32> to vector<1xf32>
      %reduce_or3A_1558 = vector.shape_cast %reduce_or3A_1557 : vector<1xf32> to vector<1x1x1xf32>
      %reduce_or3A_1559 = vector.extract %reduce_or3A_1558[0, 0, 0] : f32 from vector<1x1x1xf32>
      %reduce_or3A_1560 = arith.constant 0.000000e+00 : f32
      %reduce_or3A_1561 = arith.cmpf ogt, %reduce_or3A_1559, %reduce_or3A_1560 : f32
      scf.yield %select_n3A_1548, %reduce_or3A_1561 : vector<1x512xf32>, i1
    }
    %swap3A_755 = arith.constant 0 : index
    %swap3A_756 = arith.constant 2560 : index
    %swap3A_757 = vector.load %arg5[%swap3A_755, %swap3A_756] : memref<1x6144xf32, #tpu.memory_space<vmem>>, vector<1x512xf32>
    tpu.vector_store %arg5[%swap3A_755, %swap3A_756], %while3A_754#0 {strides = array<i32>} : memref<1x6144xf32, #tpu.memory_space<vmem>>, vector<1x512xf32>,
    %eq3A_758 = arith.cmpi eq, %iota3A_721, %iota3A_722 : vector<512x512xi32>
    %jit3A_759 = arith.constant 1.000000e+00 : f32
    %jit3A_760 = arith.constant 0.000000e+00 : f32
    %broadcast_in_dim3A_761 = vector.broadcast %jit3A_759 : f32 to vector<512x512xf32>
    %broadcast_in_dim3A_762 = vector.broadcast %jit3A_760 : f32 to vector<512x512xf32>
    %select_n3A_763 = arith.select %eq3A_758, %broadcast_in_dim3A_761, %broadcast_in_dim3A_762 : vector<512x512xi1>, vector<512x512xf32>
    %mul3A_764 = vector.broadcast %while3A_754#0 : vector<1x512xf32> to vector<512x512xf32>
    %mul3A_765 = arith.mulf %select_n3A_763, %mul3A_764 : vector<512x512xf32>
    %reduce_sum3A_766 = arith.constant dense<0.000000e+00> : vector<512xf32>
    %reduce_sum3A_767 = vector.multi_reduction <add>, %mul3A_765, %reduce_sum3A_766 [1] : vector<512x512xf32> to vector<512xf32>
    %broadcast_in_dim3A_768 = vector.shape_cast %reduce_sum3A_767 : vector<512xf32> to vector<512x1xf32>
    %mul3A_769 = vector.broadcast %broadcast_in_dim3A_768 : vector<512x1xf32> to vector<512x4xf32>
    %mul3A_770 = arith.mulf %get3A_678, %mul3A_769 : vector<512x4xf32>
    %swap3A_771 = arith.constant 2560 : index
    %swap3A_772 = arith.constant 0 : index
    %swap3A_773 = vector.load %arg4[%swap3A_771, %swap3A_772] : memref<6144x4xf32, #tpu.memory_space<vmem>>, vector<512x4xf32>
    tpu.vector_store %arg4[%swap3A_771, %swap3A_772], %mul3A_770 {strides = array<i32>} : memref<6144x4xf32, #tpu.memory_space<vmem>>, vector<512x4xf32>,
    %slice3A_774 = vector.extract_strided_slice %get3A_3 {offsets = [0, 3072], sizes = [1, 512], strides = [1, 1]} : vector<4x6144xf32> to vector<1x512xf32>
    %slice3A_775 = vector.extract_strided_slice %get3A_3 {offsets = [1, 3072], sizes = [1, 512], strides = [1, 1]} : vector<4x6144xf32> to vector<1x512xf32>
    %slice3A_776 = vector.extract_strided_slice %get3A_3 {offsets = [2, 3072], sizes = [1, 512], strides = [1, 1]} : vector<4x6144xf32> to vector<1x512xf32>
    %slice3A_777 = vector.extract_strided_slice %get3A_3 {offsets = [3, 3072], sizes = [1, 512], strides = [1, 1]} : vector<4x6144xf32> to vector<1x512xf32>
    %sub3A_778 = arith.subf %slice3A_776, %slice3A_774 : vector<1x512xf32>
    %max3A_779 = arith.constant 0.000000e+00 : f32
    %max3A_780 = vector.broadcast %max3A_779 : f32 to vector<1x512xf32>
    %max3A_781 = arith.maximumf %sub3A_778, %max3A_780 : vector<1x512xf32>
    %sub3A_782 = arith.subf %slice3A_777, %slice3A_775 : vector<1x512xf32>
    %max3A_783 = arith.constant 0.000000e+00 : f32
    %max3A_784 = vector.broadcast %max3A_783 : f32 to vector<1x512xf32>
    %max3A_785 = arith.maximumf %sub3A_782, %max3A_784 : vector<1x512xf32>
    %mul3A_786 = arith.mulf %max3A_781, %max3A_785 : vector<1x512xf32>
    %broadcast_in_dim3A_787 = arith.constant 0.000000e+00 : f32
    %broadcast_in_dim3A_788 = vector.broadcast %broadcast_in_dim3A_787 : f32 to vector<1x512xf32>
    %scan3A_789 = arith.constant 0 : i32
    %scan3A_790 = arith.constant 6 : i32
    %scan3A_791 = arith.addi %scan3A_789, %scan3A_790 : i32
    %scan3A_792 = arith.constant 1 : i32
    %scan3A_793 = scf.for %scan3A_1539 = %scan3A_789 to %scan3A_791 step %scan3A_792 iter_args(%scan3A_1540 = %broadcast_in_dim3A_788) -> (vector<1x512xf32>)  : i32 {
      %mul3A_1541 = arith.constant 512 : i32
      %mul3A_1542 = arith.muli %scan3A_1539, %mul3A_1541 : i32
      %get3A_1543 = arith.index_cast %mul3A_1542 : i32 to index
      %get3A_1544 = arith.constant 0 : index
      %get3A_1545 = vector.load %arg4[%get3A_1543, %get3A_1544] : memref<6144x4xf32, #tpu.memory_space<vmem>>, vector<512x4xf32>
      %slice3A_1546 = vector.extract_strided_slice %get3A_1545 {offsets = [0, 0], sizes = [512, 1], strides = [1, 1]} : vector<512x4xf32> to vector<512x1xf32>
      %slice3A_1547 = vector.extract_strided_slice %get3A_1545 {offsets = [0, 1], sizes = [512, 1], strides = [1, 1]} : vector<512x4xf32> to vector<512x1xf32>
      %slice3A_1548 = vector.extract_strided_slice %get3A_1545 {offsets = [0, 2], sizes = [512, 1], strides = [1, 1]} : vector<512x4xf32> to vector<512x1xf32>
      %slice3A_1549 = vector.extract_strided_slice %get3A_1545 {offsets = [0, 3], sizes = [512, 1], strides = [1, 1]} : vector<512x4xf32> to vector<512x1xf32>
      %sub3A_1550 = arith.subf %slice3A_1548, %slice3A_1546 : vector<512x1xf32>
      %max3A_1551 = arith.constant 0.000000e+00 : f32
      %max3A_1552 = vector.broadcast %max3A_1551 : f32 to vector<512x1xf32>
      %max3A_1553 = arith.maximumf %sub3A_1550, %max3A_1552 : vector<512x1xf32>
      %sub3A_1554 = arith.subf %slice3A_1549, %slice3A_1547 : vector<512x1xf32>
      %max3A_1555 = arith.constant 0.000000e+00 : f32
      %max3A_1556 = vector.broadcast %max3A_1555 : f32 to vector<512x1xf32>
      %max3A_1557 = arith.maximumf %sub3A_1554, %max3A_1556 : vector<512x1xf32>
      %mul3A_1558 = arith.mulf %max3A_1553, %max3A_1557 : vector<512x1xf32>
      %max3A_1559 = vector.broadcast %slice3A_1546 : vector<512x1xf32> to vector<512x512xf32>
      %max3A_1560 = vector.broadcast %slice3A_774 : vector<1x512xf32> to vector<512x512xf32>
      %max3A_1561 = arith.maximumf %max3A_1559, %max3A_1560 : vector<512x512xf32>
      %max3A_1562 = vector.broadcast %slice3A_1547 : vector<512x1xf32> to vector<512x512xf32>
      %max3A_1563 = vector.broadcast %slice3A_775 : vector<1x512xf32> to vector<512x512xf32>
      %max3A_1564 = arith.maximumf %max3A_1562, %max3A_1563 : vector<512x512xf32>
      %min3A_1565 = vector.broadcast %slice3A_1548 : vector<512x1xf32> to vector<512x512xf32>
      %min3A_1566 = vector.broadcast %slice3A_776 : vector<1x512xf32> to vector<512x512xf32>
      %min3A_1567 = arith.minimumf %min3A_1565, %min3A_1566 : vector<512x512xf32>
      %min3A_1568 = vector.broadcast %slice3A_1549 : vector<512x1xf32> to vector<512x512xf32>
      %min3A_1569 = vector.broadcast %slice3A_777 : vector<1x512xf32> to vector<512x512xf32>
      %min3A_1570 = arith.minimumf %min3A_1568, %min3A_1569 : vector<512x512xf32>
      %sub3A_1571 = arith.subf %min3A_1567, %max3A_1561 : vector<512x512xf32>
      %max3A_1572 = arith.constant 0.000000e+00 : f32
      %max3A_1573 = vector.broadcast %max3A_1572 : f32 to vector<512x512xf32>
      %max3A_1574 = arith.maximumf %sub3A_1571, %max3A_1573 : vector<512x512xf32>
      %sub3A_1575 = arith.subf %min3A_1570, %max3A_1564 : vector<512x512xf32>
      %max3A_1576 = arith.constant 0.000000e+00 : f32
      %max3A_1577 = vector.broadcast %max3A_1576 : f32 to vector<512x512xf32>
      %max3A_1578 = arith.maximumf %sub3A_1575, %max3A_1577 : vector<512x512xf32>
      %mul3A_1579 = arith.mulf %max3A_1574, %max3A_1578 : vector<512x512xf32>
      %add3A_1580 = vector.broadcast %mul3A_1558 : vector<512x1xf32> to vector<512x512xf32>
      %add3A_1581 = vector.broadcast %mul3A_786 : vector<1x512xf32> to vector<512x512xf32>
      %add3A_1582 = arith.addf %add3A_1580, %add3A_1581 : vector<512x512xf32>
      %sub3A_1583 = arith.subf %add3A_1582, %mul3A_1579 : vector<512x512xf32>
      %add3A_1584 = arith.constant 9.99999993E-9 : f32
      %add3A_1585 = vector.broadcast %add3A_1584 : f32 to vector<512x512xf32>
      %add3A_1586 = arith.addf %sub3A_1583, %add3A_1585 : vector<512x512xf32>
      %div3A_1587 = arith.divf %mul3A_1579, %add3A_1586 : vector<512x512xf32>
      %gt3A_1588 = arith.constant 0.699999988 : f32
      %gt3A_1589 = vector.broadcast %gt3A_1588 : f32 to vector<512x512xf32>
      %gt3A_1590 = arith.cmpf ogt, %div3A_1587, %gt3A_1589 : vector<512x512xf32>
      %jit3A_1591 = arith.constant 1.000000e+00 : f32
      %jit3A_1592 = arith.constant 0.000000e+00 : f32
      %broadcast_in_dim3A_1593 = vector.broadcast %jit3A_1591 : f32 to vector<512x512xf32>
      %broadcast_in_dim3A_1594 = vector.broadcast %jit3A_1592 : f32 to vector<512x512xf32>
      %select_n3A_1595 = arith.select %gt3A_1590, %broadcast_in_dim3A_1593, %broadcast_in_dim3A_1594 : vector<512x512xi1>, vector<512x512xf32>
      %reduce_max3A_1596 = arith.constant dense<0xFF800000> : vector<512xf32>
      %reduce_max3A_1597 = vector.multi_reduction <maximumf>, %select_n3A_1595, %reduce_max3A_1596 [0] : vector<512x512xf32> to vector<512xf32>
      %broadcast_in_dim3A_1598 = vector.shape_cast %reduce_max3A_1597 : vector<512xf32> to vector<1x512xf32>
      %max3A_1599 = arith.maximumf %scan3A_1540, %broadcast_in_dim3A_1598 : vector<1x512xf32>
      scf.yield %max3A_1599 : vector<1x512xf32>
    }
    %scan3A_794 = arith.constant 6 : i32
    %sub3A_795 = arith.constant 1.000000e+00 : f32
    %sub3A_796 = vector.broadcast %sub3A_795 : f32 to vector<1x512xf32>
    %sub3A_797 = arith.subf %sub3A_796, %scan3A_793 : vector<1x512xf32>
    %get3A_798 = arith.constant 0 : index
    %get3A_799 = arith.constant 3072 : index
    %get3A_800 = arith.constant 0 : index
    %get3A_801 = vector.load %arg2[%get3A_798, %get3A_799, %get3A_800] : memref<1x6144x4xf32, #tpu.memory_space<vmem>>, vector<1x512x4xf32>
    %get3A_802 = vector.shape_cast %get3A_801 : vector<1x512x4xf32> to vector<512x4xf32>
    %slice3A_803 = vector.extract_strided_slice %get3A_802 {offsets = [0, 0], sizes = [512, 1], strides = [1, 1]} : vector<512x4xf32> to vector<512x1xf32>
    %slice3A_804 = vector.extract_strided_slice %get3A_802 {offsets = [0, 1], sizes = [512, 1], strides = [1, 1]} : vector<512x4xf32> to vector<512x1xf32>
    %slice3A_805 = vector.extract_strided_slice %get3A_802 {offsets = [0, 2], sizes = [512, 1], strides = [1, 1]} : vector<512x4xf32> to vector<512x1xf32>
    %slice3A_806 = vector.extract_strided_slice %get3A_802 {offsets = [0, 3], sizes = [512, 1], strides = [1, 1]} : vector<512x4xf32> to vector<512x1xf32>
    %sub3A_807 = arith.subf %slice3A_805, %slice3A_803 : vector<512x1xf32>
    %max3A_808 = arith.constant 0.000000e+00 : f32
    %max3A_809 = vector.broadcast %max3A_808 : f32 to vector<512x1xf32>
    %max3A_810 = arith.maximumf %sub3A_807, %max3A_809 : vector<512x1xf32>
    %sub3A_811 = arith.subf %slice3A_806, %slice3A_804 : vector<512x1xf32>
    %max3A_812 = arith.constant 0.000000e+00 : f32
    %max3A_813 = vector.broadcast %max3A_812 : f32 to vector<512x1xf32>
    %max3A_814 = arith.maximumf %sub3A_811, %max3A_813 : vector<512x1xf32>
    %mul3A_815 = arith.mulf %max3A_810, %max3A_814 : vector<512x1xf32>
    %max3A_816 = vector.broadcast %slice3A_803 : vector<512x1xf32> to vector<512x512xf32>
    %max3A_817 = vector.broadcast %slice3A_774 : vector<1x512xf32> to vector<512x512xf32>
    %max3A_818 = arith.maximumf %max3A_816, %max3A_817 : vector<512x512xf32>
    %max3A_819 = vector.broadcast %slice3A_804 : vector<512x1xf32> to vector<512x512xf32>
    %max3A_820 = vector.broadcast %slice3A_775 : vector<1x512xf32> to vector<512x512xf32>
    %max3A_821 = arith.maximumf %max3A_819, %max3A_820 : vector<512x512xf32>
    %min3A_822 = vector.broadcast %slice3A_805 : vector<512x1xf32> to vector<512x512xf32>
    %min3A_823 = vector.broadcast %slice3A_776 : vector<1x512xf32> to vector<512x512xf32>
    %min3A_824 = arith.minimumf %min3A_822, %min3A_823 : vector<512x512xf32>
    %min3A_825 = vector.broadcast %slice3A_806 : vector<512x1xf32> to vector<512x512xf32>
    %min3A_826 = vector.broadcast %slice3A_777 : vector<1x512xf32> to vector<512x512xf32>
    %min3A_827 = arith.minimumf %min3A_825, %min3A_826 : vector<512x512xf32>
    %sub3A_828 = arith.subf %min3A_824, %max3A_818 : vector<512x512xf32>
    %max3A_829 = arith.constant 0.000000e+00 : f32
    %max3A_830 = vector.broadcast %max3A_829 : f32 to vector<512x512xf32>
    %max3A_831 = arith.maximumf %sub3A_828, %max3A_830 : vector<512x512xf32>
    %sub3A_832 = arith.subf %min3A_827, %max3A_821 : vector<512x512xf32>
    %max3A_833 = arith.constant 0.000000e+00 : f32
    %max3A_834 = vector.broadcast %max3A_833 : f32 to vector<512x512xf32>
    %max3A_835 = arith.maximumf %sub3A_832, %max3A_834 : vector<512x512xf32>
    %mul3A_836 = arith.mulf %max3A_831, %max3A_835 : vector<512x512xf32>
    %add3A_837 = vector.broadcast %mul3A_815 : vector<512x1xf32> to vector<512x512xf32>
    %add3A_838 = vector.broadcast %mul3A_786 : vector<1x512xf32> to vector<512x512xf32>
    %add3A_839 = arith.addf %add3A_837, %add3A_838 : vector<512x512xf32>
    %sub3A_840 = arith.subf %add3A_839, %mul3A_836 : vector<512x512xf32>
    %add3A_841 = arith.constant 9.99999993E-9 : f32
    %add3A_842 = vector.broadcast %add3A_841 : f32 to vector<512x512xf32>
    %add3A_843 = arith.addf %sub3A_840, %add3A_842 : vector<512x512xf32>
    %div3A_844 = arith.divf %mul3A_836, %add3A_843 : vector<512x512xf32>
    %iota3A_845 = tpu.iota {dimensions = array<i32: 0>} : vector<512x512xi32>
    %iota3A_846 = tpu.iota {dimensions = array<i32: 1>} : vector<512x512xi32>
    %gt3A_847 = arith.constant 0.699999988 : f32
    %gt3A_848 = vector.broadcast %gt3A_847 : f32 to vector<512x512xf32>
    %gt3A_849 = arith.cmpf ogt, %div3A_844, %gt3A_848 : vector<512x512xf32>
    %lt3A_850 = arith.cmpi slt, %iota3A_845, %iota3A_846 : vector<512x512xi32>
    %and3A_851 = arith.andi %gt3A_849, %lt3A_850 : vector<512x512xi1>
    %jit3A_852 = arith.constant 1.000000e+00 : f32
    %jit3A_853 = arith.constant 0.000000e+00 : f32
    %broadcast_in_dim3A_854 = vector.broadcast %jit3A_852 : f32 to vector<512x512xf32>
    %broadcast_in_dim3A_855 = vector.broadcast %jit3A_853 : f32 to vector<512x512xf32>
    %select_n3A_856 = arith.select %and3A_851, %broadcast_in_dim3A_854, %broadcast_in_dim3A_855 : vector<512x512xi1>, vector<512x512xf32>
    %dot_general3A_857 = arith.constant dense<0.000000e+00> : vector<1x512xf32>
    %dot_general3A_858 = tpu.matmul %sub3A_797, %select_n3A_856, %dot_general3A_857 {dimension_numbers = #tpu.dot_dimension_numbers<[1], [0], [0], [1], [0, 0, 1, 1], [], []>, transpose_lhs_hint = false} : vector<1x512xf32>, vector<512x512xf32>, vector<1x512xf32> -> vector<1x512xf32>
    %gt3A_859 = arith.constant 5.000000e-01 : f32
    %gt3A_860 = vector.broadcast %gt3A_859 : f32 to vector<1x512xf32>
    %gt3A_861 = arith.cmpf ogt, %dot_general3A_858, %gt3A_860 : vector<1x512xf32>
    %jit3A_862 = arith.constant 0.000000e+00 : f32
    %broadcast_in_dim3A_863 = vector.broadcast %jit3A_862 : f32 to vector<1x512xf32>
    %select_n3A_864 = arith.select %gt3A_861, %broadcast_in_dim3A_863, %sub3A_797 : vector<1x512xi1>, vector<1x512xf32>
    %ne3A_865 = arith.cmpf one, %select_n3A_864, %sub3A_797 : vector<1x512xf32>
    %reduce_or3A_866 = arith.constant 1.000000e+00 : f32
    %reduce_or3A_867 = arith.constant 0.000000e+00 : f32
    %reduce_or3A_868 = vector.broadcast %reduce_or3A_866 : f32 to vector<1x512xf32>
    %reduce_or3A_869 = vector.broadcast %reduce_or3A_867 : f32 to vector<1x512xf32>
    %reduce_or3A_870 = arith.select %ne3A_865, %reduce_or3A_868, %reduce_or3A_869 : vector<1x512xi1>, vector<1x512xf32>
    %reduce_or3A_871 = vector.shape_cast %reduce_or3A_870 : vector<1x512xf32> to vector<1x1x512xf32>
    %reduce_or3A_872 = arith.constant dense<0xFF800000> : vector<1xf32>
    %reduce_or3A_873 = vector.multi_reduction <maximumf>, %reduce_or3A_871, %reduce_or3A_872 [1, 2] : vector<1x1x512xf32> to vector<1xf32>
    %reduce_or3A_874 = vector.shape_cast %reduce_or3A_873 : vector<1xf32> to vector<1x1x1xf32>
    %reduce_or3A_875 = vector.extract %reduce_or3A_874[0, 0, 0] : f32 from vector<1x1x1xf32>
    %reduce_or3A_876 = arith.constant 0.000000e+00 : f32
    %reduce_or3A_877 = arith.cmpf ogt, %reduce_or3A_875, %reduce_or3A_876 : f32
    %while3A_878:2 = scf.while (%while3A_1539 = %select_n3A_864, %while3A_1540 = %reduce_or3A_877) : (vector<1x512xf32>, i1) -> (vector<1x512xf32>, i1) {
      scf.condition(%while3A_1540) %while3A_1539, %while3A_1540 : vector<1x512xf32>, i1
    } do {
    ^bb0(%while3A_1539: vector<1x512xf32>, %while3A_1540: i1):
      %dot_general3A_1541 = arith.constant dense<0.000000e+00> : vector<1x512xf32>
      %dot_general3A_1542 = tpu.matmul %while3A_1539, %select_n3A_856, %dot_general3A_1541 {dimension_numbers = #tpu.dot_dimension_numbers<[1], [0], [0], [1], [0, 0, 1, 1], [], []>, transpose_lhs_hint = false} : vector<1x512xf32>, vector<512x512xf32>, vector<1x512xf32> -> vector<1x512xf32>
      %gt3A_1543 = arith.constant 5.000000e-01 : f32
      %gt3A_1544 = vector.broadcast %gt3A_1543 : f32 to vector<1x512xf32>
      %gt3A_1545 = arith.cmpf ogt, %dot_general3A_1542, %gt3A_1544 : vector<1x512xf32>
      %jit3A_1546 = arith.constant 0.000000e+00 : f32
      %broadcast_in_dim3A_1547 = vector.broadcast %jit3A_1546 : f32 to vector<1x512xf32>
      %select_n3A_1548 = arith.select %gt3A_1545, %broadcast_in_dim3A_1547, %sub3A_797 : vector<1x512xi1>, vector<1x512xf32>
      %ne3A_1549 = arith.cmpf one, %select_n3A_1548, %while3A_1539 : vector<1x512xf32>
      %reduce_or3A_1550 = arith.constant 1.000000e+00 : f32
      %reduce_or3A_1551 = arith.constant 0.000000e+00 : f32
      %reduce_or3A_1552 = vector.broadcast %reduce_or3A_1550 : f32 to vector<1x512xf32>
      %reduce_or3A_1553 = vector.broadcast %reduce_or3A_1551 : f32 to vector<1x512xf32>
      %reduce_or3A_1554 = arith.select %ne3A_1549, %reduce_or3A_1552, %reduce_or3A_1553 : vector<1x512xi1>, vector<1x512xf32>
      %reduce_or3A_1555 = vector.shape_cast %reduce_or3A_1554 : vector<1x512xf32> to vector<1x1x512xf32>
      %reduce_or3A_1556 = arith.constant dense<0xFF800000> : vector<1xf32>
      %reduce_or3A_1557 = vector.multi_reduction <maximumf>, %reduce_or3A_1555, %reduce_or3A_1556 [1, 2] : vector<1x1x512xf32> to vector<1xf32>
      %reduce_or3A_1558 = vector.shape_cast %reduce_or3A_1557 : vector<1xf32> to vector<1x1x1xf32>
      %reduce_or3A_1559 = vector.extract %reduce_or3A_1558[0, 0, 0] : f32 from vector<1x1x1xf32>
      %reduce_or3A_1560 = arith.constant 0.000000e+00 : f32
      %reduce_or3A_1561 = arith.cmpf ogt, %reduce_or3A_1559, %reduce_or3A_1560 : f32
      scf.yield %select_n3A_1548, %reduce_or3A_1561 : vector<1x512xf32>, i1
    }
    %swap3A_879 = arith.constant 0 : index
    %swap3A_880 = arith.constant 3072 : index
    %swap3A_881 = vector.load %arg5[%swap3A_879, %swap3A_880] : memref<1x6144xf32, #tpu.memory_space<vmem>>, vector<1x512xf32>
    tpu.vector_store %arg5[%swap3A_879, %swap3A_880], %while3A_878#0 {strides = array<i32>} : memref<1x6144xf32, #tpu.memory_space<vmem>>, vector<1x512xf32>,
    %eq3A_882 = arith.cmpi eq, %iota3A_845, %iota3A_846 : vector<512x512xi32>
    %jit3A_883 = arith.constant 1.000000e+00 : f32
    %jit3A_884 = arith.constant 0.000000e+00 : f32
    %broadcast_in_dim3A_885 = vector.broadcast %jit3A_883 : f32 to vector<512x512xf32>
    %broadcast_in_dim3A_886 = vector.broadcast %jit3A_884 : f32 to vector<512x512xf32>
    %select_n3A_887 = arith.select %eq3A_882, %broadcast_in_dim3A_885, %broadcast_in_dim3A_886 : vector<512x512xi1>, vector<512x512xf32>
    %mul3A_888 = vector.broadcast %while3A_878#0 : vector<1x512xf32> to vector<512x512xf32>
    %mul3A_889 = arith.mulf %select_n3A_887, %mul3A_888 : vector<512x512xf32>
    %reduce_sum3A_890 = arith.constant dense<0.000000e+00> : vector<512xf32>
    %reduce_sum3A_891 = vector.multi_reduction <add>, %mul3A_889, %reduce_sum3A_890 [1] : vector<512x512xf32> to vector<512xf32>
    %broadcast_in_dim3A_892 = vector.shape_cast %reduce_sum3A_891 : vector<512xf32> to vector<512x1xf32>
    %mul3A_893 = vector.broadcast %broadcast_in_dim3A_892 : vector<512x1xf32> to vector<512x4xf32>
    %mul3A_894 = arith.mulf %get3A_802, %mul3A_893 : vector<512x4xf32>
    %swap3A_895 = arith.constant 3072 : index
    %swap3A_896 = arith.constant 0 : index
    %swap3A_897 = vector.load %arg4[%swap3A_895, %swap3A_896] : memref<6144x4xf32, #tpu.memory_space<vmem>>, vector<512x4xf32>
    tpu.vector_store %arg4[%swap3A_895, %swap3A_896], %mul3A_894 {strides = array<i32>} : memref<6144x4xf32, #tpu.memory_space<vmem>>, vector<512x4xf32>,
    %slice3A_898 = vector.extract_strided_slice %get3A_3 {offsets = [0, 3584], sizes = [1, 512], strides = [1, 1]} : vector<4x6144xf32> to vector<1x512xf32>
    %slice3A_899 = vector.extract_strided_slice %get3A_3 {offsets = [1, 3584], sizes = [1, 512], strides = [1, 1]} : vector<4x6144xf32> to vector<1x512xf32>
    %slice3A_900 = vector.extract_strided_slice %get3A_3 {offsets = [2, 3584], sizes = [1, 512], strides = [1, 1]} : vector<4x6144xf32> to vector<1x512xf32>
    %slice3A_901 = vector.extract_strided_slice %get3A_3 {offsets = [3, 3584], sizes = [1, 512], strides = [1, 1]} : vector<4x6144xf32> to vector<1x512xf32>
    %sub3A_902 = arith.subf %slice3A_900, %slice3A_898 : vector<1x512xf32>
    %max3A_903 = arith.constant 0.000000e+00 : f32
    %max3A_904 = vector.broadcast %max3A_903 : f32 to vector<1x512xf32>
    %max3A_905 = arith.maximumf %sub3A_902, %max3A_904 : vector<1x512xf32>
    %sub3A_906 = arith.subf %slice3A_901, %slice3A_899 : vector<1x512xf32>
    %max3A_907 = arith.constant 0.000000e+00 : f32
    %max3A_908 = vector.broadcast %max3A_907 : f32 to vector<1x512xf32>
    %max3A_909 = arith.maximumf %sub3A_906, %max3A_908 : vector<1x512xf32>
    %mul3A_910 = arith.mulf %max3A_905, %max3A_909 : vector<1x512xf32>
    %broadcast_in_dim3A_911 = arith.constant 0.000000e+00 : f32
    %broadcast_in_dim3A_912 = vector.broadcast %broadcast_in_dim3A_911 : f32 to vector<1x512xf32>
    %scan3A_913 = arith.constant 0 : i32
    %scan3A_914 = arith.constant 7 : i32
    %scan3A_915 = arith.addi %scan3A_913, %scan3A_914 : i32
    %scan3A_916 = arith.constant 1 : i32
    %scan3A_917 = scf.for %scan3A_1539 = %scan3A_913 to %scan3A_915 step %scan3A_916 iter_args(%scan3A_1540 = %broadcast_in_dim3A_912) -> (vector<1x512xf32>)  : i32 {
      %mul3A_1541 = arith.constant 512 : i32
      %mul3A_1542 = arith.muli %scan3A_1539, %mul3A_1541 : i32
      %get3A_1543 = arith.index_cast %mul3A_1542 : i32 to index
      %get3A_1544 = arith.constant 0 : index
      %get3A_1545 = vector.load %arg4[%get3A_1543, %get3A_1544] : memref<6144x4xf32, #tpu.memory_space<vmem>>, vector<512x4xf32>
      %slice3A_1546 = vector.extract_strided_slice %get3A_1545 {offsets = [0, 0], sizes = [512, 1], strides = [1, 1]} : vector<512x4xf32> to vector<512x1xf32>
      %slice3A_1547 = vector.extract_strided_slice %get3A_1545 {offsets = [0, 1], sizes = [512, 1], strides = [1, 1]} : vector<512x4xf32> to vector<512x1xf32>
      %slice3A_1548 = vector.extract_strided_slice %get3A_1545 {offsets = [0, 2], sizes = [512, 1], strides = [1, 1]} : vector<512x4xf32> to vector<512x1xf32>
      %slice3A_1549 = vector.extract_strided_slice %get3A_1545 {offsets = [0, 3], sizes = [512, 1], strides = [1, 1]} : vector<512x4xf32> to vector<512x1xf32>
      %sub3A_1550 = arith.subf %slice3A_1548, %slice3A_1546 : vector<512x1xf32>
      %max3A_1551 = arith.constant 0.000000e+00 : f32
      %max3A_1552 = vector.broadcast %max3A_1551 : f32 to vector<512x1xf32>
      %max3A_1553 = arith.maximumf %sub3A_1550, %max3A_1552 : vector<512x1xf32>
      %sub3A_1554 = arith.subf %slice3A_1549, %slice3A_1547 : vector<512x1xf32>
      %max3A_1555 = arith.constant 0.000000e+00 : f32
      %max3A_1556 = vector.broadcast %max3A_1555 : f32 to vector<512x1xf32>
      %max3A_1557 = arith.maximumf %sub3A_1554, %max3A_1556 : vector<512x1xf32>
      %mul3A_1558 = arith.mulf %max3A_1553, %max3A_1557 : vector<512x1xf32>
      %max3A_1559 = vector.broadcast %slice3A_1546 : vector<512x1xf32> to vector<512x512xf32>
      %max3A_1560 = vector.broadcast %slice3A_898 : vector<1x512xf32> to vector<512x512xf32>
      %max3A_1561 = arith.maximumf %max3A_1559, %max3A_1560 : vector<512x512xf32>
      %max3A_1562 = vector.broadcast %slice3A_1547 : vector<512x1xf32> to vector<512x512xf32>
      %max3A_1563 = vector.broadcast %slice3A_899 : vector<1x512xf32> to vector<512x512xf32>
      %max3A_1564 = arith.maximumf %max3A_1562, %max3A_1563 : vector<512x512xf32>
      %min3A_1565 = vector.broadcast %slice3A_1548 : vector<512x1xf32> to vector<512x512xf32>
      %min3A_1566 = vector.broadcast %slice3A_900 : vector<1x512xf32> to vector<512x512xf32>
      %min3A_1567 = arith.minimumf %min3A_1565, %min3A_1566 : vector<512x512xf32>
      %min3A_1568 = vector.broadcast %slice3A_1549 : vector<512x1xf32> to vector<512x512xf32>
      %min3A_1569 = vector.broadcast %slice3A_901 : vector<1x512xf32> to vector<512x512xf32>
      %min3A_1570 = arith.minimumf %min3A_1568, %min3A_1569 : vector<512x512xf32>
      %sub3A_1571 = arith.subf %min3A_1567, %max3A_1561 : vector<512x512xf32>
      %max3A_1572 = arith.constant 0.000000e+00 : f32
      %max3A_1573 = vector.broadcast %max3A_1572 : f32 to vector<512x512xf32>
      %max3A_1574 = arith.maximumf %sub3A_1571, %max3A_1573 : vector<512x512xf32>
      %sub3A_1575 = arith.subf %min3A_1570, %max3A_1564 : vector<512x512xf32>
      %max3A_1576 = arith.constant 0.000000e+00 : f32
      %max3A_1577 = vector.broadcast %max3A_1576 : f32 to vector<512x512xf32>
      %max3A_1578 = arith.maximumf %sub3A_1575, %max3A_1577 : vector<512x512xf32>
      %mul3A_1579 = arith.mulf %max3A_1574, %max3A_1578 : vector<512x512xf32>
      %add3A_1580 = vector.broadcast %mul3A_1558 : vector<512x1xf32> to vector<512x512xf32>
      %add3A_1581 = vector.broadcast %mul3A_910 : vector<1x512xf32> to vector<512x512xf32>
      %add3A_1582 = arith.addf %add3A_1580, %add3A_1581 : vector<512x512xf32>
      %sub3A_1583 = arith.subf %add3A_1582, %mul3A_1579 : vector<512x512xf32>
      %add3A_1584 = arith.constant 9.99999993E-9 : f32
      %add3A_1585 = vector.broadcast %add3A_1584 : f32 to vector<512x512xf32>
      %add3A_1586 = arith.addf %sub3A_1583, %add3A_1585 : vector<512x512xf32>
      %div3A_1587 = arith.divf %mul3A_1579, %add3A_1586 : vector<512x512xf32>
      %gt3A_1588 = arith.constant 0.699999988 : f32
      %gt3A_1589 = vector.broadcast %gt3A_1588 : f32 to vector<512x512xf32>
      %gt3A_1590 = arith.cmpf ogt, %div3A_1587, %gt3A_1589 : vector<512x512xf32>
      %jit3A_1591 = arith.constant 1.000000e+00 : f32
      %jit3A_1592 = arith.constant 0.000000e+00 : f32
      %broadcast_in_dim3A_1593 = vector.broadcast %jit3A_1591 : f32 to vector<512x512xf32>
      %broadcast_in_dim3A_1594 = vector.broadcast %jit3A_1592 : f32 to vector<512x512xf32>
      %select_n3A_1595 = arith.select %gt3A_1590, %broadcast_in_dim3A_1593, %broadcast_in_dim3A_1594 : vector<512x512xi1>, vector<512x512xf32>
      %reduce_max3A_1596 = arith.constant dense<0xFF800000> : vector<512xf32>
      %reduce_max3A_1597 = vector.multi_reduction <maximumf>, %select_n3A_1595, %reduce_max3A_1596 [0] : vector<512x512xf32> to vector<512xf32>
      %broadcast_in_dim3A_1598 = vector.shape_cast %reduce_max3A_1597 : vector<512xf32> to vector<1x512xf32>
      %max3A_1599 = arith.maximumf %scan3A_1540, %broadcast_in_dim3A_1598 : vector<1x512xf32>
      scf.yield %max3A_1599 : vector<1x512xf32>
    }
    %scan3A_918 = arith.constant 7 : i32
    %sub3A_919 = arith.constant 1.000000e+00 : f32
    %sub3A_920 = vector.broadcast %sub3A_919 : f32 to vector<1x512xf32>
    %sub3A_921 = arith.subf %sub3A_920, %scan3A_917 : vector<1x512xf32>
    %get3A_922 = arith.constant 0 : index
    %get3A_923 = arith.constant 3584 : index
    %get3A_924 = arith.constant 0 : index
    %get3A_925 = vector.load %arg2[%get3A_922, %get3A_923, %get3A_924] : memref<1x6144x4xf32, #tpu.memory_space<vmem>>, vector<1x512x4xf32>
    %get3A_926 = vector.shape_cast %get3A_925 : vector<1x512x4xf32> to vector<512x4xf32>
    %slice3A_927 = vector.extract_strided_slice %get3A_926 {offsets = [0, 0], sizes = [512, 1], strides = [1, 1]} : vector<512x4xf32> to vector<512x1xf32>
    %slice3A_928 = vector.extract_strided_slice %get3A_926 {offsets = [0, 1], sizes = [512, 1], strides = [1, 1]} : vector<512x4xf32> to vector<512x1xf32>
    %slice3A_929 = vector.extract_strided_slice %get3A_926 {offsets = [0, 2], sizes = [512, 1], strides = [1, 1]} : vector<512x4xf32> to vector<512x1xf32>
    %slice3A_930 = vector.extract_strided_slice %get3A_926 {offsets = [0, 3], sizes = [512, 1], strides = [1, 1]} : vector<512x4xf32> to vector<512x1xf32>
    %sub3A_931 = arith.subf %slice3A_929, %slice3A_927 : vector<512x1xf32>
    %max3A_932 = arith.constant 0.000000e+00 : f32
    %max3A_933 = vector.broadcast %max3A_932 : f32 to vector<512x1xf32>
    %max3A_934 = arith.maximumf %sub3A_931, %max3A_933 : vector<512x1xf32>
    %sub3A_935 = arith.subf %slice3A_930, %slice3A_928 : vector<512x1xf32>
    %max3A_936 = arith.constant 0.000000e+00 : f32
    %max3A_937 = vector.broadcast %max3A_936 : f32 to vector<512x1xf32>
    %max3A_938 = arith.maximumf %sub3A_935, %max3A_937 : vector<512x1xf32>
    %mul3A_939 = arith.mulf %max3A_934, %max3A_938 : vector<512x1xf32>
    %max3A_940 = vector.broadcast %slice3A_927 : vector<512x1xf32> to vector<512x512xf32>
    %max3A_941 = vector.broadcast %slice3A_898 : vector<1x512xf32> to vector<512x512xf32>
    %max3A_942 = arith.maximumf %max3A_940, %max3A_941 : vector<512x512xf32>
    %max3A_943 = vector.broadcast %slice3A_928 : vector<512x1xf32> to vector<512x512xf32>
    %max3A_944 = vector.broadcast %slice3A_899 : vector<1x512xf32> to vector<512x512xf32>
    %max3A_945 = arith.maximumf %max3A_943, %max3A_944 : vector<512x512xf32>
    %min3A_946 = vector.broadcast %slice3A_929 : vector<512x1xf32> to vector<512x512xf32>
    %min3A_947 = vector.broadcast %slice3A_900 : vector<1x512xf32> to vector<512x512xf32>
    %min3A_948 = arith.minimumf %min3A_946, %min3A_947 : vector<512x512xf32>
    %min3A_949 = vector.broadcast %slice3A_930 : vector<512x1xf32> to vector<512x512xf32>
    %min3A_950 = vector.broadcast %slice3A_901 : vector<1x512xf32> to vector<512x512xf32>
    %min3A_951 = arith.minimumf %min3A_949, %min3A_950 : vector<512x512xf32>
    %sub3A_952 = arith.subf %min3A_948, %max3A_942 : vector<512x512xf32>
    %max3A_953 = arith.constant 0.000000e+00 : f32
    %max3A_954 = vector.broadcast %max3A_953 : f32 to vector<512x512xf32>
    %max3A_955 = arith.maximumf %sub3A_952, %max3A_954 : vector<512x512xf32>
    %sub3A_956 = arith.subf %min3A_951, %max3A_945 : vector<512x512xf32>
    %max3A_957 = arith.constant 0.000000e+00 : f32
    %max3A_958 = vector.broadcast %max3A_957 : f32 to vector<512x512xf32>
    %max3A_959 = arith.maximumf %sub3A_956, %max3A_958 : vector<512x512xf32>
    %mul3A_960 = arith.mulf %max3A_955, %max3A_959 : vector<512x512xf32>
    %add3A_961 = vector.broadcast %mul3A_939 : vector<512x1xf32> to vector<512x512xf32>
    %add3A_962 = vector.broadcast %mul3A_910 : vector<1x512xf32> to vector<512x512xf32>
    %add3A_963 = arith.addf %add3A_961, %add3A_962 : vector<512x512xf32>
    %sub3A_964 = arith.subf %add3A_963, %mul3A_960 : vector<512x512xf32>
    %add3A_965 = arith.constant 9.99999993E-9 : f32
    %add3A_966 = vector.broadcast %add3A_965 : f32 to vector<512x512xf32>
    %add3A_967 = arith.addf %sub3A_964, %add3A_966 : vector<512x512xf32>
    %div3A_968 = arith.divf %mul3A_960, %add3A_967 : vector<512x512xf32>
    %iota3A_969 = tpu.iota {dimensions = array<i32: 0>} : vector<512x512xi32>
    %iota3A_970 = tpu.iota {dimensions = array<i32: 1>} : vector<512x512xi32>
    %gt3A_971 = arith.constant 0.699999988 : f32
    %gt3A_972 = vector.broadcast %gt3A_971 : f32 to vector<512x512xf32>
    %gt3A_973 = arith.cmpf ogt, %div3A_968, %gt3A_972 : vector<512x512xf32>
    %lt3A_974 = arith.cmpi slt, %iota3A_969, %iota3A_970 : vector<512x512xi32>
    %and3A_975 = arith.andi %gt3A_973, %lt3A_974 : vector<512x512xi1>
    %jit3A_976 = arith.constant 1.000000e+00 : f32
    %jit3A_977 = arith.constant 0.000000e+00 : f32
    %broadcast_in_dim3A_978 = vector.broadcast %jit3A_976 : f32 to vector<512x512xf32>
    %broadcast_in_dim3A_979 = vector.broadcast %jit3A_977 : f32 to vector<512x512xf32>
    %select_n3A_980 = arith.select %and3A_975, %broadcast_in_dim3A_978, %broadcast_in_dim3A_979 : vector<512x512xi1>, vector<512x512xf32>
    %dot_general3A_981 = arith.constant dense<0.000000e+00> : vector<1x512xf32>
    %dot_general3A_982 = tpu.matmul %sub3A_921, %select_n3A_980, %dot_general3A_981 {dimension_numbers = #tpu.dot_dimension_numbers<[1], [0], [0], [1], [0, 0, 1, 1], [], []>, transpose_lhs_hint = false} : vector<1x512xf32>, vector<512x512xf32>, vector<1x512xf32> -> vector<1x512xf32>
    %gt3A_983 = arith.constant 5.000000e-01 : f32
    %gt3A_984 = vector.broadcast %gt3A_983 : f32 to vector<1x512xf32>
    %gt3A_985 = arith.cmpf ogt, %dot_general3A_982, %gt3A_984 : vector<1x512xf32>
    %jit3A_986 = arith.constant 0.000000e+00 : f32
    %broadcast_in_dim3A_987 = vector.broadcast %jit3A_986 : f32 to vector<1x512xf32>
    %select_n3A_988 = arith.select %gt3A_985, %broadcast_in_dim3A_987, %sub3A_921 : vector<1x512xi1>, vector<1x512xf32>
    %ne3A_989 = arith.cmpf one, %select_n3A_988, %sub3A_921 : vector<1x512xf32>
    %reduce_or3A_990 = arith.constant 1.000000e+00 : f32
    %reduce_or3A_991 = arith.constant 0.000000e+00 : f32
    %reduce_or3A_992 = vector.broadcast %reduce_or3A_990 : f32 to vector<1x512xf32>
    %reduce_or3A_993 = vector.broadcast %reduce_or3A_991 : f32 to vector<1x512xf32>
    %reduce_or3A_994 = arith.select %ne3A_989, %reduce_or3A_992, %reduce_or3A_993 : vector<1x512xi1>, vector<1x512xf32>
    %reduce_or3A_995 = vector.shape_cast %reduce_or3A_994 : vector<1x512xf32> to vector<1x1x512xf32>
    %reduce_or3A_996 = arith.constant dense<0xFF800000> : vector<1xf32>
    %reduce_or3A_997 = vector.multi_reduction <maximumf>, %reduce_or3A_995, %reduce_or3A_996 [1, 2] : vector<1x1x512xf32> to vector<1xf32>
    %reduce_or3A_998 = vector.shape_cast %reduce_or3A_997 : vector<1xf32> to vector<1x1x1xf32>
    %reduce_or3A_999 = vector.extract %reduce_or3A_998[0, 0, 0] : f32 from vector<1x1x1xf32>
    %reduce_or3A_1000 = arith.constant 0.000000e+00 : f32
    %reduce_or3A_1001 = arith.cmpf ogt, %reduce_or3A_999, %reduce_or3A_1000 : f32
    %while3A_1002:2 = scf.while (%while3A_1539 = %select_n3A_988, %while3A_1540 = %reduce_or3A_1001) : (vector<1x512xf32>, i1) -> (vector<1x512xf32>, i1) {
      scf.condition(%while3A_1540) %while3A_1539, %while3A_1540 : vector<1x512xf32>, i1
    } do {
    ^bb0(%while3A_1539: vector<1x512xf32>, %while3A_1540: i1):
      %dot_general3A_1541 = arith.constant dense<0.000000e+00> : vector<1x512xf32>
      %dot_general3A_1542 = tpu.matmul %while3A_1539, %select_n3A_980, %dot_general3A_1541 {dimension_numbers = #tpu.dot_dimension_numbers<[1], [0], [0], [1], [0, 0, 1, 1], [], []>, transpose_lhs_hint = false} : vector<1x512xf32>, vector<512x512xf32>, vector<1x512xf32> -> vector<1x512xf32>
      %gt3A_1543 = arith.constant 5.000000e-01 : f32
      %gt3A_1544 = vector.broadcast %gt3A_1543 : f32 to vector<1x512xf32>
      %gt3A_1545 = arith.cmpf ogt, %dot_general3A_1542, %gt3A_1544 : vector<1x512xf32>
      %jit3A_1546 = arith.constant 0.000000e+00 : f32
      %broadcast_in_dim3A_1547 = vector.broadcast %jit3A_1546 : f32 to vector<1x512xf32>
      %select_n3A_1548 = arith.select %gt3A_1545, %broadcast_in_dim3A_1547, %sub3A_921 : vector<1x512xi1>, vector<1x512xf32>
      %ne3A_1549 = arith.cmpf one, %select_n3A_1548, %while3A_1539 : vector<1x512xf32>
      %reduce_or3A_1550 = arith.constant 1.000000e+00 : f32
      %reduce_or3A_1551 = arith.constant 0.000000e+00 : f32
      %reduce_or3A_1552 = vector.broadcast %reduce_or3A_1550 : f32 to vector<1x512xf32>
      %reduce_or3A_1553 = vector.broadcast %reduce_or3A_1551 : f32 to vector<1x512xf32>
      %reduce_or3A_1554 = arith.select %ne3A_1549, %reduce_or3A_1552, %reduce_or3A_1553 : vector<1x512xi1>, vector<1x512xf32>
      %reduce_or3A_1555 = vector.shape_cast %reduce_or3A_1554 : vector<1x512xf32> to vector<1x1x512xf32>
      %reduce_or3A_1556 = arith.constant dense<0xFF800000> : vector<1xf32>
      %reduce_or3A_1557 = vector.multi_reduction <maximumf>, %reduce_or3A_1555, %reduce_or3A_1556 [1, 2] : vector<1x1x512xf32> to vector<1xf32>
      %reduce_or3A_1558 = vector.shape_cast %reduce_or3A_1557 : vector<1xf32> to vector<1x1x1xf32>
      %reduce_or3A_1559 = vector.extract %reduce_or3A_1558[0, 0, 0] : f32 from vector<1x1x1xf32>
      %reduce_or3A_1560 = arith.constant 0.000000e+00 : f32
      %reduce_or3A_1561 = arith.cmpf ogt, %reduce_or3A_1559, %reduce_or3A_1560 : f32
      scf.yield %select_n3A_1548, %reduce_or3A_1561 : vector<1x512xf32>, i1
    }
    %swap3A_1003 = arith.constant 0 : index
    %swap3A_1004 = arith.constant 3584 : index
    %swap3A_1005 = vector.load %arg5[%swap3A_1003, %swap3A_1004] : memref<1x6144xf32, #tpu.memory_space<vmem>>, vector<1x512xf32>
    tpu.vector_store %arg5[%swap3A_1003, %swap3A_1004], %while3A_1002#0 {strides = array<i32>} : memref<1x6144xf32, #tpu.memory_space<vmem>>, vector<1x512xf32>,
    %eq3A_1006 = arith.cmpi eq, %iota3A_969, %iota3A_970 : vector<512x512xi32>
    %jit3A_1007 = arith.constant 1.000000e+00 : f32
    %jit3A_1008 = arith.constant 0.000000e+00 : f32
    %broadcast_in_dim3A_1009 = vector.broadcast %jit3A_1007 : f32 to vector<512x512xf32>
    %broadcast_in_dim3A_1010 = vector.broadcast %jit3A_1008 : f32 to vector<512x512xf32>
    %select_n3A_1011 = arith.select %eq3A_1006, %broadcast_in_dim3A_1009, %broadcast_in_dim3A_1010 : vector<512x512xi1>, vector<512x512xf32>
    %mul3A_1012 = vector.broadcast %while3A_1002#0 : vector<1x512xf32> to vector<512x512xf32>
    %mul3A_1013 = arith.mulf %select_n3A_1011, %mul3A_1012 : vector<512x512xf32>
    %reduce_sum3A_1014 = arith.constant dense<0.000000e+00> : vector<512xf32>
    %reduce_sum3A_1015 = vector.multi_reduction <add>, %mul3A_1013, %reduce_sum3A_1014 [1] : vector<512x512xf32> to vector<512xf32>
    %broadcast_in_dim3A_1016 = vector.shape_cast %reduce_sum3A_1015 : vector<512xf32> to vector<512x1xf32>
    %mul3A_1017 = vector.broadcast %broadcast_in_dim3A_1016 : vector<512x1xf32> to vector<512x4xf32>
    %mul3A_1018 = arith.mulf %get3A_926, %mul3A_1017 : vector<512x4xf32>
    %swap3A_1019 = arith.constant 3584 : index
    %swap3A_1020 = arith.constant 0 : index
    %swap3A_1021 = vector.load %arg4[%swap3A_1019, %swap3A_1020] : memref<6144x4xf32, #tpu.memory_space<vmem>>, vector<512x4xf32>
    tpu.vector_store %arg4[%swap3A_1019, %swap3A_1020], %mul3A_1018 {strides = array<i32>} : memref<6144x4xf32, #tpu.memory_space<vmem>>, vector<512x4xf32>,
    %slice3A_1022 = vector.extract_strided_slice %get3A_3 {offsets = [0, 4096], sizes = [1, 512], strides = [1, 1]} : vector<4x6144xf32> to vector<1x512xf32>
    %slice3A_1023 = vector.extract_strided_slice %get3A_3 {offsets = [1, 4096], sizes = [1, 512], strides = [1, 1]} : vector<4x6144xf32> to vector<1x512xf32>
    %slice3A_1024 = vector.extract_strided_slice %get3A_3 {offsets = [2, 4096], sizes = [1, 512], strides = [1, 1]} : vector<4x6144xf32> to vector<1x512xf32>
    %slice3A_1025 = vector.extract_strided_slice %get3A_3 {offsets = [3, 4096], sizes = [1, 512], strides = [1, 1]} : vector<4x6144xf32> to vector<1x512xf32>
    %sub3A_1026 = arith.subf %slice3A_1024, %slice3A_1022 : vector<1x512xf32>
    %max3A_1027 = arith.constant 0.000000e+00 : f32
    %max3A_1028 = vector.broadcast %max3A_1027 : f32 to vector<1x512xf32>
    %max3A_1029 = arith.maximumf %sub3A_1026, %max3A_1028 : vector<1x512xf32>
    %sub3A_1030 = arith.subf %slice3A_1025, %slice3A_1023 : vector<1x512xf32>
    %max3A_1031 = arith.constant 0.000000e+00 : f32
    %max3A_1032 = vector.broadcast %max3A_1031 : f32 to vector<1x512xf32>
    %max3A_1033 = arith.maximumf %sub3A_1030, %max3A_1032 : vector<1x512xf32>
    %mul3A_1034 = arith.mulf %max3A_1029, %max3A_1033 : vector<1x512xf32>
    %broadcast_in_dim3A_1035 = arith.constant 0.000000e+00 : f32
    %broadcast_in_dim3A_1036 = vector.broadcast %broadcast_in_dim3A_1035 : f32 to vector<1x512xf32>
    %scan3A_1037 = arith.constant 0 : i32
    %scan3A_1038 = arith.constant 8 : i32
    %scan3A_1039 = arith.addi %scan3A_1037, %scan3A_1038 : i32
    %scan3A_1040 = arith.constant 1 : i32
    %scan3A_1041 = scf.for %scan3A_1539 = %scan3A_1037 to %scan3A_1039 step %scan3A_1040 iter_args(%scan3A_1540 = %broadcast_in_dim3A_1036) -> (vector<1x512xf32>)  : i32 {
      %mul3A_1541 = arith.constant 512 : i32
      %mul3A_1542 = arith.muli %scan3A_1539, %mul3A_1541 : i32
      %get3A_1543 = arith.index_cast %mul3A_1542 : i32 to index
      %get3A_1544 = arith.constant 0 : index
      %get3A_1545 = vector.load %arg4[%get3A_1543, %get3A_1544] : memref<6144x4xf32, #tpu.memory_space<vmem>>, vector<512x4xf32>
      %slice3A_1546 = vector.extract_strided_slice %get3A_1545 {offsets = [0, 0], sizes = [512, 1], strides = [1, 1]} : vector<512x4xf32> to vector<512x1xf32>
      %slice3A_1547 = vector.extract_strided_slice %get3A_1545 {offsets = [0, 1], sizes = [512, 1], strides = [1, 1]} : vector<512x4xf32> to vector<512x1xf32>
      %slice3A_1548 = vector.extract_strided_slice %get3A_1545 {offsets = [0, 2], sizes = [512, 1], strides = [1, 1]} : vector<512x4xf32> to vector<512x1xf32>
      %slice3A_1549 = vector.extract_strided_slice %get3A_1545 {offsets = [0, 3], sizes = [512, 1], strides = [1, 1]} : vector<512x4xf32> to vector<512x1xf32>
      %sub3A_1550 = arith.subf %slice3A_1548, %slice3A_1546 : vector<512x1xf32>
      %max3A_1551 = arith.constant 0.000000e+00 : f32
      %max3A_1552 = vector.broadcast %max3A_1551 : f32 to vector<512x1xf32>
      %max3A_1553 = arith.maximumf %sub3A_1550, %max3A_1552 : vector<512x1xf32>
      %sub3A_1554 = arith.subf %slice3A_1549, %slice3A_1547 : vector<512x1xf32>
      %max3A_1555 = arith.constant 0.000000e+00 : f32
      %max3A_1556 = vector.broadcast %max3A_1555 : f32 to vector<512x1xf32>
      %max3A_1557 = arith.maximumf %sub3A_1554, %max3A_1556 : vector<512x1xf32>
      %mul3A_1558 = arith.mulf %max3A_1553, %max3A_1557 : vector<512x1xf32>
      %max3A_1559 = vector.broadcast %slice3A_1546 : vector<512x1xf32> to vector<512x512xf32>
      %max3A_1560 = vector.broadcast %slice3A_1022 : vector<1x512xf32> to vector<512x512xf32>
      %max3A_1561 = arith.maximumf %max3A_1559, %max3A_1560 : vector<512x512xf32>
      %max3A_1562 = vector.broadcast %slice3A_1547 : vector<512x1xf32> to vector<512x512xf32>
      %max3A_1563 = vector.broadcast %slice3A_1023 : vector<1x512xf32> to vector<512x512xf32>
      %max3A_1564 = arith.maximumf %max3A_1562, %max3A_1563 : vector<512x512xf32>
      %min3A_1565 = vector.broadcast %slice3A_1548 : vector<512x1xf32> to vector<512x512xf32>
      %min3A_1566 = vector.broadcast %slice3A_1024 : vector<1x512xf32> to vector<512x512xf32>
      %min3A_1567 = arith.minimumf %min3A_1565, %min3A_1566 : vector<512x512xf32>
      %min3A_1568 = vector.broadcast %slice3A_1549 : vector<512x1xf32> to vector<512x512xf32>
      %min3A_1569 = vector.broadcast %slice3A_1025 : vector<1x512xf32> to vector<512x512xf32>
      %min3A_1570 = arith.minimumf %min3A_1568, %min3A_1569 : vector<512x512xf32>
      %sub3A_1571 = arith.subf %min3A_1567, %max3A_1561 : vector<512x512xf32>
      %max3A_1572 = arith.constant 0.000000e+00 : f32
      %max3A_1573 = vector.broadcast %max3A_1572 : f32 to vector<512x512xf32>
      %max3A_1574 = arith.maximumf %sub3A_1571, %max3A_1573 : vector<512x512xf32>
      %sub3A_1575 = arith.subf %min3A_1570, %max3A_1564 : vector<512x512xf32>
      %max3A_1576 = arith.constant 0.000000e+00 : f32
      %max3A_1577 = vector.broadcast %max3A_1576 : f32 to vector<512x512xf32>
      %max3A_1578 = arith.maximumf %sub3A_1575, %max3A_1577 : vector<512x512xf32>
      %mul3A_1579 = arith.mulf %max3A_1574, %max3A_1578 : vector<512x512xf32>
      %add3A_1580 = vector.broadcast %mul3A_1558 : vector<512x1xf32> to vector<512x512xf32>
      %add3A_1581 = vector.broadcast %mul3A_1034 : vector<1x512xf32> to vector<512x512xf32>
      %add3A_1582 = arith.addf %add3A_1580, %add3A_1581 : vector<512x512xf32>
      %sub3A_1583 = arith.subf %add3A_1582, %mul3A_1579 : vector<512x512xf32>
      %add3A_1584 = arith.constant 9.99999993E-9 : f32
      %add3A_1585 = vector.broadcast %add3A_1584 : f32 to vector<512x512xf32>
      %add3A_1586 = arith.addf %sub3A_1583, %add3A_1585 : vector<512x512xf32>
      %div3A_1587 = arith.divf %mul3A_1579, %add3A_1586 : vector<512x512xf32>
      %gt3A_1588 = arith.constant 0.699999988 : f32
      %gt3A_1589 = vector.broadcast %gt3A_1588 : f32 to vector<512x512xf32>
      %gt3A_1590 = arith.cmpf ogt, %div3A_1587, %gt3A_1589 : vector<512x512xf32>
      %jit3A_1591 = arith.constant 1.000000e+00 : f32
      %jit3A_1592 = arith.constant 0.000000e+00 : f32
      %broadcast_in_dim3A_1593 = vector.broadcast %jit3A_1591 : f32 to vector<512x512xf32>
      %broadcast_in_dim3A_1594 = vector.broadcast %jit3A_1592 : f32 to vector<512x512xf32>
      %select_n3A_1595 = arith.select %gt3A_1590, %broadcast_in_dim3A_1593, %broadcast_in_dim3A_1594 : vector<512x512xi1>, vector<512x512xf32>
      %reduce_max3A_1596 = arith.constant dense<0xFF800000> : vector<512xf32>
      %reduce_max3A_1597 = vector.multi_reduction <maximumf>, %select_n3A_1595, %reduce_max3A_1596 [0] : vector<512x512xf32> to vector<512xf32>
      %broadcast_in_dim3A_1598 = vector.shape_cast %reduce_max3A_1597 : vector<512xf32> to vector<1x512xf32>
      %max3A_1599 = arith.maximumf %scan3A_1540, %broadcast_in_dim3A_1598 : vector<1x512xf32>
      scf.yield %max3A_1599 : vector<1x512xf32>
    }
    %scan3A_1042 = arith.constant 8 : i32
    %sub3A_1043 = arith.constant 1.000000e+00 : f32
    %sub3A_1044 = vector.broadcast %sub3A_1043 : f32 to vector<1x512xf32>
    %sub3A_1045 = arith.subf %sub3A_1044, %scan3A_1041 : vector<1x512xf32>
    %get3A_1046 = arith.constant 0 : index
    %get3A_1047 = arith.constant 4096 : index
    %get3A_1048 = arith.constant 0 : index
    %get3A_1049 = vector.load %arg2[%get3A_1046, %get3A_1047, %get3A_1048] : memref<1x6144x4xf32, #tpu.memory_space<vmem>>, vector<1x512x4xf32>
    %get3A_1050 = vector.shape_cast %get3A_1049 : vector<1x512x4xf32> to vector<512x4xf32>
    %slice3A_1051 = vector.extract_strided_slice %get3A_1050 {offsets = [0, 0], sizes = [512, 1], strides = [1, 1]} : vector<512x4xf32> to vector<512x1xf32>
    %slice3A_1052 = vector.extract_strided_slice %get3A_1050 {offsets = [0, 1], sizes = [512, 1], strides = [1, 1]} : vector<512x4xf32> to vector<512x1xf32>
    %slice3A_1053 = vector.extract_strided_slice %get3A_1050 {offsets = [0, 2], sizes = [512, 1], strides = [1, 1]} : vector<512x4xf32> to vector<512x1xf32>
    %slice3A_1054 = vector.extract_strided_slice %get3A_1050 {offsets = [0, 3], sizes = [512, 1], strides = [1, 1]} : vector<512x4xf32> to vector<512x1xf32>
    %sub3A_1055 = arith.subf %slice3A_1053, %slice3A_1051 : vector<512x1xf32>
    %max3A_1056 = arith.constant 0.000000e+00 : f32
    %max3A_1057 = vector.broadcast %max3A_1056 : f32 to vector<512x1xf32>
    %max3A_1058 = arith.maximumf %sub3A_1055, %max3A_1057 : vector<512x1xf32>
    %sub3A_1059 = arith.subf %slice3A_1054, %slice3A_1052 : vector<512x1xf32>
    %max3A_1060 = arith.constant 0.000000e+00 : f32
    %max3A_1061 = vector.broadcast %max3A_1060 : f32 to vector<512x1xf32>
    %max3A_1062 = arith.maximumf %sub3A_1059, %max3A_1061 : vector<512x1xf32>
    %mul3A_1063 = arith.mulf %max3A_1058, %max3A_1062 : vector<512x1xf32>
    %max3A_1064 = vector.broadcast %slice3A_1051 : vector<512x1xf32> to vector<512x512xf32>
    %max3A_1065 = vector.broadcast %slice3A_1022 : vector<1x512xf32> to vector<512x512xf32>
    %max3A_1066 = arith.maximumf %max3A_1064, %max3A_1065 : vector<512x512xf32>
    %max3A_1067 = vector.broadcast %slice3A_1052 : vector<512x1xf32> to vector<512x512xf32>
    %max3A_1068 = vector.broadcast %slice3A_1023 : vector<1x512xf32> to vector<512x512xf32>
    %max3A_1069 = arith.maximumf %max3A_1067, %max3A_1068 : vector<512x512xf32>
    %min3A_1070 = vector.broadcast %slice3A_1053 : vector<512x1xf32> to vector<512x512xf32>
    %min3A_1071 = vector.broadcast %slice3A_1024 : vector<1x512xf32> to vector<512x512xf32>
    %min3A_1072 = arith.minimumf %min3A_1070, %min3A_1071 : vector<512x512xf32>
    %min3A_1073 = vector.broadcast %slice3A_1054 : vector<512x1xf32> to vector<512x512xf32>
    %min3A_1074 = vector.broadcast %slice3A_1025 : vector<1x512xf32> to vector<512x512xf32>
    %min3A_1075 = arith.minimumf %min3A_1073, %min3A_1074 : vector<512x512xf32>
    %sub3A_1076 = arith.subf %min3A_1072, %max3A_1066 : vector<512x512xf32>
    %max3A_1077 = arith.constant 0.000000e+00 : f32
    %max3A_1078 = vector.broadcast %max3A_1077 : f32 to vector<512x512xf32>
    %max3A_1079 = arith.maximumf %sub3A_1076, %max3A_1078 : vector<512x512xf32>
    %sub3A_1080 = arith.subf %min3A_1075, %max3A_1069 : vector<512x512xf32>
    %max3A_1081 = arith.constant 0.000000e+00 : f32
    %max3A_1082 = vector.broadcast %max3A_1081 : f32 to vector<512x512xf32>
    %max3A_1083 = arith.maximumf %sub3A_1080, %max3A_1082 : vector<512x512xf32>
    %mul3A_1084 = arith.mulf %max3A_1079, %max3A_1083 : vector<512x512xf32>
    %add3A_1085 = vector.broadcast %mul3A_1063 : vector<512x1xf32> to vector<512x512xf32>
    %add3A_1086 = vector.broadcast %mul3A_1034 : vector<1x512xf32> to vector<512x512xf32>
    %add3A_1087 = arith.addf %add3A_1085, %add3A_1086 : vector<512x512xf32>
    %sub3A_1088 = arith.subf %add3A_1087, %mul3A_1084 : vector<512x512xf32>
    %add3A_1089 = arith.constant 9.99999993E-9 : f32
    %add3A_1090 = vector.broadcast %add3A_1089 : f32 to vector<512x512xf32>
    %add3A_1091 = arith.addf %sub3A_1088, %add3A_1090 : vector<512x512xf32>
    %div3A_1092 = arith.divf %mul3A_1084, %add3A_1091 : vector<512x512xf32>
    %iota3A_1093 = tpu.iota {dimensions = array<i32: 0>} : vector<512x512xi32>
    %iota3A_1094 = tpu.iota {dimensions = array<i32: 1>} : vector<512x512xi32>
    %gt3A_1095 = arith.constant 0.699999988 : f32
    %gt3A_1096 = vector.broadcast %gt3A_1095 : f32 to vector<512x512xf32>
    %gt3A_1097 = arith.cmpf ogt, %div3A_1092, %gt3A_1096 : vector<512x512xf32>
    %lt3A_1098 = arith.cmpi slt, %iota3A_1093, %iota3A_1094 : vector<512x512xi32>
    %and3A_1099 = arith.andi %gt3A_1097, %lt3A_1098 : vector<512x512xi1>
    %jit3A_1100 = arith.constant 1.000000e+00 : f32
    %jit3A_1101 = arith.constant 0.000000e+00 : f32
    %broadcast_in_dim3A_1102 = vector.broadcast %jit3A_1100 : f32 to vector<512x512xf32>
    %broadcast_in_dim3A_1103 = vector.broadcast %jit3A_1101 : f32 to vector<512x512xf32>
    %select_n3A_1104 = arith.select %and3A_1099, %broadcast_in_dim3A_1102, %broadcast_in_dim3A_1103 : vector<512x512xi1>, vector<512x512xf32>
    %dot_general3A_1105 = arith.constant dense<0.000000e+00> : vector<1x512xf32>
    %dot_general3A_1106 = tpu.matmul %sub3A_1045, %select_n3A_1104, %dot_general3A_1105 {dimension_numbers = #tpu.dot_dimension_numbers<[1], [0], [0], [1], [0, 0, 1, 1], [], []>, transpose_lhs_hint = false} : vector<1x512xf32>, vector<512x512xf32>, vector<1x512xf32> -> vector<1x512xf32>
    %gt3A_1107 = arith.constant 5.000000e-01 : f32
    %gt3A_1108 = vector.broadcast %gt3A_1107 : f32 to vector<1x512xf32>
    %gt3A_1109 = arith.cmpf ogt, %dot_general3A_1106, %gt3A_1108 : vector<1x512xf32>
    %jit3A_1110 = arith.constant 0.000000e+00 : f32
    %broadcast_in_dim3A_1111 = vector.broadcast %jit3A_1110 : f32 to vector<1x512xf32>
    %select_n3A_1112 = arith.select %gt3A_1109, %broadcast_in_dim3A_1111, %sub3A_1045 : vector<1x512xi1>, vector<1x512xf32>
    %ne3A_1113 = arith.cmpf one, %select_n3A_1112, %sub3A_1045 : vector<1x512xf32>
    %reduce_or3A_1114 = arith.constant 1.000000e+00 : f32
    %reduce_or3A_1115 = arith.constant 0.000000e+00 : f32
    %reduce_or3A_1116 = vector.broadcast %reduce_or3A_1114 : f32 to vector<1x512xf32>
    %reduce_or3A_1117 = vector.broadcast %reduce_or3A_1115 : f32 to vector<1x512xf32>
    %reduce_or3A_1118 = arith.select %ne3A_1113, %reduce_or3A_1116, %reduce_or3A_1117 : vector<1x512xi1>, vector<1x512xf32>
    %reduce_or3A_1119 = vector.shape_cast %reduce_or3A_1118 : vector<1x512xf32> to vector<1x1x512xf32>
    %reduce_or3A_1120 = arith.constant dense<0xFF800000> : vector<1xf32>
    %reduce_or3A_1121 = vector.multi_reduction <maximumf>, %reduce_or3A_1119, %reduce_or3A_1120 [1, 2] : vector<1x1x512xf32> to vector<1xf32>
    %reduce_or3A_1122 = vector.shape_cast %reduce_or3A_1121 : vector<1xf32> to vector<1x1x1xf32>
    %reduce_or3A_1123 = vector.extract %reduce_or3A_1122[0, 0, 0] : f32 from vector<1x1x1xf32>
    %reduce_or3A_1124 = arith.constant 0.000000e+00 : f32
    %reduce_or3A_1125 = arith.cmpf ogt, %reduce_or3A_1123, %reduce_or3A_1124 : f32
    %while3A_1126:2 = scf.while (%while3A_1539 = %select_n3A_1112, %while3A_1540 = %reduce_or3A_1125) : (vector<1x512xf32>, i1) -> (vector<1x512xf32>, i1) {
      scf.condition(%while3A_1540) %while3A_1539, %while3A_1540 : vector<1x512xf32>, i1
    } do {
    ^bb0(%while3A_1539: vector<1x512xf32>, %while3A_1540: i1):
      %dot_general3A_1541 = arith.constant dense<0.000000e+00> : vector<1x512xf32>
      %dot_general3A_1542 = tpu.matmul %while3A_1539, %select_n3A_1104, %dot_general3A_1541 {dimension_numbers = #tpu.dot_dimension_numbers<[1], [0], [0], [1], [0, 0, 1, 1], [], []>, transpose_lhs_hint = false} : vector<1x512xf32>, vector<512x512xf32>, vector<1x512xf32> -> vector<1x512xf32>
      %gt3A_1543 = arith.constant 5.000000e-01 : f32
      %gt3A_1544 = vector.broadcast %gt3A_1543 : f32 to vector<1x512xf32>
      %gt3A_1545 = arith.cmpf ogt, %dot_general3A_1542, %gt3A_1544 : vector<1x512xf32>
      %jit3A_1546 = arith.constant 0.000000e+00 : f32
      %broadcast_in_dim3A_1547 = vector.broadcast %jit3A_1546 : f32 to vector<1x512xf32>
      %select_n3A_1548 = arith.select %gt3A_1545, %broadcast_in_dim3A_1547, %sub3A_1045 : vector<1x512xi1>, vector<1x512xf32>
      %ne3A_1549 = arith.cmpf one, %select_n3A_1548, %while3A_1539 : vector<1x512xf32>
      %reduce_or3A_1550 = arith.constant 1.000000e+00 : f32
      %reduce_or3A_1551 = arith.constant 0.000000e+00 : f32
      %reduce_or3A_1552 = vector.broadcast %reduce_or3A_1550 : f32 to vector<1x512xf32>
      %reduce_or3A_1553 = vector.broadcast %reduce_or3A_1551 : f32 to vector<1x512xf32>
      %reduce_or3A_1554 = arith.select %ne3A_1549, %reduce_or3A_1552, %reduce_or3A_1553 : vector<1x512xi1>, vector<1x512xf32>
      %reduce_or3A_1555 = vector.shape_cast %reduce_or3A_1554 : vector<1x512xf32> to vector<1x1x512xf32>
      %reduce_or3A_1556 = arith.constant dense<0xFF800000> : vector<1xf32>
      %reduce_or3A_1557 = vector.multi_reduction <maximumf>, %reduce_or3A_1555, %reduce_or3A_1556 [1, 2] : vector<1x1x512xf32> to vector<1xf32>
      %reduce_or3A_1558 = vector.shape_cast %reduce_or3A_1557 : vector<1xf32> to vector<1x1x1xf32>
      %reduce_or3A_1559 = vector.extract %reduce_or3A_1558[0, 0, 0] : f32 from vector<1x1x1xf32>
      %reduce_or3A_1560 = arith.constant 0.000000e+00 : f32
      %reduce_or3A_1561 = arith.cmpf ogt, %reduce_or3A_1559, %reduce_or3A_1560 : f32
      scf.yield %select_n3A_1548, %reduce_or3A_1561 : vector<1x512xf32>, i1
    }
    %swap3A_1127 = arith.constant 0 : index
    %swap3A_1128 = arith.constant 4096 : index
    %swap3A_1129 = vector.load %arg5[%swap3A_1127, %swap3A_1128] : memref<1x6144xf32, #tpu.memory_space<vmem>>, vector<1x512xf32>
    tpu.vector_store %arg5[%swap3A_1127, %swap3A_1128], %while3A_1126#0 {strides = array<i32>} : memref<1x6144xf32, #tpu.memory_space<vmem>>, vector<1x512xf32>,
    %eq3A_1130 = arith.cmpi eq, %iota3A_1093, %iota3A_1094 : vector<512x512xi32>
    %jit3A_1131 = arith.constant 1.000000e+00 : f32
    %jit3A_1132 = arith.constant 0.000000e+00 : f32
    %broadcast_in_dim3A_1133 = vector.broadcast %jit3A_1131 : f32 to vector<512x512xf32>
    %broadcast_in_dim3A_1134 = vector.broadcast %jit3A_1132 : f32 to vector<512x512xf32>
    %select_n3A_1135 = arith.select %eq3A_1130, %broadcast_in_dim3A_1133, %broadcast_in_dim3A_1134 : vector<512x512xi1>, vector<512x512xf32>
    %mul3A_1136 = vector.broadcast %while3A_1126#0 : vector<1x512xf32> to vector<512x512xf32>
    %mul3A_1137 = arith.mulf %select_n3A_1135, %mul3A_1136 : vector<512x512xf32>
    %reduce_sum3A_1138 = arith.constant dense<0.000000e+00> : vector<512xf32>
    %reduce_sum3A_1139 = vector.multi_reduction <add>, %mul3A_1137, %reduce_sum3A_1138 [1] : vector<512x512xf32> to vector<512xf32>
    %broadcast_in_dim3A_1140 = vector.shape_cast %reduce_sum3A_1139 : vector<512xf32> to vector<512x1xf32>
    %mul3A_1141 = vector.broadcast %broadcast_in_dim3A_1140 : vector<512x1xf32> to vector<512x4xf32>
    %mul3A_1142 = arith.mulf %get3A_1050, %mul3A_1141 : vector<512x4xf32>
    %swap3A_1143 = arith.constant 4096 : index
    %swap3A_1144 = arith.constant 0 : index
    %swap3A_1145 = vector.load %arg4[%swap3A_1143, %swap3A_1144] : memref<6144x4xf32, #tpu.memory_space<vmem>>, vector<512x4xf32>
    tpu.vector_store %arg4[%swap3A_1143, %swap3A_1144], %mul3A_1142 {strides = array<i32>} : memref<6144x4xf32, #tpu.memory_space<vmem>>, vector<512x4xf32>,
    %slice3A_1146 = vector.extract_strided_slice %get3A_3 {offsets = [0, 4608], sizes = [1, 512], strides = [1, 1]} : vector<4x6144xf32> to vector<1x512xf32>
    %slice3A_1147 = vector.extract_strided_slice %get3A_3 {offsets = [1, 4608], sizes = [1, 512], strides = [1, 1]} : vector<4x6144xf32> to vector<1x512xf32>
    %slice3A_1148 = vector.extract_strided_slice %get3A_3 {offsets = [2, 4608], sizes = [1, 512], strides = [1, 1]} : vector<4x6144xf32> to vector<1x512xf32>
    %slice3A_1149 = vector.extract_strided_slice %get3A_3 {offsets = [3, 4608], sizes = [1, 512], strides = [1, 1]} : vector<4x6144xf32> to vector<1x512xf32>
    %sub3A_1150 = arith.subf %slice3A_1148, %slice3A_1146 : vector<1x512xf32>
    %max3A_1151 = arith.constant 0.000000e+00 : f32
    %max3A_1152 = vector.broadcast %max3A_1151 : f32 to vector<1x512xf32>
    %max3A_1153 = arith.maximumf %sub3A_1150, %max3A_1152 : vector<1x512xf32>
    %sub3A_1154 = arith.subf %slice3A_1149, %slice3A_1147 : vector<1x512xf32>
    %max3A_1155 = arith.constant 0.000000e+00 : f32
    %max3A_1156 = vector.broadcast %max3A_1155 : f32 to vector<1x512xf32>
    %max3A_1157 = arith.maximumf %sub3A_1154, %max3A_1156 : vector<1x512xf32>
    %mul3A_1158 = arith.mulf %max3A_1153, %max3A_1157 : vector<1x512xf32>
    %broadcast_in_dim3A_1159 = arith.constant 0.000000e+00 : f32
    %broadcast_in_dim3A_1160 = vector.broadcast %broadcast_in_dim3A_1159 : f32 to vector<1x512xf32>
    %scan3A_1161 = arith.constant 0 : i32
    %scan3A_1162 = arith.constant 9 : i32
    %scan3A_1163 = arith.addi %scan3A_1161, %scan3A_1162 : i32
    %scan3A_1164 = arith.constant 1 : i32
    %scan3A_1165 = scf.for %scan3A_1539 = %scan3A_1161 to %scan3A_1163 step %scan3A_1164 iter_args(%scan3A_1540 = %broadcast_in_dim3A_1160) -> (vector<1x512xf32>)  : i32 {
      %mul3A_1541 = arith.constant 512 : i32
      %mul3A_1542 = arith.muli %scan3A_1539, %mul3A_1541 : i32
      %get3A_1543 = arith.index_cast %mul3A_1542 : i32 to index
      %get3A_1544 = arith.constant 0 : index
      %get3A_1545 = vector.load %arg4[%get3A_1543, %get3A_1544] : memref<6144x4xf32, #tpu.memory_space<vmem>>, vector<512x4xf32>
      %slice3A_1546 = vector.extract_strided_slice %get3A_1545 {offsets = [0, 0], sizes = [512, 1], strides = [1, 1]} : vector<512x4xf32> to vector<512x1xf32>
      %slice3A_1547 = vector.extract_strided_slice %get3A_1545 {offsets = [0, 1], sizes = [512, 1], strides = [1, 1]} : vector<512x4xf32> to vector<512x1xf32>
      %slice3A_1548 = vector.extract_strided_slice %get3A_1545 {offsets = [0, 2], sizes = [512, 1], strides = [1, 1]} : vector<512x4xf32> to vector<512x1xf32>
      %slice3A_1549 = vector.extract_strided_slice %get3A_1545 {offsets = [0, 3], sizes = [512, 1], strides = [1, 1]} : vector<512x4xf32> to vector<512x1xf32>
      %sub3A_1550 = arith.subf %slice3A_1548, %slice3A_1546 : vector<512x1xf32>
      %max3A_1551 = arith.constant 0.000000e+00 : f32
      %max3A_1552 = vector.broadcast %max3A_1551 : f32 to vector<512x1xf32>
      %max3A_1553 = arith.maximumf %sub3A_1550, %max3A_1552 : vector<512x1xf32>
      %sub3A_1554 = arith.subf %slice3A_1549, %slice3A_1547 : vector<512x1xf32>
      %max3A_1555 = arith.constant 0.000000e+00 : f32
      %max3A_1556 = vector.broadcast %max3A_1555 : f32 to vector<512x1xf32>
      %max3A_1557 = arith.maximumf %sub3A_1554, %max3A_1556 : vector<512x1xf32>
      %mul3A_1558 = arith.mulf %max3A_1553, %max3A_1557 : vector<512x1xf32>
      %max3A_1559 = vector.broadcast %slice3A_1546 : vector<512x1xf32> to vector<512x512xf32>
      %max3A_1560 = vector.broadcast %slice3A_1146 : vector<1x512xf32> to vector<512x512xf32>
      %max3A_1561 = arith.maximumf %max3A_1559, %max3A_1560 : vector<512x512xf32>
      %max3A_1562 = vector.broadcast %slice3A_1547 : vector<512x1xf32> to vector<512x512xf32>
      %max3A_1563 = vector.broadcast %slice3A_1147 : vector<1x512xf32> to vector<512x512xf32>
      %max3A_1564 = arith.maximumf %max3A_1562, %max3A_1563 : vector<512x512xf32>
      %min3A_1565 = vector.broadcast %slice3A_1548 : vector<512x1xf32> to vector<512x512xf32>
      %min3A_1566 = vector.broadcast %slice3A_1148 : vector<1x512xf32> to vector<512x512xf32>
      %min3A_1567 = arith.minimumf %min3A_1565, %min3A_1566 : vector<512x512xf32>
      %min3A_1568 = vector.broadcast %slice3A_1549 : vector<512x1xf32> to vector<512x512xf32>
      %min3A_1569 = vector.broadcast %slice3A_1149 : vector<1x512xf32> to vector<512x512xf32>
      %min3A_1570 = arith.minimumf %min3A_1568, %min3A_1569 : vector<512x512xf32>
      %sub3A_1571 = arith.subf %min3A_1567, %max3A_1561 : vector<512x512xf32>
      %max3A_1572 = arith.constant 0.000000e+00 : f32
      %max3A_1573 = vector.broadcast %max3A_1572 : f32 to vector<512x512xf32>
      %max3A_1574 = arith.maximumf %sub3A_1571, %max3A_1573 : vector<512x512xf32>
      %sub3A_1575 = arith.subf %min3A_1570, %max3A_1564 : vector<512x512xf32>
      %max3A_1576 = arith.constant 0.000000e+00 : f32
      %max3A_1577 = vector.broadcast %max3A_1576 : f32 to vector<512x512xf32>
      %max3A_1578 = arith.maximumf %sub3A_1575, %max3A_1577 : vector<512x512xf32>
      %mul3A_1579 = arith.mulf %max3A_1574, %max3A_1578 : vector<512x512xf32>
      %add3A_1580 = vector.broadcast %mul3A_1558 : vector<512x1xf32> to vector<512x512xf32>
      %add3A_1581 = vector.broadcast %mul3A_1158 : vector<1x512xf32> to vector<512x512xf32>
      %add3A_1582 = arith.addf %add3A_1580, %add3A_1581 : vector<512x512xf32>
      %sub3A_1583 = arith.subf %add3A_1582, %mul3A_1579 : vector<512x512xf32>
      %add3A_1584 = arith.constant 9.99999993E-9 : f32
      %add3A_1585 = vector.broadcast %add3A_1584 : f32 to vector<512x512xf32>
      %add3A_1586 = arith.addf %sub3A_1583, %add3A_1585 : vector<512x512xf32>
      %div3A_1587 = arith.divf %mul3A_1579, %add3A_1586 : vector<512x512xf32>
      %gt3A_1588 = arith.constant 0.699999988 : f32
      %gt3A_1589 = vector.broadcast %gt3A_1588 : f32 to vector<512x512xf32>
      %gt3A_1590 = arith.cmpf ogt, %div3A_1587, %gt3A_1589 : vector<512x512xf32>
      %jit3A_1591 = arith.constant 1.000000e+00 : f32
      %jit3A_1592 = arith.constant 0.000000e+00 : f32
      %broadcast_in_dim3A_1593 = vector.broadcast %jit3A_1591 : f32 to vector<512x512xf32>
      %broadcast_in_dim3A_1594 = vector.broadcast %jit3A_1592 : f32 to vector<512x512xf32>
      %select_n3A_1595 = arith.select %gt3A_1590, %broadcast_in_dim3A_1593, %broadcast_in_dim3A_1594 : vector<512x512xi1>, vector<512x512xf32>
      %reduce_max3A_1596 = arith.constant dense<0xFF800000> : vector<512xf32>
      %reduce_max3A_1597 = vector.multi_reduction <maximumf>, %select_n3A_1595, %reduce_max3A_1596 [0] : vector<512x512xf32> to vector<512xf32>
      %broadcast_in_dim3A_1598 = vector.shape_cast %reduce_max3A_1597 : vector<512xf32> to vector<1x512xf32>
      %max3A_1599 = arith.maximumf %scan3A_1540, %broadcast_in_dim3A_1598 : vector<1x512xf32>
      scf.yield %max3A_1599 : vector<1x512xf32>
    }
    %scan3A_1166 = arith.constant 9 : i32
    %sub3A_1167 = arith.constant 1.000000e+00 : f32
    %sub3A_1168 = vector.broadcast %sub3A_1167 : f32 to vector<1x512xf32>
    %sub3A_1169 = arith.subf %sub3A_1168, %scan3A_1165 : vector<1x512xf32>
    %get3A_1170 = arith.constant 0 : index
    %get3A_1171 = arith.constant 4608 : index
    %get3A_1172 = arith.constant 0 : index
    %get3A_1173 = vector.load %arg2[%get3A_1170, %get3A_1171, %get3A_1172] : memref<1x6144x4xf32, #tpu.memory_space<vmem>>, vector<1x512x4xf32>
    %get3A_1174 = vector.shape_cast %get3A_1173 : vector<1x512x4xf32> to vector<512x4xf32>
    %slice3A_1175 = vector.extract_strided_slice %get3A_1174 {offsets = [0, 0], sizes = [512, 1], strides = [1, 1]} : vector<512x4xf32> to vector<512x1xf32>
    %slice3A_1176 = vector.extract_strided_slice %get3A_1174 {offsets = [0, 1], sizes = [512, 1], strides = [1, 1]} : vector<512x4xf32> to vector<512x1xf32>
    %slice3A_1177 = vector.extract_strided_slice %get3A_1174 {offsets = [0, 2], sizes = [512, 1], strides = [1, 1]} : vector<512x4xf32> to vector<512x1xf32>
    %slice3A_1178 = vector.extract_strided_slice %get3A_1174 {offsets = [0, 3], sizes = [512, 1], strides = [1, 1]} : vector<512x4xf32> to vector<512x1xf32>
    %sub3A_1179 = arith.subf %slice3A_1177, %slice3A_1175 : vector<512x1xf32>
    %max3A_1180 = arith.constant 0.000000e+00 : f32
    %max3A_1181 = vector.broadcast %max3A_1180 : f32 to vector<512x1xf32>
    %max3A_1182 = arith.maximumf %sub3A_1179, %max3A_1181 : vector<512x1xf32>
    %sub3A_1183 = arith.subf %slice3A_1178, %slice3A_1176 : vector<512x1xf32>
    %max3A_1184 = arith.constant 0.000000e+00 : f32
    %max3A_1185 = vector.broadcast %max3A_1184 : f32 to vector<512x1xf32>
    %max3A_1186 = arith.maximumf %sub3A_1183, %max3A_1185 : vector<512x1xf32>
    %mul3A_1187 = arith.mulf %max3A_1182, %max3A_1186 : vector<512x1xf32>
    %max3A_1188 = vector.broadcast %slice3A_1175 : vector<512x1xf32> to vector<512x512xf32>
    %max3A_1189 = vector.broadcast %slice3A_1146 : vector<1x512xf32> to vector<512x512xf32>
    %max3A_1190 = arith.maximumf %max3A_1188, %max3A_1189 : vector<512x512xf32>
    %max3A_1191 = vector.broadcast %slice3A_1176 : vector<512x1xf32> to vector<512x512xf32>
    %max3A_1192 = vector.broadcast %slice3A_1147 : vector<1x512xf32> to vector<512x512xf32>
    %max3A_1193 = arith.maximumf %max3A_1191, %max3A_1192 : vector<512x512xf32>
    %min3A_1194 = vector.broadcast %slice3A_1177 : vector<512x1xf32> to vector<512x512xf32>
    %min3A_1195 = vector.broadcast %slice3A_1148 : vector<1x512xf32> to vector<512x512xf32>
    %min3A_1196 = arith.minimumf %min3A_1194, %min3A_1195 : vector<512x512xf32>
    %min3A_1197 = vector.broadcast %slice3A_1178 : vector<512x1xf32> to vector<512x512xf32>
    %min3A_1198 = vector.broadcast %slice3A_1149 : vector<1x512xf32> to vector<512x512xf32>
    %min3A_1199 = arith.minimumf %min3A_1197, %min3A_1198 : vector<512x512xf32>
    %sub3A_1200 = arith.subf %min3A_1196, %max3A_1190 : vector<512x512xf32>
    %max3A_1201 = arith.constant 0.000000e+00 : f32
    %max3A_1202 = vector.broadcast %max3A_1201 : f32 to vector<512x512xf32>
    %max3A_1203 = arith.maximumf %sub3A_1200, %max3A_1202 : vector<512x512xf32>
    %sub3A_1204 = arith.subf %min3A_1199, %max3A_1193 : vector<512x512xf32>
    %max3A_1205 = arith.constant 0.000000e+00 : f32
    %max3A_1206 = vector.broadcast %max3A_1205 : f32 to vector<512x512xf32>
    %max3A_1207 = arith.maximumf %sub3A_1204, %max3A_1206 : vector<512x512xf32>
    %mul3A_1208 = arith.mulf %max3A_1203, %max3A_1207 : vector<512x512xf32>
    %add3A_1209 = vector.broadcast %mul3A_1187 : vector<512x1xf32> to vector<512x512xf32>
    %add3A_1210 = vector.broadcast %mul3A_1158 : vector<1x512xf32> to vector<512x512xf32>
    %add3A_1211 = arith.addf %add3A_1209, %add3A_1210 : vector<512x512xf32>
    %sub3A_1212 = arith.subf %add3A_1211, %mul3A_1208 : vector<512x512xf32>
    %add3A_1213 = arith.constant 9.99999993E-9 : f32
    %add3A_1214 = vector.broadcast %add3A_1213 : f32 to vector<512x512xf32>
    %add3A_1215 = arith.addf %sub3A_1212, %add3A_1214 : vector<512x512xf32>
    %div3A_1216 = arith.divf %mul3A_1208, %add3A_1215 : vector<512x512xf32>
    %iota3A_1217 = tpu.iota {dimensions = array<i32: 0>} : vector<512x512xi32>
    %iota3A_1218 = tpu.iota {dimensions = array<i32: 1>} : vector<512x512xi32>
    %gt3A_1219 = arith.constant 0.699999988 : f32
    %gt3A_1220 = vector.broadcast %gt3A_1219 : f32 to vector<512x512xf32>
    %gt3A_1221 = arith.cmpf ogt, %div3A_1216, %gt3A_1220 : vector<512x512xf32>
    %lt3A_1222 = arith.cmpi slt, %iota3A_1217, %iota3A_1218 : vector<512x512xi32>
    %and3A_1223 = arith.andi %gt3A_1221, %lt3A_1222 : vector<512x512xi1>
    %jit3A_1224 = arith.constant 1.000000e+00 : f32
    %jit3A_1225 = arith.constant 0.000000e+00 : f32
    %broadcast_in_dim3A_1226 = vector.broadcast %jit3A_1224 : f32 to vector<512x512xf32>
    %broadcast_in_dim3A_1227 = vector.broadcast %jit3A_1225 : f32 to vector<512x512xf32>
    %select_n3A_1228 = arith.select %and3A_1223, %broadcast_in_dim3A_1226, %broadcast_in_dim3A_1227 : vector<512x512xi1>, vector<512x512xf32>
    %dot_general3A_1229 = arith.constant dense<0.000000e+00> : vector<1x512xf32>
    %dot_general3A_1230 = tpu.matmul %sub3A_1169, %select_n3A_1228, %dot_general3A_1229 {dimension_numbers = #tpu.dot_dimension_numbers<[1], [0], [0], [1], [0, 0, 1, 1], [], []>, transpose_lhs_hint = false} : vector<1x512xf32>, vector<512x512xf32>, vector<1x512xf32> -> vector<1x512xf32>
    %gt3A_1231 = arith.constant 5.000000e-01 : f32
    %gt3A_1232 = vector.broadcast %gt3A_1231 : f32 to vector<1x512xf32>
    %gt3A_1233 = arith.cmpf ogt, %dot_general3A_1230, %gt3A_1232 : vector<1x512xf32>
    %jit3A_1234 = arith.constant 0.000000e+00 : f32
    %broadcast_in_dim3A_1235 = vector.broadcast %jit3A_1234 : f32 to vector<1x512xf32>
    %select_n3A_1236 = arith.select %gt3A_1233, %broadcast_in_dim3A_1235, %sub3A_1169 : vector<1x512xi1>, vector<1x512xf32>
    %ne3A_1237 = arith.cmpf one, %select_n3A_1236, %sub3A_1169 : vector<1x512xf32>
    %reduce_or3A_1238 = arith.constant 1.000000e+00 : f32
    %reduce_or3A_1239 = arith.constant 0.000000e+00 : f32
    %reduce_or3A_1240 = vector.broadcast %reduce_or3A_1238 : f32 to vector<1x512xf32>
    %reduce_or3A_1241 = vector.broadcast %reduce_or3A_1239 : f32 to vector<1x512xf32>
    %reduce_or3A_1242 = arith.select %ne3A_1237, %reduce_or3A_1240, %reduce_or3A_1241 : vector<1x512xi1>, vector<1x512xf32>
    %reduce_or3A_1243 = vector.shape_cast %reduce_or3A_1242 : vector<1x512xf32> to vector<1x1x512xf32>
    %reduce_or3A_1244 = arith.constant dense<0xFF800000> : vector<1xf32>
    %reduce_or3A_1245 = vector.multi_reduction <maximumf>, %reduce_or3A_1243, %reduce_or3A_1244 [1, 2] : vector<1x1x512xf32> to vector<1xf32>
    %reduce_or3A_1246 = vector.shape_cast %reduce_or3A_1245 : vector<1xf32> to vector<1x1x1xf32>
    %reduce_or3A_1247 = vector.extract %reduce_or3A_1246[0, 0, 0] : f32 from vector<1x1x1xf32>
    %reduce_or3A_1248 = arith.constant 0.000000e+00 : f32
    %reduce_or3A_1249 = arith.cmpf ogt, %reduce_or3A_1247, %reduce_or3A_1248 : f32
    %while3A_1250:2 = scf.while (%while3A_1539 = %select_n3A_1236, %while3A_1540 = %reduce_or3A_1249) : (vector<1x512xf32>, i1) -> (vector<1x512xf32>, i1) {
      scf.condition(%while3A_1540) %while3A_1539, %while3A_1540 : vector<1x512xf32>, i1
    } do {
    ^bb0(%while3A_1539: vector<1x512xf32>, %while3A_1540: i1):
      %dot_general3A_1541 = arith.constant dense<0.000000e+00> : vector<1x512xf32>
      %dot_general3A_1542 = tpu.matmul %while3A_1539, %select_n3A_1228, %dot_general3A_1541 {dimension_numbers = #tpu.dot_dimension_numbers<[1], [0], [0], [1], [0, 0, 1, 1], [], []>, transpose_lhs_hint = false} : vector<1x512xf32>, vector<512x512xf32>, vector<1x512xf32> -> vector<1x512xf32>
      %gt3A_1543 = arith.constant 5.000000e-01 : f32
      %gt3A_1544 = vector.broadcast %gt3A_1543 : f32 to vector<1x512xf32>
      %gt3A_1545 = arith.cmpf ogt, %dot_general3A_1542, %gt3A_1544 : vector<1x512xf32>
      %jit3A_1546 = arith.constant 0.000000e+00 : f32
      %broadcast_in_dim3A_1547 = vector.broadcast %jit3A_1546 : f32 to vector<1x512xf32>
      %select_n3A_1548 = arith.select %gt3A_1545, %broadcast_in_dim3A_1547, %sub3A_1169 : vector<1x512xi1>, vector<1x512xf32>
      %ne3A_1549 = arith.cmpf one, %select_n3A_1548, %while3A_1539 : vector<1x512xf32>
      %reduce_or3A_1550 = arith.constant 1.000000e+00 : f32
      %reduce_or3A_1551 = arith.constant 0.000000e+00 : f32
      %reduce_or3A_1552 = vector.broadcast %reduce_or3A_1550 : f32 to vector<1x512xf32>
      %reduce_or3A_1553 = vector.broadcast %reduce_or3A_1551 : f32 to vector<1x512xf32>
      %reduce_or3A_1554 = arith.select %ne3A_1549, %reduce_or3A_1552, %reduce_or3A_1553 : vector<1x512xi1>, vector<1x512xf32>
      %reduce_or3A_1555 = vector.shape_cast %reduce_or3A_1554 : vector<1x512xf32> to vector<1x1x512xf32>
      %reduce_or3A_1556 = arith.constant dense<0xFF800000> : vector<1xf32>
      %reduce_or3A_1557 = vector.multi_reduction <maximumf>, %reduce_or3A_1555, %reduce_or3A_1556 [1, 2] : vector<1x1x512xf32> to vector<1xf32>
      %reduce_or3A_1558 = vector.shape_cast %reduce_or3A_1557 : vector<1xf32> to vector<1x1x1xf32>
      %reduce_or3A_1559 = vector.extract %reduce_or3A_1558[0, 0, 0] : f32 from vector<1x1x1xf32>
      %reduce_or3A_1560 = arith.constant 0.000000e+00 : f32
      %reduce_or3A_1561 = arith.cmpf ogt, %reduce_or3A_1559, %reduce_or3A_1560 : f32
      scf.yield %select_n3A_1548, %reduce_or3A_1561 : vector<1x512xf32>, i1
    }
    %swap3A_1251 = arith.constant 0 : index
    %swap3A_1252 = arith.constant 4608 : index
    %swap3A_1253 = vector.load %arg5[%swap3A_1251, %swap3A_1252] : memref<1x6144xf32, #tpu.memory_space<vmem>>, vector<1x512xf32>
    tpu.vector_store %arg5[%swap3A_1251, %swap3A_1252], %while3A_1250#0 {strides = array<i32>} : memref<1x6144xf32, #tpu.memory_space<vmem>>, vector<1x512xf32>,
    %eq3A_1254 = arith.cmpi eq, %iota3A_1217, %iota3A_1218 : vector<512x512xi32>
    %jit3A_1255 = arith.constant 1.000000e+00 : f32
    %jit3A_1256 = arith.constant 0.000000e+00 : f32
    %broadcast_in_dim3A_1257 = vector.broadcast %jit3A_1255 : f32 to vector<512x512xf32>
    %broadcast_in_dim3A_1258 = vector.broadcast %jit3A_1256 : f32 to vector<512x512xf32>
    %select_n3A_1259 = arith.select %eq3A_1254, %broadcast_in_dim3A_1257, %broadcast_in_dim3A_1258 : vector<512x512xi1>, vector<512x512xf32>
    %mul3A_1260 = vector.broadcast %while3A_1250#0 : vector<1x512xf32> to vector<512x512xf32>
    %mul3A_1261 = arith.mulf %select_n3A_1259, %mul3A_1260 : vector<512x512xf32>
    %reduce_sum3A_1262 = arith.constant dense<0.000000e+00> : vector<512xf32>
    %reduce_sum3A_1263 = vector.multi_reduction <add>, %mul3A_1261, %reduce_sum3A_1262 [1] : vector<512x512xf32> to vector<512xf32>
    %broadcast_in_dim3A_1264 = vector.shape_cast %reduce_sum3A_1263 : vector<512xf32> to vector<512x1xf32>
    %mul3A_1265 = vector.broadcast %broadcast_in_dim3A_1264 : vector<512x1xf32> to vector<512x4xf32>
    %mul3A_1266 = arith.mulf %get3A_1174, %mul3A_1265 : vector<512x4xf32>
    %swap3A_1267 = arith.constant 4608 : index
    %swap3A_1268 = arith.constant 0 : index
    %swap3A_1269 = vector.load %arg4[%swap3A_1267, %swap3A_1268] : memref<6144x4xf32, #tpu.memory_space<vmem>>, vector<512x4xf32>
    tpu.vector_store %arg4[%swap3A_1267, %swap3A_1268], %mul3A_1266 {strides = array<i32>} : memref<6144x4xf32, #tpu.memory_space<vmem>>, vector<512x4xf32>,
    %slice3A_1270 = vector.extract_strided_slice %get3A_3 {offsets = [0, 5120], sizes = [1, 512], strides = [1, 1]} : vector<4x6144xf32> to vector<1x512xf32>
    %slice3A_1271 = vector.extract_strided_slice %get3A_3 {offsets = [1, 5120], sizes = [1, 512], strides = [1, 1]} : vector<4x6144xf32> to vector<1x512xf32>
    %slice3A_1272 = vector.extract_strided_slice %get3A_3 {offsets = [2, 5120], sizes = [1, 512], strides = [1, 1]} : vector<4x6144xf32> to vector<1x512xf32>
    %slice3A_1273 = vector.extract_strided_slice %get3A_3 {offsets = [3, 5120], sizes = [1, 512], strides = [1, 1]} : vector<4x6144xf32> to vector<1x512xf32>
    %sub3A_1274 = arith.subf %slice3A_1272, %slice3A_1270 : vector<1x512xf32>
    %max3A_1275 = arith.constant 0.000000e+00 : f32
    %max3A_1276 = vector.broadcast %max3A_1275 : f32 to vector<1x512xf32>
    %max3A_1277 = arith.maximumf %sub3A_1274, %max3A_1276 : vector<1x512xf32>
    %sub3A_1278 = arith.subf %slice3A_1273, %slice3A_1271 : vector<1x512xf32>
    %max3A_1279 = arith.constant 0.000000e+00 : f32
    %max3A_1280 = vector.broadcast %max3A_1279 : f32 to vector<1x512xf32>
    %max3A_1281 = arith.maximumf %sub3A_1278, %max3A_1280 : vector<1x512xf32>
    %mul3A_1282 = arith.mulf %max3A_1277, %max3A_1281 : vector<1x512xf32>
    %broadcast_in_dim3A_1283 = arith.constant 0.000000e+00 : f32
    %broadcast_in_dim3A_1284 = vector.broadcast %broadcast_in_dim3A_1283 : f32 to vector<1x512xf32>
    %scan3A_1285 = arith.constant 0 : i32
    %scan3A_1286 = arith.constant 10 : i32
    %scan3A_1287 = arith.addi %scan3A_1285, %scan3A_1286 : i32
    %scan3A_1288 = arith.constant 1 : i32
    %scan3A_1289 = scf.for %scan3A_1539 = %scan3A_1285 to %scan3A_1287 step %scan3A_1288 iter_args(%scan3A_1540 = %broadcast_in_dim3A_1284) -> (vector<1x512xf32>)  : i32 {
      %mul3A_1541 = arith.constant 512 : i32
      %mul3A_1542 = arith.muli %scan3A_1539, %mul3A_1541 : i32
      %get3A_1543 = arith.index_cast %mul3A_1542 : i32 to index
      %get3A_1544 = arith.constant 0 : index
      %get3A_1545 = vector.load %arg4[%get3A_1543, %get3A_1544] : memref<6144x4xf32, #tpu.memory_space<vmem>>, vector<512x4xf32>
      %slice3A_1546 = vector.extract_strided_slice %get3A_1545 {offsets = [0, 0], sizes = [512, 1], strides = [1, 1]} : vector<512x4xf32> to vector<512x1xf32>
      %slice3A_1547 = vector.extract_strided_slice %get3A_1545 {offsets = [0, 1], sizes = [512, 1], strides = [1, 1]} : vector<512x4xf32> to vector<512x1xf32>
      %slice3A_1548 = vector.extract_strided_slice %get3A_1545 {offsets = [0, 2], sizes = [512, 1], strides = [1, 1]} : vector<512x4xf32> to vector<512x1xf32>
      %slice3A_1549 = vector.extract_strided_slice %get3A_1545 {offsets = [0, 3], sizes = [512, 1], strides = [1, 1]} : vector<512x4xf32> to vector<512x1xf32>
      %sub3A_1550 = arith.subf %slice3A_1548, %slice3A_1546 : vector<512x1xf32>
      %max3A_1551 = arith.constant 0.000000e+00 : f32
      %max3A_1552 = vector.broadcast %max3A_1551 : f32 to vector<512x1xf32>
      %max3A_1553 = arith.maximumf %sub3A_1550, %max3A_1552 : vector<512x1xf32>
      %sub3A_1554 = arith.subf %slice3A_1549, %slice3A_1547 : vector<512x1xf32>
      %max3A_1555 = arith.constant 0.000000e+00 : f32
      %max3A_1556 = vector.broadcast %max3A_1555 : f32 to vector<512x1xf32>
      %max3A_1557 = arith.maximumf %sub3A_1554, %max3A_1556 : vector<512x1xf32>
      %mul3A_1558 = arith.mulf %max3A_1553, %max3A_1557 : vector<512x1xf32>
      %max3A_1559 = vector.broadcast %slice3A_1546 : vector<512x1xf32> to vector<512x512xf32>
      %max3A_1560 = vector.broadcast %slice3A_1270 : vector<1x512xf32> to vector<512x512xf32>
      %max3A_1561 = arith.maximumf %max3A_1559, %max3A_1560 : vector<512x512xf32>
      %max3A_1562 = vector.broadcast %slice3A_1547 : vector<512x1xf32> to vector<512x512xf32>
      %max3A_1563 = vector.broadcast %slice3A_1271 : vector<1x512xf32> to vector<512x512xf32>
      %max3A_1564 = arith.maximumf %max3A_1562, %max3A_1563 : vector<512x512xf32>
      %min3A_1565 = vector.broadcast %slice3A_1548 : vector<512x1xf32> to vector<512x512xf32>
      %min3A_1566 = vector.broadcast %slice3A_1272 : vector<1x512xf32> to vector<512x512xf32>
      %min3A_1567 = arith.minimumf %min3A_1565, %min3A_1566 : vector<512x512xf32>
      %min3A_1568 = vector.broadcast %slice3A_1549 : vector<512x1xf32> to vector<512x512xf32>
      %min3A_1569 = vector.broadcast %slice3A_1273 : vector<1x512xf32> to vector<512x512xf32>
      %min3A_1570 = arith.minimumf %min3A_1568, %min3A_1569 : vector<512x512xf32>
      %sub3A_1571 = arith.subf %min3A_1567, %max3A_1561 : vector<512x512xf32>
      %max3A_1572 = arith.constant 0.000000e+00 : f32
      %max3A_1573 = vector.broadcast %max3A_1572 : f32 to vector<512x512xf32>
      %max3A_1574 = arith.maximumf %sub3A_1571, %max3A_1573 : vector<512x512xf32>
      %sub3A_1575 = arith.subf %min3A_1570, %max3A_1564 : vector<512x512xf32>
      %max3A_1576 = arith.constant 0.000000e+00 : f32
      %max3A_1577 = vector.broadcast %max3A_1576 : f32 to vector<512x512xf32>
      %max3A_1578 = arith.maximumf %sub3A_1575, %max3A_1577 : vector<512x512xf32>
      %mul3A_1579 = arith.mulf %max3A_1574, %max3A_1578 : vector<512x512xf32>
      %add3A_1580 = vector.broadcast %mul3A_1558 : vector<512x1xf32> to vector<512x512xf32>
      %add3A_1581 = vector.broadcast %mul3A_1282 : vector<1x512xf32> to vector<512x512xf32>
      %add3A_1582 = arith.addf %add3A_1580, %add3A_1581 : vector<512x512xf32>
      %sub3A_1583 = arith.subf %add3A_1582, %mul3A_1579 : vector<512x512xf32>
      %add3A_1584 = arith.constant 9.99999993E-9 : f32
      %add3A_1585 = vector.broadcast %add3A_1584 : f32 to vector<512x512xf32>
      %add3A_1586 = arith.addf %sub3A_1583, %add3A_1585 : vector<512x512xf32>
      %div3A_1587 = arith.divf %mul3A_1579, %add3A_1586 : vector<512x512xf32>
      %gt3A_1588 = arith.constant 0.699999988 : f32
      %gt3A_1589 = vector.broadcast %gt3A_1588 : f32 to vector<512x512xf32>
      %gt3A_1590 = arith.cmpf ogt, %div3A_1587, %gt3A_1589 : vector<512x512xf32>
      %jit3A_1591 = arith.constant 1.000000e+00 : f32
      %jit3A_1592 = arith.constant 0.000000e+00 : f32
      %broadcast_in_dim3A_1593 = vector.broadcast %jit3A_1591 : f32 to vector<512x512xf32>
      %broadcast_in_dim3A_1594 = vector.broadcast %jit3A_1592 : f32 to vector<512x512xf32>
      %select_n3A_1595 = arith.select %gt3A_1590, %broadcast_in_dim3A_1593, %broadcast_in_dim3A_1594 : vector<512x512xi1>, vector<512x512xf32>
      %reduce_max3A_1596 = arith.constant dense<0xFF800000> : vector<512xf32>
      %reduce_max3A_1597 = vector.multi_reduction <maximumf>, %select_n3A_1595, %reduce_max3A_1596 [0] : vector<512x512xf32> to vector<512xf32>
      %broadcast_in_dim3A_1598 = vector.shape_cast %reduce_max3A_1597 : vector<512xf32> to vector<1x512xf32>
      %max3A_1599 = arith.maximumf %scan3A_1540, %broadcast_in_dim3A_1598 : vector<1x512xf32>
      scf.yield %max3A_1599 : vector<1x512xf32>
    }
    %scan3A_1290 = arith.constant 10 : i32
    %sub3A_1291 = arith.constant 1.000000e+00 : f32
    %sub3A_1292 = vector.broadcast %sub3A_1291 : f32 to vector<1x512xf32>
    %sub3A_1293 = arith.subf %sub3A_1292, %scan3A_1289 : vector<1x512xf32>
    %get3A_1294 = arith.constant 0 : index
    %get3A_1295 = arith.constant 5120 : index
    %get3A_1296 = arith.constant 0 : index
    %get3A_1297 = vector.load %arg2[%get3A_1294, %get3A_1295, %get3A_1296] : memref<1x6144x4xf32, #tpu.memory_space<vmem>>, vector<1x512x4xf32>
    %get3A_1298 = vector.shape_cast %get3A_1297 : vector<1x512x4xf32> to vector<512x4xf32>
    %slice3A_1299 = vector.extract_strided_slice %get3A_1298 {offsets = [0, 0], sizes = [512, 1], strides = [1, 1]} : vector<512x4xf32> to vector<512x1xf32>
    %slice3A_1300 = vector.extract_strided_slice %get3A_1298 {offsets = [0, 1], sizes = [512, 1], strides = [1, 1]} : vector<512x4xf32> to vector<512x1xf32>
    %slice3A_1301 = vector.extract_strided_slice %get3A_1298 {offsets = [0, 2], sizes = [512, 1], strides = [1, 1]} : vector<512x4xf32> to vector<512x1xf32>
    %slice3A_1302 = vector.extract_strided_slice %get3A_1298 {offsets = [0, 3], sizes = [512, 1], strides = [1, 1]} : vector<512x4xf32> to vector<512x1xf32>
    %sub3A_1303 = arith.subf %slice3A_1301, %slice3A_1299 : vector<512x1xf32>
    %max3A_1304 = arith.constant 0.000000e+00 : f32
    %max3A_1305 = vector.broadcast %max3A_1304 : f32 to vector<512x1xf32>
    %max3A_1306 = arith.maximumf %sub3A_1303, %max3A_1305 : vector<512x1xf32>
    %sub3A_1307 = arith.subf %slice3A_1302, %slice3A_1300 : vector<512x1xf32>
    %max3A_1308 = arith.constant 0.000000e+00 : f32
    %max3A_1309 = vector.broadcast %max3A_1308 : f32 to vector<512x1xf32>
    %max3A_1310 = arith.maximumf %sub3A_1307, %max3A_1309 : vector<512x1xf32>
    %mul3A_1311 = arith.mulf %max3A_1306, %max3A_1310 : vector<512x1xf32>
    %max3A_1312 = vector.broadcast %slice3A_1299 : vector<512x1xf32> to vector<512x512xf32>
    %max3A_1313 = vector.broadcast %slice3A_1270 : vector<1x512xf32> to vector<512x512xf32>
    %max3A_1314 = arith.maximumf %max3A_1312, %max3A_1313 : vector<512x512xf32>
    %max3A_1315 = vector.broadcast %slice3A_1300 : vector<512x1xf32> to vector<512x512xf32>
    %max3A_1316 = vector.broadcast %slice3A_1271 : vector<1x512xf32> to vector<512x512xf32>
    %max3A_1317 = arith.maximumf %max3A_1315, %max3A_1316 : vector<512x512xf32>
    %min3A_1318 = vector.broadcast %slice3A_1301 : vector<512x1xf32> to vector<512x512xf32>
    %min3A_1319 = vector.broadcast %slice3A_1272 : vector<1x512xf32> to vector<512x512xf32>
    %min3A_1320 = arith.minimumf %min3A_1318, %min3A_1319 : vector<512x512xf32>
    %min3A_1321 = vector.broadcast %slice3A_1302 : vector<512x1xf32> to vector<512x512xf32>
    %min3A_1322 = vector.broadcast %slice3A_1273 : vector<1x512xf32> to vector<512x512xf32>
    %min3A_1323 = arith.minimumf %min3A_1321, %min3A_1322 : vector<512x512xf32>
    %sub3A_1324 = arith.subf %min3A_1320, %max3A_1314 : vector<512x512xf32>
    %max3A_1325 = arith.constant 0.000000e+00 : f32
    %max3A_1326 = vector.broadcast %max3A_1325 : f32 to vector<512x512xf32>
    %max3A_1327 = arith.maximumf %sub3A_1324, %max3A_1326 : vector<512x512xf32>
    %sub3A_1328 = arith.subf %min3A_1323, %max3A_1317 : vector<512x512xf32>
    %max3A_1329 = arith.constant 0.000000e+00 : f32
    %max3A_1330 = vector.broadcast %max3A_1329 : f32 to vector<512x512xf32>
    %max3A_1331 = arith.maximumf %sub3A_1328, %max3A_1330 : vector<512x512xf32>
    %mul3A_1332 = arith.mulf %max3A_1327, %max3A_1331 : vector<512x512xf32>
    %add3A_1333 = vector.broadcast %mul3A_1311 : vector<512x1xf32> to vector<512x512xf32>
    %add3A_1334 = vector.broadcast %mul3A_1282 : vector<1x512xf32> to vector<512x512xf32>
    %add3A_1335 = arith.addf %add3A_1333, %add3A_1334 : vector<512x512xf32>
    %sub3A_1336 = arith.subf %add3A_1335, %mul3A_1332 : vector<512x512xf32>
    %add3A_1337 = arith.constant 9.99999993E-9 : f32
    %add3A_1338 = vector.broadcast %add3A_1337 : f32 to vector<512x512xf32>
    %add3A_1339 = arith.addf %sub3A_1336, %add3A_1338 : vector<512x512xf32>
    %div3A_1340 = arith.divf %mul3A_1332, %add3A_1339 : vector<512x512xf32>
    %iota3A_1341 = tpu.iota {dimensions = array<i32: 0>} : vector<512x512xi32>
    %iota3A_1342 = tpu.iota {dimensions = array<i32: 1>} : vector<512x512xi32>
    %gt3A_1343 = arith.constant 0.699999988 : f32
    %gt3A_1344 = vector.broadcast %gt3A_1343 : f32 to vector<512x512xf32>
    %gt3A_1345 = arith.cmpf ogt, %div3A_1340, %gt3A_1344 : vector<512x512xf32>
    %lt3A_1346 = arith.cmpi slt, %iota3A_1341, %iota3A_1342 : vector<512x512xi32>
    %and3A_1347 = arith.andi %gt3A_1345, %lt3A_1346 : vector<512x512xi1>
    %jit3A_1348 = arith.constant 1.000000e+00 : f32
    %jit3A_1349 = arith.constant 0.000000e+00 : f32
    %broadcast_in_dim3A_1350 = vector.broadcast %jit3A_1348 : f32 to vector<512x512xf32>
    %broadcast_in_dim3A_1351 = vector.broadcast %jit3A_1349 : f32 to vector<512x512xf32>
    %select_n3A_1352 = arith.select %and3A_1347, %broadcast_in_dim3A_1350, %broadcast_in_dim3A_1351 : vector<512x512xi1>, vector<512x512xf32>
    %dot_general3A_1353 = arith.constant dense<0.000000e+00> : vector<1x512xf32>
    %dot_general3A_1354 = tpu.matmul %sub3A_1293, %select_n3A_1352, %dot_general3A_1353 {dimension_numbers = #tpu.dot_dimension_numbers<[1], [0], [0], [1], [0, 0, 1, 1], [], []>, transpose_lhs_hint = false} : vector<1x512xf32>, vector<512x512xf32>, vector<1x512xf32> -> vector<1x512xf32>
    %gt3A_1355 = arith.constant 5.000000e-01 : f32
    %gt3A_1356 = vector.broadcast %gt3A_1355 : f32 to vector<1x512xf32>
    %gt3A_1357 = arith.cmpf ogt, %dot_general3A_1354, %gt3A_1356 : vector<1x512xf32>
    %jit3A_1358 = arith.constant 0.000000e+00 : f32
    %broadcast_in_dim3A_1359 = vector.broadcast %jit3A_1358 : f32 to vector<1x512xf32>
    %select_n3A_1360 = arith.select %gt3A_1357, %broadcast_in_dim3A_1359, %sub3A_1293 : vector<1x512xi1>, vector<1x512xf32>
    %ne3A_1361 = arith.cmpf one, %select_n3A_1360, %sub3A_1293 : vector<1x512xf32>
    %reduce_or3A_1362 = arith.constant 1.000000e+00 : f32
    %reduce_or3A_1363 = arith.constant 0.000000e+00 : f32
    %reduce_or3A_1364 = vector.broadcast %reduce_or3A_1362 : f32 to vector<1x512xf32>
    %reduce_or3A_1365 = vector.broadcast %reduce_or3A_1363 : f32 to vector<1x512xf32>
    %reduce_or3A_1366 = arith.select %ne3A_1361, %reduce_or3A_1364, %reduce_or3A_1365 : vector<1x512xi1>, vector<1x512xf32>
    %reduce_or3A_1367 = vector.shape_cast %reduce_or3A_1366 : vector<1x512xf32> to vector<1x1x512xf32>
    %reduce_or3A_1368 = arith.constant dense<0xFF800000> : vector<1xf32>
    %reduce_or3A_1369 = vector.multi_reduction <maximumf>, %reduce_or3A_1367, %reduce_or3A_1368 [1, 2] : vector<1x1x512xf32> to vector<1xf32>
    %reduce_or3A_1370 = vector.shape_cast %reduce_or3A_1369 : vector<1xf32> to vector<1x1x1xf32>
    %reduce_or3A_1371 = vector.extract %reduce_or3A_1370[0, 0, 0] : f32 from vector<1x1x1xf32>
    %reduce_or3A_1372 = arith.constant 0.000000e+00 : f32
    %reduce_or3A_1373 = arith.cmpf ogt, %reduce_or3A_1371, %reduce_or3A_1372 : f32
    %while3A_1374:2 = scf.while (%while3A_1539 = %select_n3A_1360, %while3A_1540 = %reduce_or3A_1373) : (vector<1x512xf32>, i1) -> (vector<1x512xf32>, i1) {
      scf.condition(%while3A_1540) %while3A_1539, %while3A_1540 : vector<1x512xf32>, i1
    } do {
    ^bb0(%while3A_1539: vector<1x512xf32>, %while3A_1540: i1):
      %dot_general3A_1541 = arith.constant dense<0.000000e+00> : vector<1x512xf32>
      %dot_general3A_1542 = tpu.matmul %while3A_1539, %select_n3A_1352, %dot_general3A_1541 {dimension_numbers = #tpu.dot_dimension_numbers<[1], [0], [0], [1], [0, 0, 1, 1], [], []>, transpose_lhs_hint = false} : vector<1x512xf32>, vector<512x512xf32>, vector<1x512xf32> -> vector<1x512xf32>
      %gt3A_1543 = arith.constant 5.000000e-01 : f32
      %gt3A_1544 = vector.broadcast %gt3A_1543 : f32 to vector<1x512xf32>
      %gt3A_1545 = arith.cmpf ogt, %dot_general3A_1542, %gt3A_1544 : vector<1x512xf32>
      %jit3A_1546 = arith.constant 0.000000e+00 : f32
      %broadcast_in_dim3A_1547 = vector.broadcast %jit3A_1546 : f32 to vector<1x512xf32>
      %select_n3A_1548 = arith.select %gt3A_1545, %broadcast_in_dim3A_1547, %sub3A_1293 : vector<1x512xi1>, vector<1x512xf32>
      %ne3A_1549 = arith.cmpf one, %select_n3A_1548, %while3A_1539 : vector<1x512xf32>
      %reduce_or3A_1550 = arith.constant 1.000000e+00 : f32
      %reduce_or3A_1551 = arith.constant 0.000000e+00 : f32
      %reduce_or3A_1552 = vector.broadcast %reduce_or3A_1550 : f32 to vector<1x512xf32>
      %reduce_or3A_1553 = vector.broadcast %reduce_or3A_1551 : f32 to vector<1x512xf32>
      %reduce_or3A_1554 = arith.select %ne3A_1549, %reduce_or3A_1552, %reduce_or3A_1553 : vector<1x512xi1>, vector<1x512xf32>
      %reduce_or3A_1555 = vector.shape_cast %reduce_or3A_1554 : vector<1x512xf32> to vector<1x1x512xf32>
      %reduce_or3A_1556 = arith.constant dense<0xFF800000> : vector<1xf32>
      %reduce_or3A_1557 = vector.multi_reduction <maximumf>, %reduce_or3A_1555, %reduce_or3A_1556 [1, 2] : vector<1x1x512xf32> to vector<1xf32>
      %reduce_or3A_1558 = vector.shape_cast %reduce_or3A_1557 : vector<1xf32> to vector<1x1x1xf32>
      %reduce_or3A_1559 = vector.extract %reduce_or3A_1558[0, 0, 0] : f32 from vector<1x1x1xf32>
      %reduce_or3A_1560 = arith.constant 0.000000e+00 : f32
      %reduce_or3A_1561 = arith.cmpf ogt, %reduce_or3A_1559, %reduce_or3A_1560 : f32
      scf.yield %select_n3A_1548, %reduce_or3A_1561 : vector<1x512xf32>, i1
    }
    %swap3A_1375 = arith.constant 0 : index
    %swap3A_1376 = arith.constant 5120 : index
    %swap3A_1377 = vector.load %arg5[%swap3A_1375, %swap3A_1376] : memref<1x6144xf32, #tpu.memory_space<vmem>>, vector<1x512xf32>
    tpu.vector_store %arg5[%swap3A_1375, %swap3A_1376], %while3A_1374#0 {strides = array<i32>} : memref<1x6144xf32, #tpu.memory_space<vmem>>, vector<1x512xf32>,
    %eq3A_1378 = arith.cmpi eq, %iota3A_1341, %iota3A_1342 : vector<512x512xi32>
    %jit3A_1379 = arith.constant 1.000000e+00 : f32
    %jit3A_1380 = arith.constant 0.000000e+00 : f32
    %broadcast_in_dim3A_1381 = vector.broadcast %jit3A_1379 : f32 to vector<512x512xf32>
    %broadcast_in_dim3A_1382 = vector.broadcast %jit3A_1380 : f32 to vector<512x512xf32>
    %select_n3A_1383 = arith.select %eq3A_1378, %broadcast_in_dim3A_1381, %broadcast_in_dim3A_1382 : vector<512x512xi1>, vector<512x512xf32>
    %mul3A_1384 = vector.broadcast %while3A_1374#0 : vector<1x512xf32> to vector<512x512xf32>
    %mul3A_1385 = arith.mulf %select_n3A_1383, %mul3A_1384 : vector<512x512xf32>
    %reduce_sum3A_1386 = arith.constant dense<0.000000e+00> : vector<512xf32>
    %reduce_sum3A_1387 = vector.multi_reduction <add>, %mul3A_1385, %reduce_sum3A_1386 [1] : vector<512x512xf32> to vector<512xf32>
    %broadcast_in_dim3A_1388 = vector.shape_cast %reduce_sum3A_1387 : vector<512xf32> to vector<512x1xf32>
    %mul3A_1389 = vector.broadcast %broadcast_in_dim3A_1388 : vector<512x1xf32> to vector<512x4xf32>
    %mul3A_1390 = arith.mulf %get3A_1298, %mul3A_1389 : vector<512x4xf32>
    %swap3A_1391 = arith.constant 5120 : index
    %swap3A_1392 = arith.constant 0 : index
    %swap3A_1393 = vector.load %arg4[%swap3A_1391, %swap3A_1392] : memref<6144x4xf32, #tpu.memory_space<vmem>>, vector<512x4xf32>
    tpu.vector_store %arg4[%swap3A_1391, %swap3A_1392], %mul3A_1390 {strides = array<i32>} : memref<6144x4xf32, #tpu.memory_space<vmem>>, vector<512x4xf32>,
    %slice3A_1394 = vector.extract_strided_slice %get3A_3 {offsets = [0, 5632], sizes = [1, 512], strides = [1, 1]} : vector<4x6144xf32> to vector<1x512xf32>
    %slice3A_1395 = vector.extract_strided_slice %get3A_3 {offsets = [1, 5632], sizes = [1, 512], strides = [1, 1]} : vector<4x6144xf32> to vector<1x512xf32>
    %slice3A_1396 = vector.extract_strided_slice %get3A_3 {offsets = [2, 5632], sizes = [1, 512], strides = [1, 1]} : vector<4x6144xf32> to vector<1x512xf32>
    %slice3A_1397 = vector.extract_strided_slice %get3A_3 {offsets = [3, 5632], sizes = [1, 512], strides = [1, 1]} : vector<4x6144xf32> to vector<1x512xf32>
    %sub3A_1398 = arith.subf %slice3A_1396, %slice3A_1394 : vector<1x512xf32>
    %max3A_1399 = arith.constant 0.000000e+00 : f32
    %max3A_1400 = vector.broadcast %max3A_1399 : f32 to vector<1x512xf32>
    %max3A_1401 = arith.maximumf %sub3A_1398, %max3A_1400 : vector<1x512xf32>
    %sub3A_1402 = arith.subf %slice3A_1397, %slice3A_1395 : vector<1x512xf32>
    %max3A_1403 = arith.constant 0.000000e+00 : f32
    %max3A_1404 = vector.broadcast %max3A_1403 : f32 to vector<1x512xf32>
    %max3A_1405 = arith.maximumf %sub3A_1402, %max3A_1404 : vector<1x512xf32>
    %mul3A_1406 = arith.mulf %max3A_1401, %max3A_1405 : vector<1x512xf32>
    %broadcast_in_dim3A_1407 = arith.constant 0.000000e+00 : f32
    %broadcast_in_dim3A_1408 = vector.broadcast %broadcast_in_dim3A_1407 : f32 to vector<1x512xf32>
    %scan3A_1409 = arith.constant 0 : i32
    %scan3A_1410 = arith.constant 11 : i32
    %scan3A_1411 = arith.addi %scan3A_1409, %scan3A_1410 : i32
    %scan3A_1412 = arith.constant 1 : i32
    %scan3A_1413 = scf.for %scan3A_1539 = %scan3A_1409 to %scan3A_1411 step %scan3A_1412 iter_args(%scan3A_1540 = %broadcast_in_dim3A_1408) -> (vector<1x512xf32>)  : i32 {
      %mul3A_1541 = arith.constant 512 : i32
      %mul3A_1542 = arith.muli %scan3A_1539, %mul3A_1541 : i32
      %get3A_1543 = arith.index_cast %mul3A_1542 : i32 to index
      %get3A_1544 = arith.constant 0 : index
      %get3A_1545 = vector.load %arg4[%get3A_1543, %get3A_1544] : memref<6144x4xf32, #tpu.memory_space<vmem>>, vector<512x4xf32>
      %slice3A_1546 = vector.extract_strided_slice %get3A_1545 {offsets = [0, 0], sizes = [512, 1], strides = [1, 1]} : vector<512x4xf32> to vector<512x1xf32>
      %slice3A_1547 = vector.extract_strided_slice %get3A_1545 {offsets = [0, 1], sizes = [512, 1], strides = [1, 1]} : vector<512x4xf32> to vector<512x1xf32>
      %slice3A_1548 = vector.extract_strided_slice %get3A_1545 {offsets = [0, 2], sizes = [512, 1], strides = [1, 1]} : vector<512x4xf32> to vector<512x1xf32>
      %slice3A_1549 = vector.extract_strided_slice %get3A_1545 {offsets = [0, 3], sizes = [512, 1], strides = [1, 1]} : vector<512x4xf32> to vector<512x1xf32>
      %sub3A_1550 = arith.subf %slice3A_1548, %slice3A_1546 : vector<512x1xf32>
      %max3A_1551 = arith.constant 0.000000e+00 : f32
      %max3A_1552 = vector.broadcast %max3A_1551 : f32 to vector<512x1xf32>
      %max3A_1553 = arith.maximumf %sub3A_1550, %max3A_1552 : vector<512x1xf32>
      %sub3A_1554 = arith.subf %slice3A_1549, %slice3A_1547 : vector<512x1xf32>
      %max3A_1555 = arith.constant 0.000000e+00 : f32
      %max3A_1556 = vector.broadcast %max3A_1555 : f32 to vector<512x1xf32>
      %max3A_1557 = arith.maximumf %sub3A_1554, %max3A_1556 : vector<512x1xf32>
      %mul3A_1558 = arith.mulf %max3A_1553, %max3A_1557 : vector<512x1xf32>
      %max3A_1559 = vector.broadcast %slice3A_1546 : vector<512x1xf32> to vector<512x512xf32>
      %max3A_1560 = vector.broadcast %slice3A_1394 : vector<1x512xf32> to vector<512x512xf32>
      %max3A_1561 = arith.maximumf %max3A_1559, %max3A_1560 : vector<512x512xf32>
      %max3A_1562 = vector.broadcast %slice3A_1547 : vector<512x1xf32> to vector<512x512xf32>
      %max3A_1563 = vector.broadcast %slice3A_1395 : vector<1x512xf32> to vector<512x512xf32>
      %max3A_1564 = arith.maximumf %max3A_1562, %max3A_1563 : vector<512x512xf32>
      %min3A_1565 = vector.broadcast %slice3A_1548 : vector<512x1xf32> to vector<512x512xf32>
      %min3A_1566 = vector.broadcast %slice3A_1396 : vector<1x512xf32> to vector<512x512xf32>
      %min3A_1567 = arith.minimumf %min3A_1565, %min3A_1566 : vector<512x512xf32>
      %min3A_1568 = vector.broadcast %slice3A_1549 : vector<512x1xf32> to vector<512x512xf32>
      %min3A_1569 = vector.broadcast %slice3A_1397 : vector<1x512xf32> to vector<512x512xf32>
      %min3A_1570 = arith.minimumf %min3A_1568, %min3A_1569 : vector<512x512xf32>
      %sub3A_1571 = arith.subf %min3A_1567, %max3A_1561 : vector<512x512xf32>
      %max3A_1572 = arith.constant 0.000000e+00 : f32
      %max3A_1573 = vector.broadcast %max3A_1572 : f32 to vector<512x512xf32>
      %max3A_1574 = arith.maximumf %sub3A_1571, %max3A_1573 : vector<512x512xf32>
      %sub3A_1575 = arith.subf %min3A_1570, %max3A_1564 : vector<512x512xf32>
      %max3A_1576 = arith.constant 0.000000e+00 : f32
      %max3A_1577 = vector.broadcast %max3A_1576 : f32 to vector<512x512xf32>
      %max3A_1578 = arith.maximumf %sub3A_1575, %max3A_1577 : vector<512x512xf32>
      %mul3A_1579 = arith.mulf %max3A_1574, %max3A_1578 : vector<512x512xf32>
      %add3A_1580 = vector.broadcast %mul3A_1558 : vector<512x1xf32> to vector<512x512xf32>
      %add3A_1581 = vector.broadcast %mul3A_1406 : vector<1x512xf32> to vector<512x512xf32>
      %add3A_1582 = arith.addf %add3A_1580, %add3A_1581 : vector<512x512xf32>
      %sub3A_1583 = arith.subf %add3A_1582, %mul3A_1579 : vector<512x512xf32>
      %add3A_1584 = arith.constant 9.99999993E-9 : f32
      %add3A_1585 = vector.broadcast %add3A_1584 : f32 to vector<512x512xf32>
      %add3A_1586 = arith.addf %sub3A_1583, %add3A_1585 : vector<512x512xf32>
      %div3A_1587 = arith.divf %mul3A_1579, %add3A_1586 : vector<512x512xf32>
      %gt3A_1588 = arith.constant 0.699999988 : f32
      %gt3A_1589 = vector.broadcast %gt3A_1588 : f32 to vector<512x512xf32>
      %gt3A_1590 = arith.cmpf ogt, %div3A_1587, %gt3A_1589 : vector<512x512xf32>
      %jit3A_1591 = arith.constant 1.000000e+00 : f32
      %jit3A_1592 = arith.constant 0.000000e+00 : f32
      %broadcast_in_dim3A_1593 = vector.broadcast %jit3A_1591 : f32 to vector<512x512xf32>
      %broadcast_in_dim3A_1594 = vector.broadcast %jit3A_1592 : f32 to vector<512x512xf32>
      %select_n3A_1595 = arith.select %gt3A_1590, %broadcast_in_dim3A_1593, %broadcast_in_dim3A_1594 : vector<512x512xi1>, vector<512x512xf32>
      %reduce_max3A_1596 = arith.constant dense<0xFF800000> : vector<512xf32>
      %reduce_max3A_1597 = vector.multi_reduction <maximumf>, %select_n3A_1595, %reduce_max3A_1596 [0] : vector<512x512xf32> to vector<512xf32>
      %broadcast_in_dim3A_1598 = vector.shape_cast %reduce_max3A_1597 : vector<512xf32> to vector<1x512xf32>
      %max3A_1599 = arith.maximumf %scan3A_1540, %broadcast_in_dim3A_1598 : vector<1x512xf32>
      scf.yield %max3A_1599 : vector<1x512xf32>
    }
    %scan3A_1414 = arith.constant 11 : i32
    %sub3A_1415 = arith.constant 1.000000e+00 : f32
    %sub3A_1416 = vector.broadcast %sub3A_1415 : f32 to vector<1x512xf32>
    %sub3A_1417 = arith.subf %sub3A_1416, %scan3A_1413 : vector<1x512xf32>
    %get3A_1418 = arith.constant 0 : index
    %get3A_1419 = arith.constant 5632 : index
    %get3A_1420 = arith.constant 0 : index
    %get3A_1421 = vector.load %arg2[%get3A_1418, %get3A_1419, %get3A_1420] : memref<1x6144x4xf32, #tpu.memory_space<vmem>>, vector<1x512x4xf32>
    %get3A_1422 = vector.shape_cast %get3A_1421 : vector<1x512x4xf32> to vector<512x4xf32>
    %slice3A_1423 = vector.extract_strided_slice %get3A_1422 {offsets = [0, 0], sizes = [512, 1], strides = [1, 1]} : vector<512x4xf32> to vector<512x1xf32>
    %slice3A_1424 = vector.extract_strided_slice %get3A_1422 {offsets = [0, 1], sizes = [512, 1], strides = [1, 1]} : vector<512x4xf32> to vector<512x1xf32>
    %slice3A_1425 = vector.extract_strided_slice %get3A_1422 {offsets = [0, 2], sizes = [512, 1], strides = [1, 1]} : vector<512x4xf32> to vector<512x1xf32>
    %slice3A_1426 = vector.extract_strided_slice %get3A_1422 {offsets = [0, 3], sizes = [512, 1], strides = [1, 1]} : vector<512x4xf32> to vector<512x1xf32>
    %sub3A_1427 = arith.subf %slice3A_1425, %slice3A_1423 : vector<512x1xf32>
    %max3A_1428 = arith.constant 0.000000e+00 : f32
    %max3A_1429 = vector.broadcast %max3A_1428 : f32 to vector<512x1xf32>
    %max3A_1430 = arith.maximumf %sub3A_1427, %max3A_1429 : vector<512x1xf32>
    %sub3A_1431 = arith.subf %slice3A_1426, %slice3A_1424 : vector<512x1xf32>
    %max3A_1432 = arith.constant 0.000000e+00 : f32
    %max3A_1433 = vector.broadcast %max3A_1432 : f32 to vector<512x1xf32>
    %max3A_1434 = arith.maximumf %sub3A_1431, %max3A_1433 : vector<512x1xf32>
    %mul3A_1435 = arith.mulf %max3A_1430, %max3A_1434 : vector<512x1xf32>
    %max3A_1436 = vector.broadcast %slice3A_1423 : vector<512x1xf32> to vector<512x512xf32>
    %max3A_1437 = vector.broadcast %slice3A_1394 : vector<1x512xf32> to vector<512x512xf32>
    %max3A_1438 = arith.maximumf %max3A_1436, %max3A_1437 : vector<512x512xf32>
    %max3A_1439 = vector.broadcast %slice3A_1424 : vector<512x1xf32> to vector<512x512xf32>
    %max3A_1440 = vector.broadcast %slice3A_1395 : vector<1x512xf32> to vector<512x512xf32>
    %max3A_1441 = arith.maximumf %max3A_1439, %max3A_1440 : vector<512x512xf32>
    %min3A_1442 = vector.broadcast %slice3A_1425 : vector<512x1xf32> to vector<512x512xf32>
    %min3A_1443 = vector.broadcast %slice3A_1396 : vector<1x512xf32> to vector<512x512xf32>
    %min3A_1444 = arith.minimumf %min3A_1442, %min3A_1443 : vector<512x512xf32>
    %min3A_1445 = vector.broadcast %slice3A_1426 : vector<512x1xf32> to vector<512x512xf32>
    %min3A_1446 = vector.broadcast %slice3A_1397 : vector<1x512xf32> to vector<512x512xf32>
    %min3A_1447 = arith.minimumf %min3A_1445, %min3A_1446 : vector<512x512xf32>
    %sub3A_1448 = arith.subf %min3A_1444, %max3A_1438 : vector<512x512xf32>
    %max3A_1449 = arith.constant 0.000000e+00 : f32
    %max3A_1450 = vector.broadcast %max3A_1449 : f32 to vector<512x512xf32>
    %max3A_1451 = arith.maximumf %sub3A_1448, %max3A_1450 : vector<512x512xf32>
    %sub3A_1452 = arith.subf %min3A_1447, %max3A_1441 : vector<512x512xf32>
    %max3A_1453 = arith.constant 0.000000e+00 : f32
    %max3A_1454 = vector.broadcast %max3A_1453 : f32 to vector<512x512xf32>
    %max3A_1455 = arith.maximumf %sub3A_1452, %max3A_1454 : vector<512x512xf32>
    %mul3A_1456 = arith.mulf %max3A_1451, %max3A_1455 : vector<512x512xf32>
    %add3A_1457 = vector.broadcast %mul3A_1435 : vector<512x1xf32> to vector<512x512xf32>
    %add3A_1458 = vector.broadcast %mul3A_1406 : vector<1x512xf32> to vector<512x512xf32>
    %add3A_1459 = arith.addf %add3A_1457, %add3A_1458 : vector<512x512xf32>
    %sub3A_1460 = arith.subf %add3A_1459, %mul3A_1456 : vector<512x512xf32>
    %add3A_1461 = arith.constant 9.99999993E-9 : f32
    %add3A_1462 = vector.broadcast %add3A_1461 : f32 to vector<512x512xf32>
    %add3A_1463 = arith.addf %sub3A_1460, %add3A_1462 : vector<512x512xf32>
    %div3A_1464 = arith.divf %mul3A_1456, %add3A_1463 : vector<512x512xf32>
    %iota3A_1465 = tpu.iota {dimensions = array<i32: 0>} : vector<512x512xi32>
    %iota3A_1466 = tpu.iota {dimensions = array<i32: 1>} : vector<512x512xi32>
    %gt3A_1467 = arith.constant 0.699999988 : f32
    %gt3A_1468 = vector.broadcast %gt3A_1467 : f32 to vector<512x512xf32>
    %gt3A_1469 = arith.cmpf ogt, %div3A_1464, %gt3A_1468 : vector<512x512xf32>
    %lt3A_1470 = arith.cmpi slt, %iota3A_1465, %iota3A_1466 : vector<512x512xi32>
    %and3A_1471 = arith.andi %gt3A_1469, %lt3A_1470 : vector<512x512xi1>
    %jit3A_1472 = arith.constant 1.000000e+00 : f32
    %jit3A_1473 = arith.constant 0.000000e+00 : f32
    %broadcast_in_dim3A_1474 = vector.broadcast %jit3A_1472 : f32 to vector<512x512xf32>
    %broadcast_in_dim3A_1475 = vector.broadcast %jit3A_1473 : f32 to vector<512x512xf32>
    %select_n3A_1476 = arith.select %and3A_1471, %broadcast_in_dim3A_1474, %broadcast_in_dim3A_1475 : vector<512x512xi1>, vector<512x512xf32>
    %dot_general3A_1477 = arith.constant dense<0.000000e+00> : vector<1x512xf32>
    %dot_general3A_1478 = tpu.matmul %sub3A_1417, %select_n3A_1476, %dot_general3A_1477 {dimension_numbers = #tpu.dot_dimension_numbers<[1], [0], [0], [1], [0, 0, 1, 1], [], []>, transpose_lhs_hint = false} : vector<1x512xf32>, vector<512x512xf32>, vector<1x512xf32> -> vector<1x512xf32>
    %gt3A_1479 = arith.constant 5.000000e-01 : f32
    %gt3A_1480 = vector.broadcast %gt3A_1479 : f32 to vector<1x512xf32>
    %gt3A_1481 = arith.cmpf ogt, %dot_general3A_1478, %gt3A_1480 : vector<1x512xf32>
    %jit3A_1482 = arith.constant 0.000000e+00 : f32
    %broadcast_in_dim3A_1483 = vector.broadcast %jit3A_1482 : f32 to vector<1x512xf32>
    %select_n3A_1484 = arith.select %gt3A_1481, %broadcast_in_dim3A_1483, %sub3A_1417 : vector<1x512xi1>, vector<1x512xf32>
    %ne3A_1485 = arith.cmpf one, %select_n3A_1484, %sub3A_1417 : vector<1x512xf32>
    %reduce_or3A_1486 = arith.constant 1.000000e+00 : f32
    %reduce_or3A_1487 = arith.constant 0.000000e+00 : f32
    %reduce_or3A_1488 = vector.broadcast %reduce_or3A_1486 : f32 to vector<1x512xf32>
    %reduce_or3A_1489 = vector.broadcast %reduce_or3A_1487 : f32 to vector<1x512xf32>
    %reduce_or3A_1490 = arith.select %ne3A_1485, %reduce_or3A_1488, %reduce_or3A_1489 : vector<1x512xi1>, vector<1x512xf32>
    %reduce_or3A_1491 = vector.shape_cast %reduce_or3A_1490 : vector<1x512xf32> to vector<1x1x512xf32>
    %reduce_or3A_1492 = arith.constant dense<0xFF800000> : vector<1xf32>
    %reduce_or3A_1493 = vector.multi_reduction <maximumf>, %reduce_or3A_1491, %reduce_or3A_1492 [1, 2] : vector<1x1x512xf32> to vector<1xf32>
    %reduce_or3A_1494 = vector.shape_cast %reduce_or3A_1493 : vector<1xf32> to vector<1x1x1xf32>
    %reduce_or3A_1495 = vector.extract %reduce_or3A_1494[0, 0, 0] : f32 from vector<1x1x1xf32>
    %reduce_or3A_1496 = arith.constant 0.000000e+00 : f32
    %reduce_or3A_1497 = arith.cmpf ogt, %reduce_or3A_1495, %reduce_or3A_1496 : f32
    %while3A_1498:2 = scf.while (%while3A_1539 = %select_n3A_1484, %while3A_1540 = %reduce_or3A_1497) : (vector<1x512xf32>, i1) -> (vector<1x512xf32>, i1) {
      scf.condition(%while3A_1540) %while3A_1539, %while3A_1540 : vector<1x512xf32>, i1
    } do {
    ^bb0(%while3A_1539: vector<1x512xf32>, %while3A_1540: i1):
      %dot_general3A_1541 = arith.constant dense<0.000000e+00> : vector<1x512xf32>
      %dot_general3A_1542 = tpu.matmul %while3A_1539, %select_n3A_1476, %dot_general3A_1541 {dimension_numbers = #tpu.dot_dimension_numbers<[1], [0], [0], [1], [0, 0, 1, 1], [], []>, transpose_lhs_hint = false} : vector<1x512xf32>, vector<512x512xf32>, vector<1x512xf32> -> vector<1x512xf32>
      %gt3A_1543 = arith.constant 5.000000e-01 : f32
      %gt3A_1544 = vector.broadcast %gt3A_1543 : f32 to vector<1x512xf32>
      %gt3A_1545 = arith.cmpf ogt, %dot_general3A_1542, %gt3A_1544 : vector<1x512xf32>
      %jit3A_1546 = arith.constant 0.000000e+00 : f32
      %broadcast_in_dim3A_1547 = vector.broadcast %jit3A_1546 : f32 to vector<1x512xf32>
      %select_n3A_1548 = arith.select %gt3A_1545, %broadcast_in_dim3A_1547, %sub3A_1417 : vector<1x512xi1>, vector<1x512xf32>
      %ne3A_1549 = arith.cmpf one, %select_n3A_1548, %while3A_1539 : vector<1x512xf32>
      %reduce_or3A_1550 = arith.constant 1.000000e+00 : f32
      %reduce_or3A_1551 = arith.constant 0.000000e+00 : f32
      %reduce_or3A_1552 = vector.broadcast %reduce_or3A_1550 : f32 to vector<1x512xf32>
      %reduce_or3A_1553 = vector.broadcast %reduce_or3A_1551 : f32 to vector<1x512xf32>
      %reduce_or3A_1554 = arith.select %ne3A_1549, %reduce_or3A_1552, %reduce_or3A_1553 : vector<1x512xi1>, vector<1x512xf32>
      %reduce_or3A_1555 = vector.shape_cast %reduce_or3A_1554 : vector<1x512xf32> to vector<1x1x512xf32>
      %reduce_or3A_1556 = arith.constant dense<0xFF800000> : vector<1xf32>
      %reduce_or3A_1557 = vector.multi_reduction <maximumf>, %reduce_or3A_1555, %reduce_or3A_1556 [1, 2] : vector<1x1x512xf32> to vector<1xf32>
      %reduce_or3A_1558 = vector.shape_cast %reduce_or3A_1557 : vector<1xf32> to vector<1x1x1xf32>
      %reduce_or3A_1559 = vector.extract %reduce_or3A_1558[0, 0, 0] : f32 from vector<1x1x1xf32>
      %reduce_or3A_1560 = arith.constant 0.000000e+00 : f32
      %reduce_or3A_1561 = arith.cmpf ogt, %reduce_or3A_1559, %reduce_or3A_1560 : f32
      scf.yield %select_n3A_1548, %reduce_or3A_1561 : vector<1x512xf32>, i1
    }
    %swap3A_1499 = arith.constant 0 : index
    %swap3A_1500 = arith.constant 5632 : index
    %swap3A_1501 = vector.load %arg5[%swap3A_1499, %swap3A_1500] : memref<1x6144xf32, #tpu.memory_space<vmem>>, vector<1x512xf32>
    tpu.vector_store %arg5[%swap3A_1499, %swap3A_1500], %while3A_1498#0 {strides = array<i32>} : memref<1x6144xf32, #tpu.memory_space<vmem>>, vector<1x512xf32>,
    %eq3A_1502 = arith.cmpi eq, %iota3A_1465, %iota3A_1466 : vector<512x512xi32>
    %jit3A_1503 = arith.constant 1.000000e+00 : f32
    %jit3A_1504 = arith.constant 0.000000e+00 : f32
    %broadcast_in_dim3A_1505 = vector.broadcast %jit3A_1503 : f32 to vector<512x512xf32>
    %broadcast_in_dim3A_1506 = vector.broadcast %jit3A_1504 : f32 to vector<512x512xf32>
    %select_n3A_1507 = arith.select %eq3A_1502, %broadcast_in_dim3A_1505, %broadcast_in_dim3A_1506 : vector<512x512xi1>, vector<512x512xf32>
    %mul3A_1508 = vector.broadcast %while3A_1498#0 : vector<1x512xf32> to vector<512x512xf32>
    %mul3A_1509 = arith.mulf %select_n3A_1507, %mul3A_1508 : vector<512x512xf32>
    %reduce_sum3A_1510 = arith.constant dense<0.000000e+00> : vector<512xf32>
    %reduce_sum3A_1511 = vector.multi_reduction <add>, %mul3A_1509, %reduce_sum3A_1510 [1] : vector<512x512xf32> to vector<512xf32>
    %broadcast_in_dim3A_1512 = vector.shape_cast %reduce_sum3A_1511 : vector<512xf32> to vector<512x1xf32>
    %mul3A_1513 = vector.broadcast %broadcast_in_dim3A_1512 : vector<512x1xf32> to vector<512x4xf32>
    %mul3A_1514 = arith.mulf %get3A_1422, %mul3A_1513 : vector<512x4xf32>
    %swap3A_1515 = arith.constant 5632 : index
    %swap3A_1516 = arith.constant 0 : index
    %swap3A_1517 = vector.load %arg4[%swap3A_1515, %swap3A_1516] : memref<6144x4xf32, #tpu.memory_space<vmem>>, vector<512x4xf32>
    tpu.vector_store %arg4[%swap3A_1515, %swap3A_1516], %mul3A_1514 {strides = array<i32>} : memref<6144x4xf32, #tpu.memory_space<vmem>>, vector<512x4xf32>,
    %iota3A_1518 = tpu.iota {dimensions = array<i32: 0>} : vector<512x512xi32>
    %iota3A_1519 = tpu.iota {dimensions = array<i32: 1>} : vector<512x512xi32>
    %le3A = arith.cmpi sle, %iota3A_1518, %iota3A_1519 : vector<512x512xi32>
    %jit3A_1520 = arith.constant 1.000000e+00 : f32
    %jit3A_1521 = arith.constant 0.000000e+00 : f32
    %broadcast_in_dim3A_1522 = vector.broadcast %jit3A_1520 : f32 to vector<512x512xf32>
    %broadcast_in_dim3A_1523 = vector.broadcast %jit3A_1521 : f32 to vector<512x512xf32>
    %select_n3A_1524 = arith.select %le3A, %broadcast_in_dim3A_1522, %broadcast_in_dim3A_1523 : vector<512x512xi1>, vector<512x512xf32>
    %iota3A_1525 = tpu.iota {dimensions = array<i32: 0>} : vector<1024x512xi32>
    %broadcast_in_dim3A_1526 = arith.constant 0.000000e+00 : f32
    %broadcast_in_dim3A_1527 = vector.broadcast %broadcast_in_dim3A_1526 : f32 to vector<1x1024x4xf32>
    %swap3A_1528 = arith.constant 0 : index
    %swap3A_1529 = arith.constant 0 : index
    %swap3A_1530 = arith.constant 0 : index
    %swap3A_1531 = vector.load %arg3[%swap3A_1528, %swap3A_1529, %swap3A_1530] : memref<1x1024x4xf32, #tpu.memory_space<vmem>>, vector<1x1024x4xf32>
    tpu.vector_store %arg3[%swap3A_1528, %swap3A_1529, %swap3A_1530], %broadcast_in_dim3A_1527 {strides = array<i32>} : memref<1x1024x4xf32, #tpu.memory_space<vmem>>, vector<1x1024x4xf32>,
    %scan3A_1532 = arith.constant 0.000000e+00 : f32
    %scan3A_1533 = arith.constant 0 : i32
    %scan3A_1534 = arith.constant 12 : i32
    %scan3A_1535 = arith.addi %scan3A_1533, %scan3A_1534 : i32
    %scan3A_1536 = arith.constant 1 : i32
    %scan3A_1537 = scf.for %scan3A_1539 = %scan3A_1533 to %scan3A_1535 step %scan3A_1536 iter_args(%scan3A_1540 = %scan3A_1532) -> (f32)  : i32 {
      %mul3A_1541 = arith.constant 512 : i32
      %mul3A_1542 = arith.muli %scan3A_1539, %mul3A_1541 : i32
      %get3A_1543 = arith.constant 0 : index
      %get3A_1544 = arith.index_cast %mul3A_1542 : i32 to index
      %get3A_1545 = vector.load %arg5[%get3A_1543, %get3A_1544] : memref<1x6144xf32, #tpu.memory_space<vmem>>, vector<1x512xf32>
      %dot_general3A_1546 = arith.constant dense<0.000000e+00> : vector<1x512xf32>
      %dot_general3A_1547 = tpu.matmul %get3A_1545, %select_n3A_1524, %dot_general3A_1546 {dimension_numbers = #tpu.dot_dimension_numbers<[1], [0], [0], [1], [0, 0, 1, 1], [], []>, transpose_lhs_hint = false} : vector<1x512xf32>, vector<512x512xf32>, vector<1x512xf32> -> vector<1x512xf32>
      %add3A_1548 = vector.broadcast %scan3A_1540 : f32 to vector<1x512xf32>
      %add3A_1549 = arith.addf %dot_general3A_1547, %add3A_1548 : vector<1x512xf32>
      %gt3A_1550 = arith.constant 5.000000e-01 : f32
      %gt3A_1551 = vector.broadcast %gt3A_1550 : f32 to vector<1x512xf32>
      %gt3A_1552 = arith.cmpf ogt, %get3A_1545, %gt3A_1551 : vector<1x512xf32>
      %sub3A_1553 = arith.constant 1.000000e+00 : f32
      %sub3A_1554 = vector.broadcast %sub3A_1553 : f32 to vector<1x512xf32>
      %sub3A_1555 = arith.subf %add3A_1549, %sub3A_1554 : vector<1x512xf32>
      %jit3A_1556 = arith.constant -5.000000e+00 : f32
      %broadcast_in_dim3A_1557 = vector.broadcast %jit3A_1556 : f32 to vector<1x512xf32>
      %select_n3A_1558 = arith.select %gt3A_1552, %sub3A_1555, %broadcast_in_dim3A_1557 : vector<1x512xi1>, vector<1x512xf32>
      %convert_element_type3A = arith.fptosi %select_n3A_1558 : vector<1x512xf32> to vector<1x512xi32>
      %eq3A_1559 = vector.broadcast %convert_element_type3A : vector<1x512xi32> to vector<1024x512xi32>
      %eq3A_1560 = arith.cmpi eq, %eq3A_1559, %iota3A_1525 : vector<1024x512xi32>
      %jit3A_1561 = arith.constant 1.000000e+00 : f32
      %jit3A_1562 = arith.constant 0.000000e+00 : f32
      %broadcast_in_dim3A_1563 = vector.broadcast %jit3A_1561 : f32 to vector<1024x512xf32>
      %broadcast_in_dim3A_1564 = vector.broadcast %jit3A_1562 : f32 to vector<1024x512xf32>
      %select_n3A_1565 = arith.select %eq3A_1560, %broadcast_in_dim3A_1563, %broadcast_in_dim3A_1564 : vector<1024x512xi1>, vector<1024x512xf32>
      %mul3A_1566 = arith.constant 512 : i32
      %mul3A_1567 = arith.muli %scan3A_1539, %mul3A_1566 : i32
      %get3A_1568 = arith.constant 0 : index
      %get3A_1569 = arith.index_cast %mul3A_1567 : i32 to index
      %get3A_1570 = arith.constant 0 : index
      %get3A_1571 = vector.load %arg2[%get3A_1568, %get3A_1569, %get3A_1570] : memref<1x6144x4xf32, #tpu.memory_space<vmem>>, vector<1x512x4xf32>
      %get3A_1572 = vector.shape_cast %get3A_1571 : vector<1x512x4xf32> to vector<512x4xf32>
      %get3A_1573 = arith.constant 0 : index
      %get3A_1574 = arith.constant 0 : index
      %get3A_1575 = arith.constant 0 : index
      %get3A_1576 = vector.load %arg3[%get3A_1573, %get3A_1574, %get3A_1575] : memref<1x1024x4xf32, #tpu.memory_space<vmem>>, vector<1x1024x4xf32>
      %get3A_1577 = vector.shape_cast %get3A_1576 : vector<1x1024x4xf32> to vector<1024x4xf32>
      %dot_general3A_1578 = arith.constant dense<0.000000e+00> : vector<1024x4xf32>
      %dot_general3A_1579 = tpu.matmul %select_n3A_1565, %get3A_1572, %dot_general3A_1578 {dimension_numbers = #tpu.dot_dimension_numbers<[1], [0], [0], [1], [0, 0, 1, 1], [], []>, transpose_lhs_hint = false} : vector<1024x512xf32>, vector<512x4xf32>, vector<1024x4xf32> -> vector<1024x4xf32>
      %add3A_1580 = arith.addf %get3A_1577, %dot_general3A_1579 : vector<1024x4xf32>
      %swap3A_1581 = arith.constant 0 : index
      %swap3A_1582 = arith.constant 0 : index
      %swap3A_1583 = arith.constant 0 : index
      %swap3A_1584 = vector.load %arg3[%swap3A_1581, %swap3A_1582, %swap3A_1583] : memref<1x1024x4xf32, #tpu.memory_space<vmem>>, vector<1x1024x4xf32>
      %swap3A_1585 = vector.shape_cast %swap3A_1584 : vector<1x1024x4xf32> to vector<1024x4xf32>
      %swap3A_1586 = vector.shape_cast %add3A_1580 : vector<1024x4xf32> to vector<1x1024x4xf32>
      tpu.vector_store %arg3[%swap3A_1581, %swap3A_1582, %swap3A_1583], %swap3A_1586 {strides = array<i32>} : memref<1x1024x4xf32, #tpu.memory_space<vmem>>, vector<1x1024x4xf32>,
      %reduce_sum3A_1587 = vector.shape_cast %get3A_1545 : vector<1x512xf32> to vector<1x1x512xf32>
      %reduce_sum3A_1588 = arith.constant dense<0.000000e+00> : vector<1xf32>
      %reduce_sum3A_1589 = vector.multi_reduction <add>, %reduce_sum3A_1587, %reduce_sum3A_1588 [1, 2] : vector<1x1x512xf32> to vector<1xf32>
      %reduce_sum3A_1590 = vector.shape_cast %reduce_sum3A_1589 : vector<1xf32> to vector<1x1x1xf32>
      %reduce_sum3A_1591 = vector.extract %reduce_sum3A_1590[0, 0, 0] : f32 from vector<1x1x1xf32>
      %add3A_1592 = arith.addf %scan3A_1540, %reduce_sum3A_1591 : f32
      scf.yield %add3A_1592 : f32
    }
    %scan3A_1538 = arith.constant 12 : i32
    return
  }
  func.func @transform_0(%arg0: i32) -> (i32, i32, i32) {
    %c0_i32 = arith.constant 0 : i32
    %c0_i32_0 = arith.constant 0 : i32
    %c0_i32_1 = arith.constant 0 : i32
    return %arg0, %c0_i32, %c0_i32_0 : i32, i32, i32
  }
  func.func @transform_1(%arg0: i32) -> (i32, i32, i32) {
    %c0_i32 = arith.constant 0 : i32
    %c0_i32_0 = arith.constant 0 : i32
    %c0_i32_1 = arith.constant 0 : i32
    return %arg0, %c0_i32, %c0_i32_0 : i32, i32, i32
  }
  func.func @transform_2(%arg0: i32) -> (i32, i32, i32) {
    %c0_i32 = arith.constant 0 : i32
    %c0_i32_0 = arith.constant 0 : i32
    %c0_i32_1 = arith.constant 0 : i32
    return %arg0, %c0_i32, %c0_i32_0 : i32, i32, i32
  }
}

</mosaic_0001>

<sc_bundles>
// kernel: gather_offload_async_start.1
scs
__scs_entry_jumppad:
0x0: {  	(pc) =	sbr.rel $0x88, $3  }
0x1: {  	(tag) =	ssettag $0x0;
	lr =	simm.s32 $0x1  }
0x2: {  	[smem:$0x3F9E] =	sst lr;
	_ =	strace $0xD0000000  }
0x3: {  	_ = 	snop  }
0x4: {  	_ = 	snop  }
0x5: {  	_ = 	snop  }
0x6: {  	_ = 	snop  }
0x7: {  	_ = 	snop  }
__scs_overlays_trampoline_lowered:
0x8: {  	[smem:$0x3FAD] =	sst s0  }
0x9: {  	[smem:$0x3FAE] =	sst s1  }
0xa: {  	[smem:$0x3FAF] =	sst s2  }
0xb: {  	[smem:$0x3FB0] =	sst s3  }
0xc: {  	[smem:$0x3FB1] =	sst s4  }
0xd: {  	[smem:$0x3FB2] =	sst s5  }
0xe: {  	[smem:$0x3FB3] =	sst s6  }
0xf: {  	[smem:$0x3FB4] =	sst s7  }
0x10: {  	[smem:$0x3FB5] =	sst s8  }
0x11: {  	[smem:$0x3FB6] =	sst s9;
	s0 =	simm.s32 @!p0 $0x0  }
0x12: {  	s1 =	sld [smem:$0x3F9C];
	s0 =	simm.s32 @p0 $0x1  }
0x13: {  	[smem:$0x3FB7] =	sst s0;
	s0 =	simm.s32 @!p1 $0x0  }
0x14: {  	s2 =	sld [smem:$0x3F9B];
	s0 =	simm.s32 @p1 $0x1  }
0x15: {  	[smem:$0x3FB8] =	sst s0;
	s0 =	simm.s32 @!p2 $0x0  }
0x16: {  	s3 =	sld [smem:$0x3FDB];
	s0 =	simm.s32 @p2 $0x1  }
0x17: {  	s4 =	simm.s32 $0x1BF5;
	[smem:$0x3FBA] =	sst s0  }
0x18: {  	s0 =	sld [smem:$0x3F9D];
	_ =	swait.ge [sflag:s4], $0x0  }
0x19: {  	s7 =	sld [smem:$0x3F9E]  }
0x1a: {  	s8 =	sadd.s32 $0xFFFFE003, lr  }
0x1b: {  	s9 =	sadd.s32 $0xFFFFFEF7, lr;
	s5 =	simm.s32 $0xFFFFFFFF;
	p2 =	slt.u32 s8, $0xFFFFF086  }
0x1c: {  	p1 =	slt.u32 s9, $0xF7A;
	s5 =	simm.s32 @!p2 $0x0  }
0x1d: {  	s5 =	simm.s32 @p1 $0x1;
	p0 =	seq.s32 s7, s2  }
0x1e: {  	s7 =	smul.u32 @!p0 $0xF7A, s2;
	p2 =	seq.s32 @!p0 s5, $0x0  }
0x1f: {  	s9 =	smul.u32 $0xF7A, s1;
	s8 =	simm.s32 @!p0 $0x1BF5;
	p2 =	por !p2, p0  }
0x20: {  	[sflag:s8] =	ssyncset.s32 @!p0 $0xFFFFF086;
	s6 =	sadd.s32 @!p0 s3, s7;
	s7 =	simm.s32 @!p0 $0x108  }
0x21: {  	s3 =	sadd.s32 s3, s9;
	s6 =	sadd.s32 @!p0 $0x88, s6;
	s7 =	simm.s32 @p2 $0x1082  }
0x22: {  	[simem:s7], [sflag:s8] =	dma.local @!p0 [hbm:s6], $0xF7A  }
0x23: {  	s9 =	sor.u32 $0xD0000000, s2;
	s6 =	simm.s32 $0x108;
	_ =	swait.ge @!p0 [sflag:s8], $0x0  }
0x24: {  	s3 =	sadd.s32 $0x88, s3;
	s6 =	simm.s32 @!p1 $0x1082;
	[sflag:s4] =	ssyncset.s32 $0xFFFFF086  }
0x25: {  	[simem:s6], [sflag:s4] =	dma.local [hbm:s3], $0xF7A  }
0x26: {  	[smem:$0x3F9E] =	sst s1;
	(tag) =	ssettag s2;
	_ =	strace s9  }
0x27: {  	s1 =	sld [smem:$0x3FAE]  }
0x28: {  	s2 =	sld [smem:$0x3FAF]  }
0x29: {  	s4 =	sld [smem:$0x3FB1]  }
0x2a: {  	p0 =	seq.s32 s5, $0x0;
	s5 =	sld [smem:$0x3FB2]  }
0x2b: {  	s6 =	sld [smem:$0x3FB3]  }
0x2c: {  	s7 =	sld [smem:$0x3FB4]  }
0x2d: {  	s3 =	simm.s32 $0x108;
	s8 =	sld [smem:$0x3FB5]  }
0x2e: {  	s3 =	simm.s32 @!p0 $0x1082;
	s9 =	sld [smem:$0x3FB6]  }
0x2f: {  	lr =	sadd.s32 s0, s3;
	s0 =	sld [smem:$0x3FAD]  }
0x30: {  	s3 =	sld [smem:$0x3FB0]  }
0x31: {  	[smem:$0x3FB9] =	sst s10  }
0x32: {  	s10 =	sld [smem:$0x3FB7];
	_ =	sdelay $0x3  }
0x33: {  	p0 =	seq.s32 s10, $0x1;
	s10 =	sld [smem:$0x3FB9];
	_ =	sdelay $0x3  }
0x34: {  	[smem:$0x3FB9] =	sst s10  }
0x35: {  	s10 =	sld [smem:$0x3FB8];
	_ =	sdelay $0x3  }
0x36: {  	p1 =	seq.s32 s10, $0x1;
	s10 =	sld [smem:$0x3FB9];
	_ =	sdelay $0x3  }
0x37: {  	[smem:$0x3FB9] =	sst s10  }
0x38: {  	s10 =	sld [smem:$0x3FBA]  }
0x39: {  	_ = 	snop;
	(pc) =	sbr.ind lr, $3  }
0x3a: {  	_ = 	snop  }
0x3b: {  	_ = 	snop  }
0x3c: {  	p2 =	seq.s32 s10, $0x1;
	s10 =	sld [smem:$0x3FB9]  }
0x3d: {  	_ =	shalt  }
0x3e: {  	_ =	shalt  }
0x3f: {  	_ =	shalt  }
0x40: {  	_ =	shalt  }
0x41: {  	_ =	shalt  }
0x42: {  	_ =	shalt  }
0x43: {  	_ =	shalt  }
0x44: {  	_ =	shalt  }
0x45: {  	_ =	shalt  }
0x46: {  	_ =	shalt  }
0x47: {  	_ =	shalt  }
0x48: {  	_ =	shalt  }
0x49: {  	_ =	shalt  }
0x4a: {  	_ =	shalt  }
0x4b: {  	_ =	shalt  }
0x4c: {  	_ =	shalt  }
0x4d: {  	_ =	shalt  }
0x4e: {  	_ =	shalt  }
0x4f: {  	_ =	shalt  }
0x50: {  	_ =	shalt  }
0x51: {  	_ =	shalt  }
0x52: {  	_ =	shalt  }
0x53: {  	_ =	shalt  }
0x54: {  	_ =	shalt  }
0x55: {  	_ =	shalt  }
0x56: {  	_ =	shalt  }
0x57: {  	_ =	shalt  }
0x58: {  	_ =	shalt  }
0x59: {  	_ =	shalt  }
0x5a: {  	_ =	shalt  }
0x5b: {  	_ =	shalt  }
0x5c: {  	_ =	shalt  }
0x5d: {  	_ =	shalt  }
0x5e: {  	_ =	shalt  }
0x5f: {  	_ =	shalt  }
0x60: {  	_ =	shalt  }
0x61: {  	_ =	shalt  }
0x62: {  	_ =	shalt  }
0x63: {  	_ =	shalt  }
0x64: {  	_ =	shalt  }
0x65: {  	_ =	shalt  }
0x66: {  	_ =	shalt  }
0x67: {  	_ =	shalt  }
0x68: {  	_ =	shalt  }
0x69: {  	_ =	shalt  }
0x6a: {  	_ =	shalt  }
0x6b: {  	_ =	shalt  }
0x6c: {  	_ =	shalt  }
0x6d: {  	_ =	shalt  }
0x6e: {  	_ =	shalt  }
0x6f: {  	_ =	shalt  }
0x70: {  	_ =	shalt  }
0x71: {  	_ =	shalt  }
0x72: {  	_ =	shalt  }
0x73: {  	_ =	shalt  }
0x74: {  	_ =	shalt  }
0x75: {  	_ =	shalt  }
0x76: {  	_ =	shalt  }
0x77: {  	_ =	shalt  }
0x78: {  	_ =	shalt  }
0x79: {  	_ =	shalt  }
0x7a: {  	_ =	shalt  }
0x7b: {  	_ =	shalt  }
0x7c: {  	_ =	shalt  }
0x7d: {  	_ =	shalt  }
0x7e: {  	_ =	shalt  }
0x7f: {  	_ =	shalt  }
0x80: {  	_ =	shalt  }
0x81: {  	_ =	shalt  }
0x82: {  	_ =	shalt  }
0x83: {  	_ =	shalt  }
0x84: {  	_ =	shalt  }
0x85: {  	_ =	shalt  }
0x86: {  	_ =	shalt  }
0x87: {  	_ =	shalt  }
.Lfunc_end0:
.L_simem_size_0:
called_computation.1_lowered:
.L_overlay_start_0:
0x88: {  	s2 =	sld [smem:$0x3FD9]  }
0x89: {  	s3 =	sld [smem:$0x3FFE];
	_ =	sdelay $0x1  }
0x8a: {  	s1 =	srdreg.scid  }
0x8b: {  	s0 =	sand.u32 $0x1, s1  }
0x8c: {  	s16 =	sshll.u32 s0, $0xA;
	s2 =	sadd.s32 s3, s2  }
0x8d: {  	s2 =	sadd.s32 s2, s16  }
0x8e: {  	[smem:$0x3FC5] =	sst s2  }
0x8f: {  	_ = 	snop  }
0x90: {  	(tm) =	ssettm $0x1  }
0x91: {  	s17 =	sld [smem:$0x3FFB];
	_ =	sdelay $0x3  }
0x92: {  	_ =	strace s17  }
0x93: {  	s2 =	sld [smem:$0x3FFC];
	_ =	sdelay $0x3  }
0x94: {  	_ =	strace s2  }
0x95: {  	s2 =	sld [smem:$0x3FFD];
	_ =	sdelay $0x3  }
0x96: {  	_ =	strace s2  }
0x97: {  	_ =	strace $0x8FFFFFFF  }
0x98: {  	s18 =	sld [smem:$0x3FDB];
	_ =	sdelay $0x1  }
0x99: {  	s19 =	simm.s32 $_scs_section_size  }
0x9a: {  	s4 =	simm.s32 $_size__tile_overlayer_lowered;
	s5 =	simm.s32 $_tile_overlayer_lowered  }
0x9b: {  	s22 =	simm.s32 $0x1BFF;
	s21 =	sshll.u32 s5, $0x1;
	s2 =	sadd.s32 s19, s18  }
0x9c: {  	s6 =	simm.s32 $0x0;
	s20 =	sshll.u32 s4, $0x1;
	s4 =	sadd.s32 s21, s2  }
0x9d: {  	[timem:s6], [sflag:s22] =	dma.local [hbm:s4], s20  }
0x9e: {  	_ =	swait.ge [sflag:s22], s20  }
0x9f: {  	s3 =	ssub.s32 $0x0, s20;
	[sflag:s22] =	ssyncset.done $0x0  }
0xa0: {  	[sflag:s22] =	ssyncadd.s32 s3;
	_ =	sdelay $0x1  }
0xa1: {  	s23 =	simm.s32 $0x1B8B  }
0xa2: {  	_ =	swait.ge [sflag:s23], $0x1  }
0xa3: {  	[sflag:s23] =	ssyncset.done $0x0  }
0xa4: {  	s25 =	simm.s32 $0x1B8E;
	s24 =	sld [smem:$0x3FFE];
	[sflag:s23] =	ssyncadd.s32 $0xFFFFFFFF  }
0xa5: {  	s26 =	simm.s32 $execute0_lowered;
	[smem:$0x3FD2] =	sst s25  }
0xa6: {  	s4 =	sshll.u32 s26, $0x1;
	_ =	strace $0x80000046;
	[dreg:$0x1] =	wrdreg $0xFFFFFFFF  }
0xa7: {  	s28 =	simm.s32 $_size_execute0_lowered;
	s2 =	sadd.s32 s2, s4;
	[dreg:$0x0] =	wrdreg $0x0  }
0xa8: {  	s4 =	sshll.u32 s28, $0x1;
	[dreg:$0x2] =	wrdreg s2  }
0xa9: {  	[dreg:$0x3] =	wrdreg s4  }
0xaa: {  	[dreg:$0x4] =	wrdreg $0xC0  }
0xab: {  	_ =	task [dreg:s6], $0x5FFFF  }
0xac: {  	[dreg:$0x1] =	wrdreg $0xFFFFFFFF  }
0xad: {  	[dreg:$0x0] =	wrdreg $0x60  }
0xae: {  	[dreg:$0x2] =	wrdreg s24  }
0xaf: {  	[dreg:$0x3] =	wrdreg $0xA  }
0xb0: {  	_ =	task.clear_ibuf [dreg:s6], $0x4FFFF;
	_ =	strace $0x90000046  }
0xb1: {  	s29 =	simm.s32 $0xA;
	_ =	strace $0x80000048  }
0xb2: {  	_ =	swait.ge [sflag:s29], $0x1  }
0xb3: {  	[sflag:s29] =	ssyncadd.s32 $0xFFFFFFFF  }
0xb4: {  	_ =	strace $0x90000048  }
0xb5: {  	_ =	sfence  }
0xb6: {  	s30 =	sld [smem:$0x0];
	_ =	sdelay $0x2  }
0xb7: {  	s31 =	sshll.u32 s1, $0xD;
	s1 =	sshrl.u32 s1, $0x2  }
0xb8: {  	s3 =	sand.u32 $0x4000, s31;
	s1 =	sadd.s32 s1, s30  }
0xb9: {  	s0 =	sor.u32 s3, s0;
	s1 =	sshll.u32 s1, $0x11  }
0xba: {  	s0 =	sor.u32 s1, s0  }
0xbb: {  	s0 =	sadd.s32 $0x8F2B, s0  }
0xbc: {  	[sflag:s0] =	ssyncadd.remote.s32 $0x1  }
0xbd: {  	_ =	sfence.sel $0xFFFF  }
0xbe: {  	[dreg:$0x0] =	wrdreg $0xFFFFFFFF;
	(pc) =	sbr.abs _section_cstart, $3  }
0xbf: {  	[dreg:$0x1] =	wrdreg $0xFFFFFFFF  }
0xc0: {  	_ =	task.clear_ibuf [dreg:s6], $0x2FFFF;
	_ =	strace $0x9FFFFFFF  }
0xc1: {  	(tm) =	ssettm $0x7FFFFFFF  }
tec
execute0_lowered:
.L_overlay_start_1:
0x0: {  	(tag) =	ssettag $0x1  }
0x1: {  	s0 =	srdreg.scid  }
0x2: {  	s1 =	sshll.u32 s0, $0x4  }
0x3: {  	s0 =	stileid.u32;
	s1 =	sand.u32 $0x10, s1  }
0x4: {  	s2 =	sor.u32 s0, s1  }
0x5: {  	s1 =	smin.u32 s2, $0x1C  }
0x6: {  	s1 =	sadd.s32 s2, s1  }
0x7: {  	p0 =	slt.u32 s2, $0x1C;
	s2 =	simm.s32 $0x190;
	s1 =	smul.u32 $0xC8, s1  }
0x8: {  	s2 =	simm.s32 @!p0 $0xC8  }
0x9: {  	s2 =	sadd.s32 s2, s1  }
0xa: {  	s3 =	smin.u32 s2, $0x2EE0  }
0xb: {  	s7 =	ssub.s32 s3, s1  }
0xc: {  	p0 =	sgt.s32 s7, $0x0  }
0xd: {  	s7 =	simm.s32 @!p0 $0x0  }
0xe: {  	s31 =	sand.u32 $0xFFF8, s7  }
0xf: {  	s2 =	sshrl.u32 s31, $0x3  }
0x10: {  	s2 =	smul.u32 $0x147B, s2  }
0x11: {  	s4 =	rddreg [dreg:$0x0];
	s6 =	simm.s32 $0x1  }
0x12: {  	s10 =	simm.s32 $0x3;
	s13 =	simm.s32 $0x0;
	s8 =	sshrl.u32 s2, $0x11  }
0x13: {  	s12 =	simm.s32 $0x0;
	s5 =	sadd.s32 $0x600, s4;
	s9 =	smul.u32 $0xC8, s8  }
.Ltmp0:
0x14: {  	s11 =	smov.u32 s1;
	s2 =	rddreg [dreg:$0x1];
	(pc) =	sbr.rel .LBB2_1-.Ltmp0, $4  }
0x15: {  	_ =	strace $0x80000047;
	p0 =	sne.s32 s7, s9;
	s9 =	simm.s32 $0x1  }
0x16: {  	[sflag:s6] =	ssyncpa.u1 $0x0;
	s7 =	simm.s32 $0x2;
	s9 =	simm.s32 @!p0 $0x0  }
0x17: {  	[sflag:s7] =	ssyncpa.u1 $0x0;
	p0 =	por $0x0, $0x0;
	s8 =	sadd.s32 s8, s9  }
0x18: {  	v0 =	vimm.s32 $0x0;
	vm0 =	vmmov $0xff;
	vm1 =	vcmask $0x3F20;
	s9 =	sadd.s32 $0x9CA00, s4;
	[sflag:s10] =	ssyncpa.u1 $0x0;
	s10 =	sadd.s32 $0x1, s8  }
.LBB2_6:
0x19: {  	[hbm:s17] =	stream.linear.scatter [tilespmem:s14], [sflag:$0x3], $0x400, $0x38;
	[tilespmem:$0xC990] =	vst v63  }
.LBB2_7:
0x1a: {  	s13 =	sadd.s32 $0xC8, s11  }
0x1b: {  	s15 =	smov.u32 s1;
	p2 =	slt.s32 s13, s3  }
0x1c: {  	s15 =	smov.u32 @p2 s13;
	p2 =	sne.s32 s12, s10  }
.Ltmp1:
0x1d: {  	p1 =	slt.u32 s12, $0x2;
	(pc) =	sbr.rel @!p2 .LBB2_8-.Ltmp1, $4  }
0x1e: {  	s14 =	simm.s32 @!p1 $0x3  }
0x1f: {  	s16 =	sadd.s32 $0x1, s12;
	_ =	swait.ge @!p1 [sflag:s14], $0x6400  }
0x20: {  	p0 =	por !p0, !p0;
	s13 =	smov.u32 s11;
	[sflag:s14] =	ssyncset.done @!p1 $0x0  }
0x21: {  	s12 =	smov.u32 s16;
	s11 =	smov.u32 s15;
	[sflag:s14] =	ssyncadd.s32 @!p1 $0xFFFF9C00  }
.LBB2_1:
0x22: {  	p1 =	sge.u32 s12, s8  }
0x23: {  	s14 =	sxor.u32 @!p1 $0xFFFFFFFF, s12  }
0x24: {  	s14 =	sand.u32 @!p1 $0x1, s14  }
0x25: {  	s14 =	smul.u32 @!p1 $0x320, s14  }
0x26: {  	s31 =	sadd.s32 $0xFFFFFFFF, s12;
	s15 =	sshrl.u32 @!p1 s11, $0x3  }
0x27: {  	s16 =	sand.u32 @!p1 $0x7, s11;
	s15 =	sadd.s32 @!p1 s4, s15;
	s14 =	sshrl.u32 @!p1 s14, $0x2  }
0x28: {  	[tilespmem:s14], [sflag:$0x2] =	stream.linear.gather @!p1 [hbm4b:s15+s16], $0xC8, $0x38;
	[tilespmem:$0xC990] =	vst v63  }
0x29: {  	p1 =	sge.u32 s31, s8  }
.Ltmp2:
0x2a: {  	_ = 	snop;
	(pc) =	sbr.rel @p1 .LBB2_7-.Ltmp2, $1  }
0x2b: {  	_ =	sdelay $0x3  }
0x2c: {  	s14 =	simm.s32 $0x1  }
0x2d: {  	s14 =	simm.s32 @!p0 $0x0  }
0x2e: {  	s15 =	smul.u32 $0x320, s14  }
0x2f: {  	_ =	swait.ge [sflag:s7], $0xC8  }
0x30: {  	[sflag:s7] =	ssyncset.done $0x0;
	s17 =	sshrl.u32 s15, $0x2  }
0x31: {  	[sflag:s7] =	ssyncadd.s32 $0xFFFFFF38;
	s15 =	sadd.s32 $0x0, s17  }
0x32: {  	v1 =	vld.msk [tilespmem:s15+$0x0 ss:$0x1], $0xffff;
	_ =	sdelay $0x4  }
0x33: {  	v2 =	vand.u32 $0x1, v1;
	v3 =	vshll.u32 v1, $0x6  }
0x34: {  	vm2 =	veq.s32 v1, $0x80000000;
	vm3 =	veq.s32 v2, $0x1;
	v1 =	vand.u32 $0x3FFF80, v3  }
0x35: {  	v2 =	vsel vm3, $0x271000, v0;
	v1 =	vsel vm2, $0xFFFFFF80, v1  }
0x36: {  	v2 =	vsel vm2, $0xFFD8F000, v2;
	v3 =	vand.u32 $0xFFFFFC00, v1  }
0x37: {  	v1 =	vand.u32 $0x380, v1;
	v2 =	vadd.s32 v2, v3  }
0x38: {  	v1 =	vor.u32 v1, v2  }
0x39: {  	v1 =	vshrl.u32 v1, $0x3  }
0x3a: {  	s14 =	smul.u32 $0x19000, s14  }
0x3b: {  	s31 =	sand.u32 $0x1, s12  }
0x3c: {  	s16 =	smul.u32 $0x320, s31;
	s14 =	sshrl.u32 s14, $0x2  }
0x3d: {  	s19 =	smul.u32 $0x19000, s31;
	s14 =	sor.u32 $0x190, s14  }
0x3e: {  	[tilespmem:s14], [sflag:$0x1] =	stream.indirect_vreg.gather [hbm:s5], $0x80, v1, vm0, $0x38;
	[tilespmem:$0xC990] =	vst v63  }
0x3f: {  	s18 =	sshrl.u32 s16, $0x2;
	s20 =	sadd.s32 $0x10, s17;
	s15 =	sadd.s32 $0x400, s14  }
0x40: {  	[tilespmem:s15], [sflag:$0x1] =	stream.indirect_vreg.gather [hbm:s5], $0x80, v1, vm1, $0x38;
	[tilespmem:$0xC990] =	vst v63  }
0x41: {  	s16 =	sshrl.u32 s19, $0x2;
	s19 =	smov.u32 s14;
	v1 =	vld.msk [tilespmem:s20+$0x0 ss:$0x1], $0xffff;
	s20 =	simm.s32 $0x80  }
.LBB2_3:
0x42: {  	p1 =	sne.s32 s20, $0x2C0;
	_ =	sdelay $0x4  }
0x43: {  	v2 =	vand.u32 $0x1, v1;
	v3 =	vshll.u32 v1, $0x6  }
0x44: {  	vm2 =	veq.s32 v1, $0x80000000;
	vm3 =	veq.s32 v2, $0x1;
	v1 =	vand.u32 $0x3FFF80, v3  }
0x45: {  	v2 =	vsel vm3, $0x271000, v0;
	v1 =	vsel vm2, $0xFFFFFF80, v1  }
0x46: {  	v2 =	vsel vm2, $0xFFD8F000, v2;
	v3 =	vand.u32 $0xFFFFFC00, v1  }
0x47: {  	v1 =	vand.u32 $0x380, v1;
	v2 =	vadd.s32 v2, v3  }
0x48: {  	v1 =	vor.u32 v1, v2  }
0x49: {  	v1 =	vshrl.u32 v1, $0x3;
	_ =	sdelay $0x3  }
.Ltmp3:
0x4a: {  	s21 =	sshra.s32 s20, $0x2;
	s19 =	sadd.s32 $0x800, s19;
	(pc) =	sbr.rel @p1 .LBB2_3-.Ltmp3, $4  }
0x4b: {  	[tilespmem:s19], [sflag:$0x1] =	stream.indirect_vreg.gather [hbm:s5], $0x80, v1, vm0, $0x38;
	[tilespmem:$0xC990] =	vst v63  }
0x4c: {  	s21 =	sadd.s32 s21, s17;
	s22 =	sadd.s32 $0x400, s19  }
0x4d: {  	[tilespmem:s22], [sflag:$0x1] =	stream.indirect_vreg.gather [hbm:s5], $0x80, v1, vm1, $0x38;
	[tilespmem:$0xC990] =	vst v63  }
0x4e: {  	s20 =	sadd.s32 $0x40, s20;
	v1 =	vld.msk [tilespmem:s21+$0x0 ss:$0x1], $0xffff  }
0x4f: {  	_ =	sdelay $0x3  }
0x50: {  	v2 =	vand.u32 $0x1, v1;
	v3 =	vshll.u32 v1, $0x6  }
0x51: {  	vm2 =	veq.s32 v1, $0x80000000;
	vm3 =	veq.s32 v2, $0x1;
	v1 =	vand.u32 $0x3FFF80, v3  }
0x52: {  	v2 =	vsel vm3, $0x271000, v0;
	v1 =	vsel vm2, $0xFFFFFF80, v1  }
0x53: {  	v2 =	vsel vm2, $0xFFD8F000, v2;
	v3 =	vand.u32 $0xFFFFFC00, v1  }
0x54: {  	v1 =	vand.u32 $0x380, v1;
	v2 =	vadd.s32 v2, v3  }
0x55: {  	v1 =	vor.u32 v1, v2  }
0x56: {  	v1 =	vshrl.u32 v1, $0x3;
	_ =	sdelay $0x3  }
0x57: {  	s17 =	sadd.s32 $0x800, s19  }
0x58: {  	[tilespmem:s17], [sflag:$0x1] =	stream.indirect_vreg.gather [hbm:s5], $0x80, v1, vm0, $0x38;
	[tilespmem:$0xC990] =	vst v63  }
0x59: {  	s17 =	sadd.s32 $0x400, s17  }
0x5a: {  	[tilespmem:s17], [sflag:$0x1] =	stream.indirect_vreg.gather [hbm:s5], $0x80, v1, vm1, $0x38;
	[tilespmem:$0xC990] =	vst v63  }
0x5b: {  	v1 =	vld.msk [tilespmem:s18+$0xC0 ss:$0x1], $0xff;
	_ =	sdelay $0x4  }
0x5c: {  	v2 =	vand.u32 $0x1, v1;
	v3 =	vshll.u32 v1, $0x6  }
0x5d: {  	vm2 =	veq.s32 v1, $0x80000000;
	vm3 =	veq.s32 v2, $0x1;
	v1 =	vand.u32 $0x3FFF80, v3  }
0x5e: {  	v2 =	vsel vm3, $0x271000, v0;
	v1 =	vsel vm2, $0xFFFFFF80, v1  }
0x5f: {  	v2 =	vsel vm2, $0xFFD8F000, v2;
	v3 =	vand.u32 $0xFFFFFC00, v1  }
0x60: {  	v1 =	vand.u32 $0x380, v1;
	v2 =	vadd.s32 v2, v3  }
0x61: {  	v1 =	vor.u32 v1, v2  }
0x62: {  	v1 =	vshrl.u32 v1, $0x3;
	_ =	sdelay $0x3  }
0x63: {  	s16 =	sadd.s32 $0x6190, s16  }
0x64: {  	[tilespmem:s16], [sflag:$0x1] =	stream.indirect_vreg.gather [hbm:s5], $0x80, v1, vm0, $0x38;
	[tilespmem:$0xC990] =	vst v63  }
0x65: {  	s13 =	sshll.u32 s13, $0x4;
	_ =	swait.ge [sflag:s6], $0x6400  }
0x66: {  	s13 =	sadd.s32 s13, s9;
	[sflag:s6] =	ssyncset.done $0x0  }
0x67: {  	s17 =	sadd.s32 $0x0, s13;
	s16 =	simm.s32 $0x80;
	[sflag:s6] =	ssyncadd.s32 $0xFFFF9C00  }
.LBB2_5:
0x68: {  	[hbm:s17] =	stream.linear.scatter [tilespmem:s14], [sflag:$0x3], $0x400, $0x38;
	[tilespmem:$0xC990] =	vst v63  }
0x69: {  	s17 =	smov.u32 s16;
	s14 =	smov.u32 s15;
	p1 =	sne.s32 s16, $0xC00  }
.Ltmp4:
0x6a: {  	s16 =	sadd.s32 $0x80, s16;
	(pc) =	sbr.rel @p1 .LBB2_5-.Ltmp4, $2  }
0x6b: {  	_ =	sdelay $0x2  }
0x6c: {  	s15 =	sadd.s32 $0x400, s15;
	s17 =	sadd.s32 s17, s13  }
.Ltmp5:
0x6d: {  	_ = 	snop;
	(pc) =	sbr.rel .LBB2_6-.Ltmp5, $1  }
0x6e: {  	_ =	sdelay $0x3  }
.LBB2_8:
0x6f: {  	_ =	sfence.sel $0x180000  }
0x70: {  	s1 =	simm.s32 $0x2;
	[bflag:$0x0] =	sbarrier.arrive $0xFFFF  }
0x71: {  	s30 =	simm.s32 $0x3;
	[sflag:s1] =	ssyncpa.u1 $0x1  }
0x72: {  	s31 =	simm.s32 $0x1;
	[sflag:s30] =	ssyncpa.u1 $0x1  }
0x73: {  	[sflag:s31] =	ssyncpa.u1 $0x1  }
0x74: {  	p0 =	sne.s32 s0, $0x0;
	_ =	strace $0x90000047  }
0x75: {  	s0 =	sadd.s32 @!p0 $0x100000, s2;
	[bflag:$0x2] =	sbarrier.arrive $0xFFFF  }
0x76: {  	[sflag:s0] =	ssyncadd.tile.s32 @!p0 $0x1;
	_ =	shalt  }
.Lfunc_end2:
_tile_overlayer_lowered:
.L_overlay_start_2:
0x77: {  	(tag) =	ssettag $0x2  }
0x78: {  	s0 =	rddreg [dreg:$0x0];
	s2 =	stileid.u32  }
0x79: {  	s1 =	rddreg [dreg:$0x1];
	p0 =	sne.s32 s2, $0x0  }
0x7a: {  	s3 =	rddreg [dreg:$0x2];
	[bflag:$0x3] =	sbarrier.arrive $0xFFFF;
	s2 =	simm.s32 @!p0 $0x1C01  }
0x7b: {  	[timem:s3], [sflag:s2] =	dma.local @!p0 [hbm:s0], s1  }
0x7c: {  	s0 =	simm.s32 @!p0 $0x1  }
0x7d: {  	_ =	swait.ge @!p0 [sflag:s0], s1  }
0x7e: {  	s1 =	ssub.s32 @!p0 $0x0, s1;
	[sflag:s0] =	ssyncset.done @!p0 $0x0  }
0x7f: {  	[sflag:s0] =	ssyncadd.s32 @!p0 s1  }
0x80: {  	[bflag:$0x3] =	sbarrier.arrive $0xFFFF  }
0x81: {  	_ =	shalt  }

// kernel: gather_offload_async_start
scs
__scs_entry_jumppad:
0x0: {  	(pc) =	sbr.rel $0x88, $3  }
0x1: {  	(tag) =	ssettag $0x0;
	lr =	simm.s32 $0x1  }
0x2: {  	[smem:$0x3F9E] =	sst lr;
	_ =	strace $0xD0000000  }
0x3: {  	_ = 	snop  }
0x4: {  	_ = 	snop  }
0x5: {  	_ = 	snop  }
0x6: {  	_ = 	snop  }
0x7: {  	_ = 	snop  }
__scs_overlays_trampoline_lowered:
0x8: {  	[smem:$0x3FAD] =	sst s0  }
0x9: {  	[smem:$0x3FAE] =	sst s1  }
0xa: {  	[smem:$0x3FAF] =	sst s2  }
0xb: {  	[smem:$0x3FB0] =	sst s3  }
0xc: {  	[smem:$0x3FB1] =	sst s4  }
0xd: {  	[smem:$0x3FB2] =	sst s5  }
0xe: {  	[smem:$0x3FB3] =	sst s6  }
0xf: {  	[smem:$0x3FB4] =	sst s7  }
0x10: {  	[smem:$0x3FB5] =	sst s8  }
0x11: {  	[smem:$0x3FB6] =	sst s9;
	s0 =	simm.s32 @!p0 $0x0  }
0x12: {  	s1 =	sld [smem:$0x3F9C];
	s0 =	simm.s32 @p0 $0x1  }
0x13: {  	[smem:$0x3FB7] =	sst s0;
	s0 =	simm.s32 @!p1 $0x0  }
0x14: {  	s2 =	sld [smem:$0x3F9B];
	s0 =	simm.s32 @p1 $0x1  }
0x15: {  	[smem:$0x3FB8] =	sst s0;
	s0 =	simm.s32 @!p2 $0x0  }
0x16: {  	s3 =	sld [smem:$0x3FDB];
	s0 =	simm.s32 @p2 $0x1  }
0x17: {  	s4 =	simm.s32 $0x1BF5;
	[smem:$0x3FBA] =	sst s0  }
0x18: {  	s0 =	sld [smem:$0x3F9D];
	_ =	swait.ge [sflag:s4], $0x0  }
0x19: {  	s7 =	sld [smem:$0x3F9E]  }
0x1a: {  	s8 =	sadd.s32 $0xFFFFE003, lr  }
0x1b: {  	s9 =	sadd.s32 $0xFFFFFEF7, lr;
	s5 =	simm.s32 $0xFFFFFFFF;
	p2 =	slt.u32 s8, $0xFFFFF086  }
0x1c: {  	p1 =	slt.u32 s9, $0xF7A;
	s5 =	simm.s32 @!p2 $0x0  }
0x1d: {  	s5 =	simm.s32 @p1 $0x1;
	p0 =	seq.s32 s7, s2  }
0x1e: {  	s7 =	smul.u32 @!p0 $0xF7A, s2;
	p2 =	seq.s32 @!p0 s5, $0x0  }
0x1f: {  	s9 =	smul.u32 $0xF7A, s1;
	s8 =	simm.s32 @!p0 $0x1BF5;
	p2 =	por !p2, p0  }
0x20: {  	[sflag:s8] =	ssyncset.s32 @!p0 $0xFFFFF086;
	s6 =	sadd.s32 @!p0 s3, s7;
	s7 =	simm.s32 @!p0 $0x108  }
0x21: {  	s3 =	sadd.s32 s3, s9;
	s6 =	sadd.s32 @!p0 $0x88, s6;
	s7 =	simm.s32 @p2 $0x1082  }
0x22: {  	[simem:s7], [sflag:s8] =	dma.local @!p0 [hbm:s6], $0xF7A  }
0x23: {  	s9 =	sor.u32 $0xD0000000, s2;
	s6 =	simm.s32 $0x108;
	_ =	swait.ge @!p0 [sflag:s8], $0x0  }
0x24: {  	s3 =	sadd.s32 $0x88, s3;
	s6 =	simm.s32 @!p1 $0x1082;
	[sflag:s4] =	ssyncset.s32 $0xFFFFF086  }
0x25: {  	[simem:s6], [sflag:s4] =	dma.local [hbm:s3], $0xF7A  }
0x26: {  	[smem:$0x3F9E] =	sst s1;
	(tag) =	ssettag s2;
	_ =	strace s9  }
0x27: {  	s1 =	sld [smem:$0x3FAE]  }
0x28: {  	s2 =	sld [smem:$0x3FAF]  }
0x29: {  	s4 =	sld [smem:$0x3FB1]  }
0x2a: {  	p0 =	seq.s32 s5, $0x0;
	s5 =	sld [smem:$0x3FB2]  }
0x2b: {  	s6 =	sld [smem:$0x3FB3]  }
0x2c: {  	s7 =	sld [smem:$0x3FB4]  }
0x2d: {  	s3 =	simm.s32 $0x108;
	s8 =	sld [smem:$0x3FB5]  }
0x2e: {  	s3 =	simm.s32 @!p0 $0x1082;
	s9 =	sld [smem:$0x3FB6]  }
0x2f: {  	lr =	sadd.s32 s0, s3;
	s0 =	sld [smem:$0x3FAD]  }
0x30: {  	s3 =	sld [smem:$0x3FB0]  }
0x31: {  	[smem:$0x3FB9] =	sst s10  }
0x32: {  	s10 =	sld [smem:$0x3FB7];
	_ =	sdelay $0x3  }
0x33: {  	p0 =	seq.s32 s10, $0x1;
	s10 =	sld [smem:$0x3FB9];
	_ =	sdelay $0x3  }
0x34: {  	[smem:$0x3FB9] =	sst s10  }
0x35: {  	s10 =	sld [smem:$0x3FB8];
	_ =	sdelay $0x3  }
0x36: {  	p1 =	seq.s32 s10, $0x1;
	s10 =	sld [smem:$0x3FB9];
	_ =	sdelay $0x3  }
0x37: {  	[smem:$0x3FB9] =	sst s10  }
0x38: {  	s10 =	sld [smem:$0x3FBA]  }
0x39: {  	_ = 	snop;
	(pc) =	sbr.ind lr, $3  }
0x3a: {  	_ = 	snop  }
0x3b: {  	_ = 	snop  }
0x3c: {  	p2 =	seq.s32 s10, $0x1;
	s10 =	sld [smem:$0x3FB9]  }
0x3d: {  	_ =	shalt  }
0x3e: {  	_ =	shalt  }
0x3f: {  	_ =	shalt  }
0x40: {  	_ =	shalt  }
0x41: {  	_ =	shalt  }
0x42: {  	_ =	shalt  }
0x43: {  	_ =	shalt  }
0x44: {  	_ =	shalt  }
0x45: {  	_ =	shalt  }
0x46: {  	_ =	shalt  }
0x47: {  	_ =	shalt  }
0x48: {  	_ =	shalt  }
0x49: {  	_ =	shalt  }
0x4a: {  	_ =	shalt  }
0x4b: {  	_ =	shalt  }
0x4c: {  	_ =	shalt  }
0x4d: {  	_ =	shalt  }
0x4e: {  	_ =	shalt  }
0x4f: {  	_ =	shalt  }
0x50: {  	_ =	shalt  }
0x51: {  	_ =	shalt  }
0x52: {  	_ =	shalt  }
0x53: {  	_ =	shalt  }
0x54: {  	_ =	shalt  }
0x55: {  	_ =	shalt  }
0x56: {  	_ =	shalt  }
0x57: {  	_ =	shalt  }
0x58: {  	_ =	shalt  }
0x59: {  	_ =	shalt  }
0x5a: {  	_ =	shalt  }
0x5b: {  	_ =	shalt  }
0x5c: {  	_ =	shalt  }
0x5d: {  	_ =	shalt  }
0x5e: {  	_ =	shalt  }
0x5f: {  	_ =	shalt  }
0x60: {  	_ =	shalt  }
0x61: {  	_ =	shalt  }
0x62: {  	_ =	shalt  }
0x63: {  	_ =	shalt  }
0x64: {  	_ =	shalt  }
0x65: {  	_ =	shalt  }
0x66: {  	_ =	shalt  }
0x67: {  	_ =	shalt  }
0x68: {  	_ =	shalt  }
0x69: {  	_ =	shalt  }
0x6a: {  	_ =	shalt  }
0x6b: {  	_ =	shalt  }
0x6c: {  	_ =	shalt  }
0x6d: {  	_ =	shalt  }
0x6e: {  	_ =	shalt  }
0x6f: {  	_ =	shalt  }
0x70: {  	_ =	shalt  }
0x71: {  	_ =	shalt  }
0x72: {  	_ =	shalt  }
0x73: {  	_ =	shalt  }
0x74: {  	_ =	shalt  }
0x75: {  	_ =	shalt  }
0x76: {  	_ =	shalt  }
0x77: {  	_ =	shalt  }
0x78: {  	_ =	shalt  }
0x79: {  	_ =	shalt  }
0x7a: {  	_ =	shalt  }
0x7b: {  	_ =	shalt  }
0x7c: {  	_ =	shalt  }
0x7d: {  	_ =	shalt  }
0x7e: {  	_ =	shalt  }
0x7f: {  	_ =	shalt  }
0x80: {  	_ =	shalt  }
0x81: {  	_ =	shalt  }
0x82: {  	_ =	shalt  }
0x83: {  	_ =	shalt  }
0x84: {  	_ =	shalt  }
0x85: {  	_ =	shalt  }
0x86: {  	_ =	shalt  }
0x87: {  	_ =	shalt  }
.Lfunc_end0:
.L_simem_size_0:
called_computation_lowered:
.L_overlay_start_0:
0x88: {  	s2 =	sld [smem:$0x3FD9]  }
0x89: {  	s3 =	sld [smem:$0x3FFE];
	_ =	sdelay $0x1  }
0x8a: {  	s1 =	srdreg.scid  }
0x8b: {  	s0 =	sand.u32 $0x1, s1  }
0x8c: {  	s17 =	sshll.u32 s0, $0xA;
	s2 =	sadd.s32 s3, s2  }
0x8d: {  	s2 =	sadd.s32 s2, s17  }
0x8e: {  	[smem:$0x3FC5] =	sst s2  }
0x8f: {  	_ = 	snop  }
0x90: {  	(tm) =	ssettm $0x1  }
0x91: {  	s18 =	sld [smem:$0x3FFB];
	_ =	sdelay $0x3  }
0x92: {  	_ =	strace s18  }
0x93: {  	s2 =	sld [smem:$0x3FFC];
	_ =	sdelay $0x3  }
0x94: {  	_ =	strace s2  }
0x95: {  	s2 =	sld [smem:$0x3FFD];
	_ =	sdelay $0x3  }
0x96: {  	_ =	strace s2  }
0x97: {  	_ =	strace $0x8FFFFFFF  }
0x98: {  	s19 =	sld [smem:$0x3FDB];
	_ =	sdelay $0x1  }
0x99: {  	s20 =	simm.s32 $_scs_section_size  }
0x9a: {  	s4 =	simm.s32 $_size__tile_overlayer_lowered;
	s5 =	simm.s32 $_tile_overlayer_lowered  }
0x9b: {  	s6 =	simm.s32 $0x1BFF;
	s21 =	sshll.u32 s5, $0x1;
	s3 =	sadd.s32 s20, s19  }
0x9c: {  	s22 =	simm.s32 $0x0;
	s4 =	sshll.u32 s4, $0x1;
	s5 =	sadd.s32 s21, s3  }
0x9d: {  	[timem:s22], [sflag:s6] =	dma.local [hbm:s5], s4  }
0x9e: {  	_ =	swait.ge [sflag:s6], s4  }
0x9f: {  	s4 =	ssub.s32 $0x0, s4;
	[sflag:s6] =	ssyncset.done $0x0  }
0xa0: {  	[sflag:s6] =	ssyncadd.s32 s4;
	_ =	sdelay $0x1  }
0xa1: {  	s23 =	simm.s32 $0x1B8B  }
0xa2: {  	_ =	swait.ge [sflag:s23], $0x1  }
0xa3: {  	[sflag:s23] =	ssyncset.done $0x0  }
0xa4: {  	[sflag:s23] =	ssyncadd.s32 $0xFFFFFFFF  }
0xa5: {  	s4 =	sld [smem:$0x0]  }
0xa6: {  	s5 =	sand.u32 $0xFFFFFFFE, s1  }
0xa7: {  	p0 =	sne.s32 s1, s5  }
0xa8: {  	s5 =	sshll.u32 @p0 s5, $0xE  }
0xa9: {  	s5 =	sadd.s32 @p0 $0x11B8D, s5;
	s6 =	sshll.u32 @p0 s4, $0x11  }
0xaa: {  	s5 =	sor.u32 @p0 s6, s5  }
0xab: {  	[sflag:s5] =	ssyncadd.remote.s32 @p0 $0x1;
	_ =	sdelay $0x1  }
0xac: {  	s5 =	simm.s32 @p0 $0x1B8D  }
0xad: {  	_ =	swait.eq @p0 [sflag:s5], $0x1  }
0xae: {  	[sflag:s5] =	ssyncadd.s32 @p0 $0xFFFFFFFF  }
0xaf: {  	s6 =	sshll.u32 @!p0 s1, $0xE  }
0xb0: {  	s6 =	sor.u32 @!p0 $0x4000, s6;
	s5 =	simm.s32 @!p0 $0x1B8D  }
0xb1: {  	s4 =	sshll.u32 @!p0 s4, $0x11;
	s6 =	sadd.s32 @!p0 $0x11B8D, s6;
	_ =	swait.eq @!p0 [sflag:s5], $0x1  }
0xb2: {  	s4 =	sor.u32 @!p0 s4, s6;
	[sflag:s5] =	ssyncadd.s32 @!p0 $0xFFFFFFFF  }
0xb3: {  	s25 =	simm.s32 $0x1B8E;
	s24 =	sld [smem:$0x3FFE];
	[sflag:s4] =	ssyncadd.remote.s32 @!p0 $0x1  }
0xb4: {  	s26 =	simm.s32 $execute0_lowered;
	[smem:$0x3FD2] =	sst s25  }
0xb5: {  	s5 =	sshll.u32 s26, $0x1;
	_ =	strace $0x80000049;
	[dreg:$0x1] =	wrdreg $0xFFFFFFFF  }
0xb6: {  	s28 =	simm.s32 $_size_execute0_lowered;
	s3 =	sadd.s32 s3, s5;
	[dreg:$0x0] =	wrdreg $0x0  }
0xb7: {  	s5 =	sshll.u32 s28, $0x1;
	[dreg:$0x2] =	wrdreg s3  }
0xb8: {  	[dreg:$0x3] =	wrdreg s5  }
0xb9: {  	[dreg:$0x4] =	wrdreg $0xC0  }
0xba: {  	_ =	task [dreg:s22], $0x5FFFF  }
0xbb: {  	[dreg:$0x1] =	wrdreg $0xFFFFFFFF  }
0xbc: {  	[dreg:$0x0] =	wrdreg $0x60  }
0xbd: {  	[dreg:$0x2] =	wrdreg s24  }
0xbe: {  	[dreg:$0x3] =	wrdreg $0x9  }
0xbf: {  	_ =	task.clear_ibuf [dreg:s22], $0x4FFFF;
	_ =	strace $0x90000049  }
0xc0: {  	s29 =	simm.s32 $0x9;
	_ =	strace $0x8000004B  }
0xc1: {  	_ =	swait.ge [sflag:s29], $0x1  }
0xc2: {  	[sflag:s29] =	ssyncadd.s32 $0xFFFFFFFF  }
0xc3: {  	_ =	strace $0x9000004B  }
0xc4: {  	_ =	sfence  }
0xc5: {  	s30 =	sld [smem:$0x0];
	_ =	sdelay $0x2  }
0xc6: {  	s31 =	sshll.u32 s1, $0xD;
	s1 =	sshrl.u32 s1, $0x2  }
0xc7: {  	s4 =	sand.u32 $0x4000, s31;
	s1 =	sadd.s32 s1, s30  }
0xc8: {  	s0 =	sor.u32 s4, s0;
	s1 =	sshll.u32 s1, $0x11  }
0xc9: {  	s0 =	sor.u32 s1, s0  }
0xca: {  	s0 =	sadd.s32 $0x8F2B, s0  }
0xcb: {  	[sflag:s0] =	ssyncadd.remote.s32 $0x1  }
0xcc: {  	_ =	sfence.sel $0xFFFF  }
0xcd: {  	[dreg:$0x0] =	wrdreg $0xFFFFFFFF;
	(pc) =	sbr.abs _section_cstart, $3  }
0xce: {  	[dreg:$0x1] =	wrdreg $0xFFFFFFFF  }
0xcf: {  	_ =	task.clear_ibuf [dreg:s22], $0x2FFFF;
	_ =	strace $0x9FFFFFFF  }
0xd0: {  	(tm) =	ssettm $0x7FFFFFFF  }
0xd1: {  	_ =	shalt  }
tec
execute0_lowered:
.L_overlay_start_1:
0x0: {  	(tag) =	ssettag $0x1  }
0x1: {  	s0 =	srdreg.scid  }
0x2: {  	s1 =	sshll.u32 s0, $0x4  }
0x3: {  	s0 =	stileid.u32;
	s1 =	sand.u32 $0x10, s1  }
0x4: {  	s2 =	sor.u32 s0, s1  }
0x5: {  	s1 =	smin.u32 s2, $0x1C  }
0x6: {  	s1 =	sadd.s32 s2, s1  }
0x7: {  	p0 =	slt.u32 s2, $0x1C;
	s2 =	simm.s32 $0x190;
	s1 =	smul.u32 $0xC8, s1  }
0x8: {  	s2 =	simm.s32 @!p0 $0xC8  }
0x9: {  	s2 =	sadd.s32 s2, s1  }
0xa: {  	s3 =	smin.u32 s2, $0x2EE0  }
0xb: {  	s7 =	ssub.s32 s3, s1  }
0xc: {  	p0 =	sgt.s32 s7, $0x0  }
0xd: {  	s7 =	simm.s32 @!p0 $0x0  }
0xe: {  	s31 =	sand.u32 $0xFFF8, s7  }
0xf: {  	s2 =	sshrl.u32 s31, $0x3  }
0x10: {  	s2 =	smul.u32 $0x147B, s2  }
0x11: {  	s4 =	rddreg [dreg:$0x0];
	s6 =	simm.s32 $0x1  }
0x12: {  	s10 =	simm.s32 $0x3;
	s13 =	simm.s32 $0x0;
	s8 =	sshrl.u32 s2, $0x11  }
0x13: {  	s12 =	simm.s32 $0x0;
	s5 =	sadd.s32 $0xCB800, s4;
	s9 =	smul.u32 $0xC8, s8  }
.Ltmp0:
0x14: {  	s11 =	smov.u32 s1;
	s2 =	rddreg [dreg:$0x1];
	(pc) =	sbr.rel .LBB2_1-.Ltmp0, $4  }
0x15: {  	_ =	strace $0x8000004A;
	p0 =	sne.s32 s7, s9;
	s9 =	simm.s32 $0x1  }
0x16: {  	[sflag:s6] =	ssyncpa.u1 $0x0;
	s7 =	simm.s32 $0x2;
	s9 =	simm.s32 @!p0 $0x0  }
0x17: {  	[sflag:s7] =	ssyncpa.u1 $0x0;
	p0 =	por $0x0, $0x0;
	s8 =	sadd.s32 s8, s9  }
0x18: {  	v0 =	vimm.s32 $0x0;
	vm0 =	vmmov $0xff;
	vm1 =	vcmask $0x3F20;
	s9 =	sadd.s32 $0x167C00, s4;
	[sflag:s10] =	ssyncpa.u1 $0x0;
	s10 =	sadd.s32 $0x1, s8  }
.LBB2_6:
0x19: {  	[hbm:s17] =	stream.linear.scatter [tilespmem:s14], [sflag:$0x3], $0x400, $0x38;
	[tilespmem:$0xC990] =	vst v63  }
.LBB2_7:
0x1a: {  	s13 =	sadd.s32 $0xC8, s11  }
0x1b: {  	s15 =	smov.u32 s1;
	p2 =	slt.s32 s13, s3  }
0x1c: {  	s15 =	smov.u32 @p2 s13;
	p2 =	sne.s32 s12, s10  }
.Ltmp1:
0x1d: {  	p1 =	slt.u32 s12, $0x2;
	(pc) =	sbr.rel @!p2 .LBB2_8-.Ltmp1, $4  }
0x1e: {  	s14 =	simm.s32 @!p1 $0x3  }
0x1f: {  	s16 =	sadd.s32 $0x1, s12;
	_ =	swait.ge @!p1 [sflag:s14], $0x6400  }
0x20: {  	p0 =	por !p0, !p0;
	s13 =	smov.u32 s11;
	[sflag:s14] =	ssyncset.done @!p1 $0x0  }
0x21: {  	s12 =	smov.u32 s16;
	s11 =	smov.u32 s15;
	[sflag:s14] =	ssyncadd.s32 @!p1 $0xFFFF9C00  }
.LBB2_1:
0x22: {  	p1 =	sge.u32 s12, s8  }
0x23: {  	s14 =	sxor.u32 @!p1 $0xFFFFFFFF, s12  }
0x24: {  	s14 =	sand.u32 @!p1 $0x1, s14  }
0x25: {  	s14 =	smul.u32 @!p1 $0x320, s14  }
0x26: {  	s31 =	sadd.s32 $0xFFFFFFFF, s12;
	s15 =	sshrl.u32 @!p1 s11, $0x3  }
0x27: {  	s16 =	sand.u32 @!p1 $0x7, s11;
	s15 =	sadd.s32 @!p1 s4, s15;
	s14 =	sshrl.u32 @!p1 s14, $0x2  }
0x28: {  	[tilespmem:s14], [sflag:$0x2] =	stream.linear.gather @!p1 [hbm4b:s15+s16], $0xC8, $0x38;
	[tilespmem:$0xC990] =	vst v63  }
0x29: {  	p1 =	sge.u32 s31, s8  }
.Ltmp2:
0x2a: {  	_ = 	snop;
	(pc) =	sbr.rel @p1 .LBB2_7-.Ltmp2, $1  }
0x2b: {  	_ =	sdelay $0x3  }
0x2c: {  	s14 =	simm.s32 $0x1  }
0x2d: {  	s14 =	simm.s32 @!p0 $0x0  }
0x2e: {  	s15 =	smul.u32 $0x320, s14  }
0x2f: {  	_ =	swait.ge [sflag:s7], $0xC8  }
0x30: {  	[sflag:s7] =	ssyncset.done $0x0;
	s17 =	sshrl.u32 s15, $0x2  }
0x31: {  	[sflag:s7] =	ssyncadd.s32 $0xFFFFFF38;
	s15 =	sadd.s32 $0x0, s17  }
0x32: {  	v1 =	vld.msk [tilespmem:s15+$0x0 ss:$0x1], $0xffff;
	_ =	sdelay $0x4  }
0x33: {  	v2 =	vand.u32 $0x1, v1;
	v3 =	vshll.u32 v1, $0x6  }
0x34: {  	vm2 =	veq.s32 v1, $0x80000000;
	vm3 =	veq.s32 v2, $0x1;
	v1 =	vand.u32 $0x3FFF80, v3  }
0x35: {  	v2 =	vsel vm3, $0x271000, v0;
	v1 =	vsel vm2, $0xFFFFFF80, v1  }
0x36: {  	v2 =	vsel vm2, $0xFFD8F000, v2;
	v3 =	vand.u32 $0xFFFFFC00, v1  }
0x37: {  	v1 =	vand.u32 $0x380, v1;
	v2 =	vadd.s32 v2, v3  }
0x38: {  	v1 =	vor.u32 v1, v2  }
0x39: {  	v1 =	vshrl.u32 v1, $0x3  }
0x3a: {  	s14 =	smul.u32 $0x19000, s14  }
0x3b: {  	s31 =	sand.u32 $0x1, s12  }
0x3c: {  	s16 =	smul.u32 $0x320, s31;
	s14 =	sshrl.u32 s14, $0x2  }
0x3d: {  	s19 =	smul.u32 $0x19000, s31;
	s14 =	sor.u32 $0x190, s14  }
0x3e: {  	[tilespmem:s14], [sflag:$0x1] =	stream.indirect_vreg.gather [hbm:s5], $0x80, v1, vm0, $0x38;
	[tilespmem:$0xC990] =	vst v63  }
0x3f: {  	s18 =	sshrl.u32 s16, $0x2;
	s20 =	sadd.s32 $0x10, s17;
	s15 =	sadd.s32 $0x400, s14  }
0x40: {  	[tilespmem:s15], [sflag:$0x1] =	stream.indirect_vreg.gather [hbm:s5], $0x80, v1, vm1, $0x38;
	[tilespmem:$0xC990] =	vst v63  }
0x41: {  	s16 =	sshrl.u32 s19, $0x2;
	s19 =	smov.u32 s14;
	v1 =	vld.msk [tilespmem:s20+$0x0 ss:$0x1], $0xffff;
	s20 =	simm.s32 $0x80  }
.LBB2_3:
0x42: {  	p1 =	sne.s32 s20, $0x2C0;
	_ =	sdelay $0x4  }
0x43: {  	v2 =	vand.u32 $0x1, v1;
	v3 =	vshll.u32 v1, $0x6  }
0x44: {  	vm2 =	veq.s32 v1, $0x80000000;
	vm3 =	veq.s32 v2, $0x1;
	v1 =	vand.u32 $0x3FFF80, v3  }
0x45: {  	v2 =	vsel vm3, $0x271000, v0;
	v1 =	vsel vm2, $0xFFFFFF80, v1  }
0x46: {  	v2 =	vsel vm2, $0xFFD8F000, v2;
	v3 =	vand.u32 $0xFFFFFC00, v1  }
0x47: {  	v1 =	vand.u32 $0x380, v1;
	v2 =	vadd.s32 v2, v3  }
0x48: {  	v1 =	vor.u32 v1, v2  }
0x49: {  	v1 =	vshrl.u32 v1, $0x3;
	_ =	sdelay $0x3  }
.Ltmp3:
0x4a: {  	s21 =	sshra.s32 s20, $0x2;
	s19 =	sadd.s32 $0x800, s19;
	(pc) =	sbr.rel @p1 .LBB2_3-.Ltmp3, $4  }
0x4b: {  	[tilespmem:s19], [sflag:$0x1] =	stream.indirect_vreg.gather [hbm:s5], $0x80, v1, vm0, $0x38;
	[tilespmem:$0xC990] =	vst v63  }
0x4c: {  	s21 =	sadd.s32 s21, s17;
	s22 =	sadd.s32 $0x400, s19  }
0x4d: {  	[tilespmem:s22], [sflag:$0x1] =	stream.indirect_vreg.gather [hbm:s5], $0x80, v1, vm1, $0x38;
	[tilespmem:$0xC990] =	vst v63  }
0x4e: {  	s20 =	sadd.s32 $0x40, s20;
	v1 =	vld.msk [tilespmem:s21+$0x0 ss:$0x1], $0xffff  }
0x4f: {  	_ =	sdelay $0x3  }
0x50: {  	v2 =	vand.u32 $0x1, v1;
	v3 =	vshll.u32 v1, $0x6  }
0x51: {  	vm2 =	veq.s32 v1, $0x80000000;
	vm3 =	veq.s32 v2, $0x1;
	v1 =	vand.u32 $0x3FFF80, v3  }
0x52: {  	v2 =	vsel vm3, $0x271000, v0;
	v1 =	vsel vm2, $0xFFFFFF80, v1  }
0x53: {  	v2 =	vsel vm2, $0xFFD8F000, v2;
	v3 =	vand.u32 $0xFFFFFC00, v1  }
0x54: {  	v1 =	vand.u32 $0x380, v1;
	v2 =	vadd.s32 v2, v3  }
0x55: {  	v1 =	vor.u32 v1, v2  }
0x56: {  	v1 =	vshrl.u32 v1, $0x3;
	_ =	sdelay $0x3  }
0x57: {  	s17 =	sadd.s32 $0x800, s19  }
0x58: {  	[tilespmem:s17], [sflag:$0x1] =	stream.indirect_vreg.gather [hbm:s5], $0x80, v1, vm0, $0x38;
	[tilespmem:$0xC990] =	vst v63  }
0x59: {  	s17 =	sadd.s32 $0x400, s17  }
0x5a: {  	[tilespmem:s17], [sflag:$0x1] =	stream.indirect_vreg.gather [hbm:s5], $0x80, v1, vm1, $0x38;
	[tilespmem:$0xC990] =	vst v63  }
0x5b: {  	v1 =	vld.msk [tilespmem:s18+$0xC0 ss:$0x1], $0xff;
	_ =	sdelay $0x4  }
0x5c: {  	v2 =	vand.u32 $0x1, v1;
	v3 =	vshll.u32 v1, $0x6  }
0x5d: {  	vm2 =	veq.s32 v1, $0x80000000;
	vm3 =	veq.s32 v2, $0x1;
	v1 =	vand.u32 $0x3FFF80, v3  }
0x5e: {  	v2 =	vsel vm3, $0x271000, v0;
	v1 =	vsel vm2, $0xFFFFFF80, v1  }
0x5f: {  	v2 =	vsel vm2, $0xFFD8F000, v2;
	v3 =	vand.u32 $0xFFFFFC00, v1  }
0x60: {  	v1 =	vand.u32 $0x380, v1;
	v2 =	vadd.s32 v2, v3  }
0x61: {  	v1 =	vor.u32 v1, v2  }
0x62: {  	v1 =	vshrl.u32 v1, $0x3;
	_ =	sdelay $0x3  }
0x63: {  	s16 =	sadd.s32 $0x6190, s16  }
0x64: {  	[tilespmem:s16], [sflag:$0x1] =	stream.indirect_vreg.gather [hbm:s5], $0x80, v1, vm0, $0x38;
	[tilespmem:$0xC990] =	vst v63  }
0x65: {  	s13 =	sshll.u32 s13, $0x4;
	_ =	swait.ge [sflag:s6], $0x6400  }
0x66: {  	s13 =	sadd.s32 s13, s9;
	[sflag:s6] =	ssyncset.done $0x0  }
0x67: {  	s17 =	sadd.s32 $0x0, s13;
	s16 =	simm.s32 $0x80;
	[sflag:s6] =	ssyncadd.s32 $0xFFFF9C00  }
.LBB2_5:
0x68: {  	[hbm:s17] =	stream.linear.scatter [tilespmem:s14], [sflag:$0x3], $0x400, $0x38;
	[tilespmem:$0xC990] =	vst v63  }
0x69: {  	s17 =	smov.u32 s16;
	s14 =	smov.u32 s15;
	p1 =	sne.s32 s16, $0xC00  }
.Ltmp4:
0x6a: {  	s16 =	sadd.s32 $0x80, s16;
	(pc) =	sbr.rel @p1 .LBB2_5-.Ltmp4, $2  }
0x6b: {  	_ =	sdelay $0x2  }
0x6c: {  	s15 =	sadd.s32 $0x400, s15;
	s17 =	sadd.s32 s17, s13  }
.Ltmp5:
0x6d: {  	_ = 	snop;
	(pc) =	sbr.rel .LBB2_6-.Ltmp5, $1  }
0x6e: {  	_ =	sdelay $0x3  }
.LBB2_8:
0x6f: {  	_ =	sfence.sel $0x180000  }
0x70: {  	s1 =	simm.s32 $0x2;
	[bflag:$0x0] =	sbarrier.arrive $0xFFFF  }
0x71: {  	s30 =	simm.s32 $0x3;
	[sflag:s1] =	ssyncpa.u1 $0x1  }
0x72: {  	s31 =	simm.s32 $0x1;
	[sflag:s30] =	ssyncpa.u1 $0x1  }
0x73: {  	[sflag:s31] =	ssyncpa.u1 $0x1  }
0x74: {  	p0 =	sne.s32 s0, $0x0;
	_ =	strace $0x9000004A  }
0x75: {  	s0 =	sadd.s32 @!p0 $0x100000, s2;
	[bflag:$0x2] =	sbarrier.arrive $0xFFFF  }
0x76: {  	[sflag:s0] =	ssyncadd.tile.s32 @!p0 $0x1;
	_ =	shalt  }
.Lfunc_end2:
_tile_overlayer_lowered:
.L_overlay_start_2:
0x77: {  	(tag) =	ssettag $0x2  }
0x78: {  	s0 =	rddreg [dreg:$0x0];
	s2 =	stileid.u32  }
0x79: {  	s1 =	rddreg [dreg:$0x1];
	p0 =	sne.s32 s2, $0x0  }
0x7a: {  	s3 =	rddreg [dreg:$0x2];
	[bflag:$0x3] =	sbarrier.arrive $0xFFFF;
	s2 =	simm.s32 @!p0 $0x1C01  }
0x7b: {  	[timem:s3], [sflag:s2] =	dma.local @!p0 [hbm:s0], s1  }
0x7c: {  	s0 =	simm.s32 @!p0 $0x1  }
0x7d: {  	_ =	swait.ge @!p0 [sflag:s0], s1  }
0x7e: {  	s1 =	ssub.s32 @!p0 $0x0, s1;
	[sflag:s0] =	ssyncset.done @!p0 $0x0  }
0x7f: {  	[sflag:s0] =	ssyncadd.s32 @!p0 s1  }
0x80: {  	[bflag:$0x3] =	sbarrier.arrive $0xFFFF  }
0x81: {  	_ =	shalt  }

</sc_bundles>
